<compile_context>
chip_gen: v7x
topology: tpu7x:2x2x1
jax: 0.10.2.dev20260603
libtpu: 0.0.44.dev20260713+nightly
codegen_flags: <defaults>
</compile_context>

<pallas_src>
import functools

import jax
import jax.numpy as jnp
from jax import lax
from jax.experimental import pallas as pl
from jax.experimental.pallas import tpu as pltpu
from jax.experimental.pallas import tpu_sc as plsc

N = 10000
E = 320000
G = 128
C = 128

NC = 2
NS = 16
NW = NC * NS
EPW = E // NW
CHUNK = 128
NCH = 80
EPW_PAD = NCH * CHUNK
GRP = 8
NG = NCH // GRP
AGG_ROWS = 10240
SLAB = AGG_ROWS // NS
DUMMY = N

BLK = 2000
NBLKS = N // BLK


def _mesh():
    return plsc.VectorSubcoreMesh(core_axis_name="c", subcore_axis_name="s")


def _sc_degree(dst_pad):

    @functools.partial(
        pl.kernel,
        out_type=jax.ShapeDtypeStruct((NC, AGG_ROWS, 16), jnp.float32),
        mesh=_mesh(),
        scratch_types=[
            pltpu.VMEM((NCH, CHUNK), jnp.int32),
            pltpu.VMEM((CHUNK, 16), jnp.float32),
            pltpu.VMEM_SHARED((AGG_ROWS, 16), jnp.float32),
        ],
    )
    def body(dst_hbm, out_hbm, didx, buf, hist):
        c = lax.axis_index("c")
        s = lax.axis_index("s")
        pltpu.sync_copy(dst_hbm.at[c, s], didx)

        z16 = jnp.zeros((16,), jnp.float32)

        def zrow(i, carry):
            buf[i, :] = z16
            return carry

        lax.fori_loop(0, CHUNK, zrow, 0)
        for k in range(SLAB // CHUNK):
            pltpu.sync_copy(buf, hist.at[pl.ds(s * SLAB + k * CHUNK, CHUNK)])

        e0 = jnp.where(lax.iota(jnp.int32, 16) == 0,
                       jnp.float32(1.0), jnp.float32(0.0))

        def orow(i, carry):
            buf[i, :] = e0
            return carry

        lax.fori_loop(0, CHUNK, orow, 0)
        plsc.subcore_barrier()

        def step(j, carry):
            pltpu.sync_copy(buf, hist.at[didx.at[j]], add=True)
            return carry

        lax.fori_loop(0, NCH, step, 0)
        plsc.subcore_barrier()
        pltpu.sync_copy(hist.at[pl.ds(s * SLAB, SLAB)],
                        out_hbm.at[c, pl.ds(s * SLAB, SLAB)])

    return body(dst_pad)


def _sc_aggregate(yn, src_pad, dst_pad):

    @functools.partial(
        pl.kernel,
        out_type=jax.ShapeDtypeStruct((NC, AGG_ROWS, C), jnp.float32),
        mesh=_mesh(),
        scratch_types=[
            pltpu.VMEM((NCH, CHUNK), jnp.int32),
            pltpu.VMEM((CHUNK,), jnp.int32),
            pltpu.VMEM((CHUNK,), jnp.int32),
            pltpu.VMEM((CHUNK, C), jnp.float32),
            pltpu.VMEM((CHUNK, C), jnp.float32),
            pltpu.VMEM_SHARED((AGG_ROWS, C), jnp.float32),
            pltpu.SemaphoreType.DMA,
            pltpu.SemaphoreType.DMA,
        ],
    )
    def body(yn_hbm, src_hbm, dst_hbm, out_hbm, didx, sidx0, sidx1,
             rows0, rows1, agg, sem0, sem1):
        c = lax.axis_index("c")
        s = lax.axis_index("s")
        pltpu.sync_copy(dst_hbm.at[c, s], didx)

        z16 = jnp.zeros((16,), jnp.float32)

        def zrow(i, carry):
            for k in range(C // 16):
                rows0[i, pl.ds(k * 16, 16)] = z16
            return carry

        lax.fori_loop(0, CHUNK, zrow, 0)
        for k in range(SLAB // CHUNK):
            pltpu.sync_copy(rows0, agg.at[pl.ds(s * SLAB + k * CHUNK, CHUNK)])
        plsc.subcore_barrier()

        pltpu.sync_copy(src_hbm.at[c, s, 0], sidx0)
        pltpu.async_copy(yn_hbm.at[sidx0], rows0, sem0)
        pltpu.sync_copy(src_hbm.at[c, s, 1], sidx1)
        pltpu.async_copy(yn_hbm.at[sidx1], rows1, sem1)

        def halfstep(j, idx_v, buf, sem):
            pltpu.make_async_copy(yn_hbm.at[idx_v], buf, sem).wait()
            pltpu.sync_copy(buf, agg.at[didx.at[j]], add=True)

            @pl.when(j + 2 < NCH)
            def _():
                pltpu.sync_copy(src_hbm.at[c, s, j + 2], idx_v)
                pltpu.async_copy(yn_hbm.at[idx_v], buf, sem)

        def step(i, carry):
            halfstep(2 * i, sidx0, rows0, sem0)
            halfstep(2 * i + 1, sidx1, rows1, sem1)
            return carry

        lax.fori_loop(0, NCH // 2, step, 0)
        plsc.subcore_barrier()
        pltpu.sync_copy(agg.at[pl.ds(s * SLAB, SLAB)],
                        out_hbm.at[c, pl.ds(s * SLAB, SLAB)])

    return body(yn, src_pad, dst_pad)


def _tc_first(x, hist, W1):

    def body(x_ref, h0_ref, h1_ref, w_ref, yn_ref, norm_ref):
        d = h0_ref[0, :, 0:1] + h1_ref[0, :, 0:1] + 1.0
        nrm = lax.rsqrt(d)
        y = jnp.dot(x_ref[...], w_ref[...], preferred_element_type=jnp.float32)
        yn_ref[...] = y * nrm
        norm_ref[...] = nrm

    return pl.pallas_call(
        body,
        grid=(NBLKS,),
        in_specs=[
            pl.BlockSpec((BLK, C), lambda i: (i, 0)),
            pl.BlockSpec((1, BLK, 16), lambda i: (0, i, 0)),
            pl.BlockSpec((1, BLK, 16), lambda i: (1, i, 0)),
            pl.BlockSpec((C, C), lambda i: (0, 0)),
        ],
        out_specs=[
            pl.BlockSpec((BLK, C), lambda i: (i, 0)),
            pl.BlockSpec((BLK, 1), lambda i: (i, 0)),
        ],
        out_shape=[
            jax.ShapeDtypeStruct((N, C), jnp.float32),
            jax.ShapeDtypeStruct((N, 1), jnp.float32),
        ],
    )(x, hist, hist, W1)


def _tc_mid(p, yn, norm, b, W):

    def body(p0_ref, p1_ref, yn_ref, norm_ref, b_ref, w_ref, out_ref):
        nrm = norm_ref[...]
        h = jnp.maximum(
            (p0_ref[0] + p1_ref[0] + yn_ref[...]) * nrm + b_ref[...], 0.0)
        out_ref[...] = jnp.dot(
            h, w_ref[...], preferred_element_type=jnp.float32) * nrm

    return pl.pallas_call(
        body,
        grid=(NBLKS,),
        in_specs=[
            pl.BlockSpec((1, BLK, C), lambda i: (0, i, 0)),
            pl.BlockSpec((1, BLK, C), lambda i: (1, i, 0)),
            pl.BlockSpec((BLK, C), lambda i: (i, 0)),
            pl.BlockSpec((BLK, 1), lambda i: (i, 0)),
            pl.BlockSpec((1, C), lambda i: (0, 0)),
            pl.BlockSpec((C, C), lambda i: (0, 0)),
        ],
        out_specs=pl.BlockSpec((BLK, C), lambda i: (i, 0)),
        out_shape=jax.ShapeDtypeStruct((N, C), jnp.float32),
    )(p, p, yn, norm, b, W)


def _tc_head(p, yn, norm, b, batch3, Wh, bh):

    def body(p0_ref, p1_ref, yn_ref, norm_ref, b_ref, bi_ref, wh_ref, bh_ref,
             out_ref, pooled, counts):
        i = pl.program_id(0)

        @pl.when(i == 0)
        def _init():
            pooled[...] = jnp.zeros_like(pooled)
            counts[...] = jnp.zeros_like(counts)

        nrm = norm_ref[...]
        h = jnp.maximum(
            (p0_ref[0] + p1_ref[0] + yn_ref[...]) * nrm + b_ref[...], 0.0)
        bi = bi_ref[0, 0, :]
        oh = (bi[:, None] == lax.broadcasted_iota(jnp.int32, (BLK, G), 1)
              ).astype(jnp.float32)
        dn = (((0,), (0,)), ((), ()))
        pooled[...] += lax.dot_general(
            oh, h, dn, preferred_element_type=jnp.float32)
        counts[...] += lax.dot_general(
            oh, jnp.ones((BLK, 1), jnp.float32), dn,
            preferred_element_type=jnp.float32)

        @pl.when(i == NBLKS - 1)
        def _fin():
            mean = pooled[...] / jnp.maximum(counts[...], 1.0)
            out_ref[...] = jnp.dot(
                mean, wh_ref[...], preferred_element_type=jnp.float32
            ) + bh_ref[...]

    return pl.pallas_call(
        body,
        grid=(NBLKS,),
        in_specs=[
            pl.BlockSpec((1, BLK, C), lambda i: (0, i, 0)),
            pl.BlockSpec((1, BLK, C), lambda i: (1, i, 0)),
            pl.BlockSpec((BLK, C), lambda i: (i, 0)),
            pl.BlockSpec((BLK, 1), lambda i: (i, 0)),
            pl.BlockSpec((1, C), lambda i: (0, 0)),
            pl.BlockSpec((1, 1, BLK), lambda i: (i, 0, 0)),
            pl.BlockSpec((C, 1), lambda i: (0, 0)),
            pl.BlockSpec((1, 1), lambda i: (0, 0)),
        ],
        out_specs=pl.BlockSpec((G, 1), lambda i: (0, 0)),
        out_shape=jax.ShapeDtypeStruct((G, 1), jnp.float32),
        scratch_shapes=[
            pltpu.VMEM((G, C), jnp.float32),
            pltpu.VMEM((G, 1), jnp.float32),
        ],
    )(p, p, yn, norm, b, batch3, Wh, bh)


def kernel(x, edge_index, batch_idx, W1, b1, W2, b2, W3, b3, Wh, bh):
    src = edge_index[0].reshape(NW, EPW)
    dst = edge_index[1].reshape(NW, EPW)
    pad = EPW_PAD - EPW
    src_pad = jnp.pad(src, ((0, 0), (0, pad))).reshape(NC, NS, NCH, CHUNK)
    dst_pad = jnp.pad(dst, ((0, 0), (0, pad)),
                      constant_values=DUMMY).reshape(NC, NS, NCH, CHUNK)
    batch3 = batch_idx.reshape(NBLKS, 1, BLK)

    hist = _sc_degree(dst_pad)
    yn1, norm = _tc_first(x, hist, W1)
    p1 = _sc_aggregate(yn1, src_pad, dst_pad)
    yn2 = _tc_mid(p1, yn1, norm, b1.reshape(1, C), W2)
    p2 = _sc_aggregate(yn2, src_pad, dst_pad)
    yn3 = _tc_mid(p2, yn2, norm, b2.reshape(1, C), W3)
    p3 = _sc_aggregate(yn3, src_pad, dst_pad)
    out = _tc_head(p3, yn3, norm, b3.reshape(1, C), batch3,
                   Wh, bh.reshape(1, 1))
    return jnp.squeeze(out, axis=-1)

# --- scband reference (transcript-rebuilt; emitter-appended) ---
"""Pipeline reference for scband-graph-level-gnn-2284922601526 (READ-ONLY COPY).

The authoritative reference and input builder live on the scoring server;
editing this copy changes nothing except your own understanding.
"""

import jax
import jax.numpy as jnp
import numpy as np

N = 10000
E = 320000
G = 128
C_IN = 128
C_HID = 128
C_OUT = 1


def setup_inputs(seed: int = 0) -> dict:
    key = jax.random.key(seed)
    ks = jax.random.split(key, 12)
    x = jax.random.normal(ks[0], (N, C_IN), dtype=jnp.float32)
    edge_index = jax.random.randint(ks[1], (2, E), 0, N, dtype=jnp.int32)
    batch_idx = jnp.sort(jax.random.randint(ks[2], (N,), 0, G, dtype=jnp.int32))
    s = 1.0 / np.sqrt(C_HID)
    W1 = jax.random.normal(ks[3], (C_IN, C_HID), dtype=jnp.float32) * s
    b1 = jnp.zeros((C_HID,), dtype=jnp.float32)
    W2 = jax.random.normal(ks[4], (C_HID, C_HID), dtype=jnp.float32) * s
    b2 = jnp.zeros((C_HID,), dtype=jnp.float32)
    W3 = jax.random.normal(ks[5], (C_HID, C_HID), dtype=jnp.float32) * s
    b3 = jnp.zeros((C_HID,), dtype=jnp.float32)
    Wh = jax.random.normal(ks[6], (C_HID, C_OUT), dtype=jnp.float32) * s
    bh = jnp.zeros((C_OUT,), dtype=jnp.float32)
    return {"x": x, "edge_index": edge_index, "batch_idx": batch_idx,
            "W1": W1, "b1": b1, "W2": W2, "b2": b2, "W3": W3, "b3": b3,
            "Wh": Wh, "bh": bh}


def _gcn_layer(h, src, dst, W, b):
    # GCN with self-loops: D^{-1/2} (A + I) D^{-1/2} H W + b
    deg = jax.ops.segment_sum(jnp.ones((E,), dtype=jnp.float32), dst, num_segments=N) + 1.0
    norm = jax.lax.rsqrt(deg)
    msg = h[src] * norm[src][:, None]
    agg = jax.ops.segment_sum(msg, dst, num_segments=N)
    agg = agg + h * norm[:, None]  # self-loop contribution
    agg = agg * norm[:, None]
    return agg @ W + b


def reference(x, edge_index, batch_idx, W1, b1, W2, b2, W3, b3, Wh, bh):
    src = edge_index[0]
    dst = edge_index[1]
    h = jax.nn.relu(_gcn_layer(x, src, dst, W1, b1))
    h = jax.nn.relu(_gcn_layer(h, src, dst, W2, b2))
    h = jax.nn.relu(_gcn_layer(h, src, dst, W3, b3))
    # global mean pooling over graphs (dropout is identity in eval)
    counts = jax.ops.segment_sum(jnp.ones((N,), dtype=jnp.float32), batch_idx, num_segments=G)
    pooled = jax.ops.segment_sum(h, batch_idx, num_segments=G)
    pooled = pooled / jnp.clip(counts, 1.0)[:, None]
    out = pooled @ Wh + bh
    return jnp.squeeze(out, axis=-1)

if __name__ == "__main__":
    import jax
    _d = setup_inputs()
    print(jax.jit(kernel)(*tuple(_d.values())))

</pallas_src>

<mosaic_0001>
#map = affine_map<(d0, d1) -> (0, 0)>
#map1 = affine_map<(d0, d1) -> (0, 0, 0, 0)>
#map2 = affine_map<(d0, d1) -> (0, 0, 0)>
module attributes {stable_mosaic.version = 14 : i64} {
  func.func @body(%arg0: i32, %arg1: i32, %arg2: memref<10000x128xf32, #tpu.memory_space<hbm>>, %arg3: memref<2x16x80x128xi32, #tpu.memory_space<hbm>>, %arg4: memref<2x16x80x128xi32, #tpu.memory_space<hbm>>, %arg5: memref<2x10240x128xf32, #tpu.memory_space<hbm>>, %arg6: memref<80x128xi32, #tpu.memory_space<vmem>>, %arg7: memref<128xi32, #tpu.memory_space<vmem>>, %arg8: memref<128xi32, #tpu.memory_space<vmem>>, %arg9: memref<128x128xf32, #tpu.memory_space<vmem>>, %arg10: memref<128x128xf32, #tpu.memory_space<vmem>>, %arg11: memref<10240x128xf32, #tpu.memory_space<vmem_shared>>, %arg12: memref<!tpu.dma_semaphore, #tpu.memory_space<semaphore_mem>>, %arg13: memref<!tpu.dma_semaphore, #tpu.memory_space<semaphore_mem>>) attributes {dimension_semantics = [#tpu.dimension_semantics<core_parallel>, #tpu.dimension_semantics<subcore_parallel>], iteration_bounds = array<i64: 2, 16>, scalar_prefetch = 0 : i64, scratch_operands = 8 : i64, tpu.core_type = #tpu.core_type<sc_vector_subcore>, window_params = [{transform_indices = #map}, {transform_indices = #map1}, {transform_indices = #map1}, {transform_indices = #map2}]} {
    "tpu.region"() ({
      %run_scoped3A_41 = tpu.sem_alloc : memref<!tpu.dma_semaphore, #tpu.memory_space<semaphore_mem>>
      %dma_start3A_42 = arith.constant 0 : i32
      %dma_start3A_43 = arith.constant 0 : i32
      %dma_start3A_44 = tpu.memref_slice %arg4[%arg0, %arg1, %dma_start3A_42, %dma_start3A_43] : memref<2x16x80x128xi32, #tpu.memory_space<hbm>> -> memref<1x1x80x128xi32, #tpu.memory_space<hbm>>
      %dma_start3A_45 = tpu.memref_squeeze %dma_start3A_44 : memref<1x1x80x128xi32, #tpu.memory_space<hbm>> -> memref<80x128xi32, #tpu.memory_space<hbm>>
      %dma_start3A_46 = arith.constant 0 : i32
      %dma_start3A_47 = arith.constant 0 : i32
      %dma_start3A_48 = tpu.memref_slice %arg4[%arg0, %arg1, %dma_start3A_46, %dma_start3A_47] : memref<2x16x80x128xi32, #tpu.memory_space<hbm>> -> memref<1x1x80x128xi32, #tpu.memory_space<hbm>>
      %dma_start3A_49 = tpu.memref_squeeze %dma_start3A_48 : memref<1x1x80x128xi32, #tpu.memory_space<hbm>> -> memref<80x128xi32, #tpu.memory_space<hbm>>
      tpu.enqueue_dma source(%dma_start3A_49 : memref<80x128xi32, #tpu.memory_space<hbm>>) target(%arg6 : memref<80x128xi32, #tpu.memory_space<vmem>>) target_semaphore(%run_scoped3A_41 : memref<!tpu.dma_semaphore, #tpu.memory_space<semaphore_mem>>)
      %dma_wait3A = arith.constant 0 : i32
      %dma_wait3A_50 = arith.constant 0 : i32
      %dma_wait3A_51 = tpu.memref_slice %arg4[%arg0, %arg1, %dma_wait3A, %dma_wait3A_50] : memref<2x16x80x128xi32, #tpu.memory_space<hbm>> -> memref<1x1x80x128xi32, #tpu.memory_space<hbm>>
      %dma_wait3A_52 = tpu.memref_squeeze %dma_wait3A_51 : memref<1x1x80x128xi32, #tpu.memory_space<hbm>> -> memref<80x128xi32, #tpu.memory_space<hbm>>
      %dma_wait3A_53 = arith.constant 0 : i32
      %dma_wait3A_54 = arith.constant 0 : i32
      %dma_wait3A_55 = tpu.memref_slice %arg4[%arg0, %arg1, %dma_wait3A_53, %dma_wait3A_54] : memref<2x16x80x128xi32, #tpu.memory_space<hbm>> -> memref<1x1x80x128xi32, #tpu.memory_space<hbm>>
      %dma_wait3A_56 = tpu.memref_squeeze %dma_wait3A_55 : memref<1x1x80x128xi32, #tpu.memory_space<hbm>> -> memref<80x128xi32, #tpu.memory_space<hbm>>
      tpu.wait_dma2 semaphore(%run_scoped3A_41 : memref<!tpu.dma_semaphore, #tpu.memory_space<semaphore_mem>>) src(%dma_wait3A_56 : memref<80x128xi32, #tpu.memory_space<hbm>>) dst(%arg6 : memref<80x128xi32, #tpu.memory_space<vmem>>)
      tpu.yield
    }) : () -> ()
    %broadcast_in_dim3A = arith.constant 0.000000e+00 : f32
    %broadcast_in_dim3A_0 = vector.broadcast %broadcast_in_dim3A : f32 to vector<16xf32>
    %scan3A = arith.constant 0 : i32
    %scan3A_1 = arith.constant 0 : i32
    %scan3A_2 = arith.constant 128 : i32
    %scan3A_3 = arith.addi %scan3A_1, %scan3A_2 : i32
    %scan3A_4 = arith.constant 1 : i32
    scf.for %scan3A_41 = %scan3A_1 to %scan3A_3 step %scan3A_4  : i32 {
      %swap3A = arith.index_cast %scan3A_41 : i32 to index
      %swap3A_42 = arith.constant 0 : index
      %swap3A_43 = tpu.vector_load %arg9[%swap3A, %swap3A_42] {strides = array<i32>} : memref<128x128xf32, #tpu.memory_space<vmem>>, vector<1x16xf32>,
      %swap3A_44 = vector.shape_cast %swap3A_43 : vector<1x16xf32> to vector<16xf32>
      %swap3A_45 = vector.shape_cast %broadcast_in_dim3A_0 : vector<16xf32> to vector<1x16xf32>
      tpu.vector_store %arg9[%swap3A, %swap3A_42], %swap3A_45 {strides = array<i32>} : memref<128x128xf32, #tpu.memory_space<vmem>>, vector<1x16xf32>,
      %swap3A_46 = arith.index_cast %scan3A_41 : i32 to index
      %swap3A_47 = arith.constant 16 : index
      %swap3A_48 = tpu.vector_load %arg9[%swap3A_46, %swap3A_47] {strides = array<i32>} : memref<128x128xf32, #tpu.memory_space<vmem>>, vector<1x16xf32>,
      %swap3A_49 = vector.shape_cast %swap3A_48 : vector<1x16xf32> to vector<16xf32>
      %swap3A_50 = vector.shape_cast %broadcast_in_dim3A_0 : vector<16xf32> to vector<1x16xf32>
      tpu.vector_store %arg9[%swap3A_46, %swap3A_47], %swap3A_50 {strides = array<i32>} : memref<128x128xf32, #tpu.memory_space<vmem>>, vector<1x16xf32>,
      %swap3A_51 = arith.index_cast %scan3A_41 : i32 to index
      %swap3A_52 = arith.constant 32 : index
      %swap3A_53 = tpu.vector_load %arg9[%swap3A_51, %swap3A_52] {strides = array<i32>} : memref<128x128xf32, #tpu.memory_space<vmem>>, vector<1x16xf32>,
      %swap3A_54 = vector.shape_cast %swap3A_53 : vector<1x16xf32> to vector<16xf32>
      %swap3A_55 = vector.shape_cast %broadcast_in_dim3A_0 : vector<16xf32> to vector<1x16xf32>
      tpu.vector_store %arg9[%swap3A_51, %swap3A_52], %swap3A_55 {strides = array<i32>} : memref<128x128xf32, #tpu.memory_space<vmem>>, vector<1x16xf32>,
      %swap3A_56 = arith.index_cast %scan3A_41 : i32 to index
      %swap3A_57 = arith.constant 48 : index
      %swap3A_58 = tpu.vector_load %arg9[%swap3A_56, %swap3A_57] {strides = array<i32>} : memref<128x128xf32, #tpu.memory_space<vmem>>, vector<1x16xf32>,
      %swap3A_59 = vector.shape_cast %swap3A_58 : vector<1x16xf32> to vector<16xf32>
      %swap3A_60 = vector.shape_cast %broadcast_in_dim3A_0 : vector<16xf32> to vector<1x16xf32>
      tpu.vector_store %arg9[%swap3A_56, %swap3A_57], %swap3A_60 {strides = array<i32>} : memref<128x128xf32, #tpu.memory_space<vmem>>, vector<1x16xf32>,
      %swap3A_61 = arith.index_cast %scan3A_41 : i32 to index
      %swap3A_62 = arith.constant 64 : index
      %swap3A_63 = tpu.vector_load %arg9[%swap3A_61, %swap3A_62] {strides = array<i32>} : memref<128x128xf32, #tpu.memory_space<vmem>>, vector<1x16xf32>,
      %swap3A_64 = vector.shape_cast %swap3A_63 : vector<1x16xf32> to vector<16xf32>
      %swap3A_65 = vector.shape_cast %broadcast_in_dim3A_0 : vector<16xf32> to vector<1x16xf32>
      tpu.vector_store %arg9[%swap3A_61, %swap3A_62], %swap3A_65 {strides = array<i32>} : memref<128x128xf32, #tpu.memory_space<vmem>>, vector<1x16xf32>,
      %swap3A_66 = arith.index_cast %scan3A_41 : i32 to index
      %swap3A_67 = arith.constant 80 : index
      %swap3A_68 = tpu.vector_load %arg9[%swap3A_66, %swap3A_67] {strides = array<i32>} : memref<128x128xf32, #tpu.memory_space<vmem>>, vector<1x16xf32>,
      %swap3A_69 = vector.shape_cast %swap3A_68 : vector<1x16xf32> to vector<16xf32>
      %swap3A_70 = vector.shape_cast %broadcast_in_dim3A_0 : vector<16xf32> to vector<1x16xf32>
      tpu.vector_store %arg9[%swap3A_66, %swap3A_67], %swap3A_70 {strides = array<i32>} : memref<128x128xf32, #tpu.memory_space<vmem>>, vector<1x16xf32>,
      %swap3A_71 = arith.index_cast %scan3A_41 : i32 to index
      %swap3A_72 = arith.constant 96 : index
      %swap3A_73 = tpu.vector_load %arg9[%swap3A_71, %swap3A_72] {strides = array<i32>} : memref<128x128xf32, #tpu.memory_space<vmem>>, vector<1x16xf32>,
      %swap3A_74 = vector.shape_cast %swap3A_73 : vector<1x16xf32> to vector<16xf32>
      %swap3A_75 = vector.shape_cast %broadcast_in_dim3A_0 : vector<16xf32> to vector<1x16xf32>
      tpu.vector_store %arg9[%swap3A_71, %swap3A_72], %swap3A_75 {strides = array<i32>} : memref<128x128xf32, #tpu.memory_space<vmem>>, vector<1x16xf32>,
      %swap3A_76 = arith.index_cast %scan3A_41 : i32 to index
      %swap3A_77 = arith.constant 112 : index
      %swap3A_78 = tpu.vector_load %arg9[%swap3A_76, %swap3A_77] {strides = array<i32>} : memref<128x128xf32, #tpu.memory_space<vmem>>, vector<1x16xf32>,
      %swap3A_79 = vector.shape_cast %swap3A_78 : vector<1x16xf32> to vector<16xf32>
      %swap3A_80 = vector.shape_cast %broadcast_in_dim3A_0 : vector<16xf32> to vector<1x16xf32>
      tpu.vector_store %arg9[%swap3A_76, %swap3A_77], %swap3A_80 {strides = array<i32>} : memref<128x128xf32, #tpu.memory_space<vmem>>, vector<1x16xf32>,
    }
    %scan3A_5 = arith.constant 128 : i32
    %mul3A = arith.constant 640 : i32
    %mul3A_6 = arith.muli %arg1, %mul3A : i32
    %add3A = arith.constant 0 : i32
    %add3A_7 = arith.addi %mul3A_6, %add3A : i32
    "tpu.region"() ({
      %run_scoped3A_41 = tpu.sem_alloc : memref<!tpu.dma_semaphore, #tpu.memory_space<semaphore_mem>>
      %dma_start3A_42 = arith.constant 0 : i32
      %dma_start3A_43 = tpu.memref_slice %arg11[%add3A_7, %dma_start3A_42] : memref<10240x128xf32, #tpu.memory_space<vmem_shared>> -> memref<128x128xf32, #tpu.memory_space<vmem_shared>>
      %dma_start3A_44 = arith.constant 0 : i32
      %dma_start3A_45 = tpu.memref_slice %arg11[%add3A_7, %dma_start3A_44] : memref<10240x128xf32, #tpu.memory_space<vmem_shared>> -> memref<128x128xf32, #tpu.memory_space<vmem_shared>>
      tpu.enqueue_dma source(%arg9 : memref<128x128xf32, #tpu.memory_space<vmem>>) target(%dma_start3A_45 : memref<128x128xf32, #tpu.memory_space<vmem_shared>>) target_semaphore(%run_scoped3A_41 : memref<!tpu.dma_semaphore, #tpu.memory_space<semaphore_mem>>)
      %dma_wait3A = arith.constant 0 : i32
      %dma_wait3A_46 = tpu.memref_slice %arg11[%add3A_7, %dma_wait3A] : memref<10240x128xf32, #tpu.memory_space<vmem_shared>> -> memref<128x128xf32, #tpu.memory_space<vmem_shared>>
      %dma_wait3A_47 = arith.constant 0 : i32
      %dma_wait3A_48 = tpu.memref_slice %arg11[%add3A_7, %dma_wait3A_47] : memref<10240x128xf32, #tpu.memory_space<vmem_shared>> -> memref<128x128xf32, #tpu.memory_space<vmem_shared>>
      tpu.wait_dma2 semaphore(%run_scoped3A_41 : memref<!tpu.dma_semaphore, #tpu.memory_space<semaphore_mem>>) src(%arg9 : memref<128x128xf32, #tpu.memory_space<vmem>>) dst(%dma_wait3A_48 : memref<128x128xf32, #tpu.memory_space<vmem_shared>>)
      tpu.yield
    }) : () -> ()
    %mul3A_8 = arith.constant 640 : i32
    %mul3A_9 = arith.muli %arg1, %mul3A_8 : i32
    %add3A_10 = arith.constant 128 : i32
    %add3A_11 = arith.addi %mul3A_9, %add3A_10 : i32
    "tpu.region"() ({
      %run_scoped3A_41 = tpu.sem_alloc : memref<!tpu.dma_semaphore, #tpu.memory_space<semaphore_mem>>
      %dma_start3A_42 = arith.constant 0 : i32
      %dma_start3A_43 = tpu.memref_slice %arg11[%add3A_11, %dma_start3A_42] : memref<10240x128xf32, #tpu.memory_space<vmem_shared>> -> memref<128x128xf32, #tpu.memory_space<vmem_shared>>
      %dma_start3A_44 = arith.constant 0 : i32
      %dma_start3A_45 = tpu.memref_slice %arg11[%add3A_11, %dma_start3A_44] : memref<10240x128xf32, #tpu.memory_space<vmem_shared>> -> memref<128x128xf32, #tpu.memory_space<vmem_shared>>
      tpu.enqueue_dma source(%arg9 : memref<128x128xf32, #tpu.memory_space<vmem>>) target(%dma_start3A_45 : memref<128x128xf32, #tpu.memory_space<vmem_shared>>) target_semaphore(%run_scoped3A_41 : memref<!tpu.dma_semaphore, #tpu.memory_space<semaphore_mem>>)
      %dma_wait3A = arith.constant 0 : i32
      %dma_wait3A_46 = tpu.memref_slice %arg11[%add3A_11, %dma_wait3A] : memref<10240x128xf32, #tpu.memory_space<vmem_shared>> -> memref<128x128xf32, #tpu.memory_space<vmem_shared>>
      %dma_wait3A_47 = arith.constant 0 : i32
      %dma_wait3A_48 = tpu.memref_slice %arg11[%add3A_11, %dma_wait3A_47] : memref<10240x128xf32, #tpu.memory_space<vmem_shared>> -> memref<128x128xf32, #tpu.memory_space<vmem_shared>>
      tpu.wait_dma2 semaphore(%run_scoped3A_41 : memref<!tpu.dma_semaphore, #tpu.memory_space<semaphore_mem>>) src(%arg9 : memref<128x128xf32, #tpu.memory_space<vmem>>) dst(%dma_wait3A_48 : memref<128x128xf32, #tpu.memory_space<vmem_shared>>)
      tpu.yield
    }) : () -> ()
    %mul3A_12 = arith.constant 640 : i32
    %mul3A_13 = arith.muli %arg1, %mul3A_12 : i32
    %add3A_14 = arith.constant 256 : i32
    %add3A_15 = arith.addi %mul3A_13, %add3A_14 : i32
    "tpu.region"() ({
      %run_scoped3A_41 = tpu.sem_alloc : memref<!tpu.dma_semaphore, #tpu.memory_space<semaphore_mem>>
      %dma_start3A_42 = arith.constant 0 : i32
      %dma_start3A_43 = tpu.memref_slice %arg11[%add3A_15, %dma_start3A_42] : memref<10240x128xf32, #tpu.memory_space<vmem_shared>> -> memref<128x128xf32, #tpu.memory_space<vmem_shared>>
      %dma_start3A_44 = arith.constant 0 : i32
      %dma_start3A_45 = tpu.memref_slice %arg11[%add3A_15, %dma_start3A_44] : memref<10240x128xf32, #tpu.memory_space<vmem_shared>> -> memref<128x128xf32, #tpu.memory_space<vmem_shared>>
      tpu.enqueue_dma source(%arg9 : memref<128x128xf32, #tpu.memory_space<vmem>>) target(%dma_start3A_45 : memref<128x128xf32, #tpu.memory_space<vmem_shared>>) target_semaphore(%run_scoped3A_41 : memref<!tpu.dma_semaphore, #tpu.memory_space<semaphore_mem>>)
      %dma_wait3A = arith.constant 0 : i32
      %dma_wait3A_46 = tpu.memref_slice %arg11[%add3A_15, %dma_wait3A] : memref<10240x128xf32, #tpu.memory_space<vmem_shared>> -> memref<128x128xf32, #tpu.memory_space<vmem_shared>>
      %dma_wait3A_47 = arith.constant 0 : i32
      %dma_wait3A_48 = tpu.memref_slice %arg11[%add3A_15, %dma_wait3A_47] : memref<10240x128xf32, #tpu.memory_space<vmem_shared>> -> memref<128x128xf32, #tpu.memory_space<vmem_shared>>
      tpu.wait_dma2 semaphore(%run_scoped3A_41 : memref<!tpu.dma_semaphore, #tpu.memory_space<semaphore_mem>>) src(%arg9 : memref<128x128xf32, #tpu.memory_space<vmem>>) dst(%dma_wait3A_48 : memref<128x128xf32, #tpu.memory_space<vmem_shared>>)
      tpu.yield
    }) : () -> ()
    %mul3A_16 = arith.constant 640 : i32
    %mul3A_17 = arith.muli %arg1, %mul3A_16 : i32
    %add3A_18 = arith.constant 384 : i32
    %add3A_19 = arith.addi %mul3A_17, %add3A_18 : i32
    "tpu.region"() ({
      %run_scoped3A_41 = tpu.sem_alloc : memref<!tpu.dma_semaphore, #tpu.memory_space<semaphore_mem>>
      %dma_start3A_42 = arith.constant 0 : i32
      %dma_start3A_43 = tpu.memref_slice %arg11[%add3A_19, %dma_start3A_42] : memref<10240x128xf32, #tpu.memory_space<vmem_shared>> -> memref<128x128xf32, #tpu.memory_space<vmem_shared>>
      %dma_start3A_44 = arith.constant 0 : i32
      %dma_start3A_45 = tpu.memref_slice %arg11[%add3A_19, %dma_start3A_44] : memref<10240x128xf32, #tpu.memory_space<vmem_shared>> -> memref<128x128xf32, #tpu.memory_space<vmem_shared>>
      tpu.enqueue_dma source(%arg9 : memref<128x128xf32, #tpu.memory_space<vmem>>) target(%dma_start3A_45 : memref<128x128xf32, #tpu.memory_space<vmem_shared>>) target_semaphore(%run_scoped3A_41 : memref<!tpu.dma_semaphore, #tpu.memory_space<semaphore_mem>>)
      %dma_wait3A = arith.constant 0 : i32
      %dma_wait3A_46 = tpu.memref_slice %arg11[%add3A_19, %dma_wait3A] : memref<10240x128xf32, #tpu.memory_space<vmem_shared>> -> memref<128x128xf32, #tpu.memory_space<vmem_shared>>
      %dma_wait3A_47 = arith.constant 0 : i32
      %dma_wait3A_48 = tpu.memref_slice %arg11[%add3A_19, %dma_wait3A_47] : memref<10240x128xf32, #tpu.memory_space<vmem_shared>> -> memref<128x128xf32, #tpu.memory_space<vmem_shared>>
      tpu.wait_dma2 semaphore(%run_scoped3A_41 : memref<!tpu.dma_semaphore, #tpu.memory_space<semaphore_mem>>) src(%arg9 : memref<128x128xf32, #tpu.memory_space<vmem>>) dst(%dma_wait3A_48 : memref<128x128xf32, #tpu.memory_space<vmem_shared>>)
      tpu.yield
    }) : () -> ()
    %mul3A_20 = arith.constant 640 : i32
    %mul3A_21 = arith.muli %arg1, %mul3A_20 : i32
    %add3A_22 = arith.constant 512 : i32
    %add3A_23 = arith.addi %mul3A_21, %add3A_22 : i32
    "tpu.region"() ({
      %run_scoped3A_41 = tpu.sem_alloc : memref<!tpu.dma_semaphore, #tpu.memory_space<semaphore_mem>>
      %dma_start3A_42 = arith.constant 0 : i32
      %dma_start3A_43 = tpu.memref_slice %arg11[%add3A_23, %dma_start3A_42] : memref<10240x128xf32, #tpu.memory_space<vmem_shared>> -> memref<128x128xf32, #tpu.memory_space<vmem_shared>>
      %dma_start3A_44 = arith.constant 0 : i32
      %dma_start3A_45 = tpu.memref_slice %arg11[%add3A_23, %dma_start3A_44] : memref<10240x128xf32, #tpu.memory_space<vmem_shared>> -> memref<128x128xf32, #tpu.memory_space<vmem_shared>>
      tpu.enqueue_dma source(%arg9 : memref<128x128xf32, #tpu.memory_space<vmem>>) target(%dma_start3A_45 : memref<128x128xf32, #tpu.memory_space<vmem_shared>>) target_semaphore(%run_scoped3A_41 : memref<!tpu.dma_semaphore, #tpu.memory_space<semaphore_mem>>)
      %dma_wait3A = arith.constant 0 : i32
      %dma_wait3A_46 = tpu.memref_slice %arg11[%add3A_23, %dma_wait3A] : memref<10240x128xf32, #tpu.memory_space<vmem_shared>> -> memref<128x128xf32, #tpu.memory_space<vmem_shared>>
      %dma_wait3A_47 = arith.constant 0 : i32
      %dma_wait3A_48 = tpu.memref_slice %arg11[%add3A_23, %dma_wait3A_47] : memref<10240x128xf32, #tpu.memory_space<vmem_shared>> -> memref<128x128xf32, #tpu.memory_space<vmem_shared>>
      tpu.wait_dma2 semaphore(%run_scoped3A_41 : memref<!tpu.dma_semaphore, #tpu.memory_space<semaphore_mem>>) src(%arg9 : memref<128x128xf32, #tpu.memory_space<vmem>>) dst(%dma_wait3A_48 : memref<128x128xf32, #tpu.memory_space<vmem_shared>>)
      tpu.yield
    }) : () -> ()
    %barrier3A = arith.constant 0 : index
    tpu.barrier barrier_id(%barrier3A)
    %run_scoped3A = arith.constant 0 : i32
    "tpu.region"() ({
      %run_scoped3A_41 = tpu.sem_alloc : memref<!tpu.dma_semaphore, #tpu.memory_space<semaphore_mem>>
      %dma_start3A_42 = arith.constant 0 : i32
      %dma_start3A_43 = tpu.memref_slice %arg3[%arg0, %arg1, %run_scoped3A, %dma_start3A_42] : memref<2x16x80x128xi32, #tpu.memory_space<hbm>> -> memref<1x1x1x128xi32, #tpu.memory_space<hbm>>
      %dma_start3A_44 = tpu.memref_squeeze %dma_start3A_43 : memref<1x1x1x128xi32, #tpu.memory_space<hbm>> -> memref<128xi32, #tpu.memory_space<hbm>>
      %dma_start3A_45 = arith.constant 0 : i32
      %dma_start3A_46 = tpu.memref_slice %arg3[%arg0, %arg1, %run_scoped3A, %dma_start3A_45] : memref<2x16x80x128xi32, #tpu.memory_space<hbm>> -> memref<1x1x1x128xi32, #tpu.memory_space<hbm>>
      %dma_start3A_47 = tpu.memref_squeeze %dma_start3A_46 : memref<1x1x1x128xi32, #tpu.memory_space<hbm>> -> memref<128xi32, #tpu.memory_space<hbm>>
      tpu.enqueue_dma source(%dma_start3A_47 : memref<128xi32, #tpu.memory_space<hbm>>) target(%arg7 : memref<128xi32, #tpu.memory_space<vmem>>) target_semaphore(%run_scoped3A_41 : memref<!tpu.dma_semaphore, #tpu.memory_space<semaphore_mem>>)
      %dma_wait3A = arith.constant 0 : i32
      %dma_wait3A_48 = tpu.memref_slice %arg3[%arg0, %arg1, %run_scoped3A, %dma_wait3A] : memref<2x16x80x128xi32, #tpu.memory_space<hbm>> -> memref<1x1x1x128xi32, #tpu.memory_space<hbm>>
      %dma_wait3A_49 = tpu.memref_squeeze %dma_wait3A_48 : memref<1x1x1x128xi32, #tpu.memory_space<hbm>> -> memref<128xi32, #tpu.memory_space<hbm>>
      %dma_wait3A_50 = arith.constant 0 : i32
      %dma_wait3A_51 = tpu.memref_slice %arg3[%arg0, %arg1, %run_scoped3A, %dma_wait3A_50] : memref<2x16x80x128xi32, #tpu.memory_space<hbm>> -> memref<1x1x1x128xi32, #tpu.memory_space<hbm>>
      %dma_wait3A_52 = tpu.memref_squeeze %dma_wait3A_51 : memref<1x1x1x128xi32, #tpu.memory_space<hbm>> -> memref<128xi32, #tpu.memory_space<hbm>>
      tpu.wait_dma2 semaphore(%run_scoped3A_41 : memref<!tpu.dma_semaphore, #tpu.memory_space<semaphore_mem>>) src(%dma_wait3A_52 : memref<128xi32, #tpu.memory_space<hbm>>) dst(%arg7 : memref<128xi32, #tpu.memory_space<vmem>>)
      tpu.yield
    }) : () -> ()
    %dma_start3A = arith.constant 0 : i32
    %dma_start3A_24 = arith.constant 0 : i32
    %dma_start3A_25 = tpu.memref_slice %arg2[%dma_start3A, %dma_start3A_24] : memref<10000x128xf32, #tpu.memory_space<hbm>> -> memref<10000x128xf32, #tpu.memory_space<hbm>>
    tpu.enqueue_indirect_dma source(%dma_start3A_25 : memref<10000x128xf32, #tpu.memory_space<hbm>>) target(%arg9 : memref<128x128xf32, #tpu.memory_space<vmem>>) offsets(%arg7 : memref<128xi32, #tpu.memory_space<vmem>>) semaphore(%arg12 : memref<!tpu.dma_semaphore, #tpu.memory_space<semaphore_mem>>)
    %run_scoped3A_26 = arith.constant 1 : i32
    "tpu.region"() ({
      %run_scoped3A_41 = tpu.sem_alloc : memref<!tpu.dma_semaphore, #tpu.memory_space<semaphore_mem>>
      %dma_start3A_42 = arith.constant 0 : i32
      %dma_start3A_43 = tpu.memref_slice %arg3[%arg0, %arg1, %run_scoped3A_26, %dma_start3A_42] : memref<2x16x80x128xi32, #tpu.memory_space<hbm>> -> memref<1x1x1x128xi32, #tpu.memory_space<hbm>>
      %dma_start3A_44 = tpu.memref_squeeze %dma_start3A_43 : memref<1x1x1x128xi32, #tpu.memory_space<hbm>> -> memref<128xi32, #tpu.memory_space<hbm>>
      %dma_start3A_45 = arith.constant 0 : i32
      %dma_start3A_46 = tpu.memref_slice %arg3[%arg0, %arg1, %run_scoped3A_26, %dma_start3A_45] : memref<2x16x80x128xi32, #tpu.memory_space<hbm>> -> memref<1x1x1x128xi32, #tpu.memory_space<hbm>>
      %dma_start3A_47 = tpu.memref_squeeze %dma_start3A_46 : memref<1x1x1x128xi32, #tpu.memory_space<hbm>> -> memref<128xi32, #tpu.memory_space<hbm>>
      tpu.enqueue_dma source(%dma_start3A_47 : memref<128xi32, #tpu.memory_space<hbm>>) target(%arg8 : memref<128xi32, #tpu.memory_space<vmem>>) target_semaphore(%run_scoped3A_41 : memref<!tpu.dma_semaphore, #tpu.memory_space<semaphore_mem>>)
      %dma_wait3A = arith.constant 0 : i32
      %dma_wait3A_48 = tpu.memref_slice %arg3[%arg0, %arg1, %run_scoped3A_26, %dma_wait3A] : memref<2x16x80x128xi32, #tpu.memory_space<hbm>> -> memref<1x1x1x128xi32, #tpu.memory_space<hbm>>
      %dma_wait3A_49 = tpu.memref_squeeze %dma_wait3A_48 : memref<1x1x1x128xi32, #tpu.memory_space<hbm>> -> memref<128xi32, #tpu.memory_space<hbm>>
      %dma_wait3A_50 = arith.constant 0 : i32
      %dma_wait3A_51 = tpu.memref_slice %arg3[%arg0, %arg1, %run_scoped3A_26, %dma_wait3A_50] : memref<2x16x80x128xi32, #tpu.memory_space<hbm>> -> memref<1x1x1x128xi32, #tpu.memory_space<hbm>>
      %dma_wait3A_52 = tpu.memref_squeeze %dma_wait3A_51 : memref<1x1x1x128xi32, #tpu.memory_space<hbm>> -> memref<128xi32, #tpu.memory_space<hbm>>
      tpu.wait_dma2 semaphore(%run_scoped3A_41 : memref<!tpu.dma_semaphore, #tpu.memory_space<semaphore_mem>>) src(%dma_wait3A_52 : memref<128xi32, #tpu.memory_space<hbm>>) dst(%arg8 : memref<128xi32, #tpu.memory_space<vmem>>)
      tpu.yield
    }) : () -> ()
    %dma_start3A_27 = arith.constant 0 : i32
    %dma_start3A_28 = arith.constant 0 : i32
    %dma_start3A_29 = tpu.memref_slice %arg2[%dma_start3A_27, %dma_start3A_28] : memref<10000x128xf32, #tpu.memory_space<hbm>> -> memref<10000x128xf32, #tpu.memory_space<hbm>>
    tpu.enqueue_indirect_dma source(%dma_start3A_29 : memref<10000x128xf32, #tpu.memory_space<hbm>>) target(%arg10 : memref<128x128xf32, #tpu.memory_space<vmem>>) offsets(%arg8 : memref<128xi32, #tpu.memory_space<vmem>>) semaphore(%arg13 : memref<!tpu.dma_semaphore, #tpu.memory_space<semaphore_mem>>)
    %scan3A_30 = arith.constant 0 : i32
    %scan3A_31 = arith.constant 0 : i32
    %scan3A_32 = arith.constant 40 : i32
    %scan3A_33 = arith.addi %scan3A_31, %scan3A_32 : i32
    %scan3A_34 = arith.constant 1 : i32
    scf.for %scan3A_41 = %scan3A_31 to %scan3A_33 step %scan3A_34  : i32 {
      %mul3A_42 = arith.constant 2 : i32
      %mul3A_43 = arith.muli %mul3A_42, %scan3A_41 : i32
      %dma_wait3A = arith.constant 0 : i32
      %dma_wait3A_44 = arith.constant 0 : i32
      %dma_wait3A_45 = tpu.memref_slice %arg2[%dma_wait3A, %dma_wait3A_44] : memref<10000x128xf32, #tpu.memory_space<hbm>> -> memref<10000x128xf32, #tpu.memory_space<hbm>>
      tpu.wait_indirect_dma semaphore(%arg12 : memref<!tpu.dma_semaphore, #tpu.memory_space<semaphore_mem>>) src(%dma_wait3A_45 : memref<10000x128xf32, #tpu.memory_space<hbm>>) dst(%arg9 : memref<128x128xf32, #tpu.memory_space<vmem>>)
      "tpu.region"() ({
        %run_scoped3A_64 = tpu.sem_alloc : memref<!tpu.dma_semaphore, #tpu.memory_space<semaphore_mem>>
        %dma_start3A_65 = arith.constant 0 : i32
        %dma_start3A_66 = tpu.memref_slice %arg6[%mul3A_43, %dma_start3A_65] : memref<80x128xi32, #tpu.memory_space<vmem>> -> memref<1x128xi32, #tpu.memory_space<vmem>>
        %dma_start3A_67 = tpu.memref_squeeze %dma_start3A_66 : memref<1x128xi32, #tpu.memory_space<vmem>> -> memref<128xi32, #tpu.memory_space<vmem>>
        %dma_start3A_68 = arith.constant 0 : i32
        %dma_start3A_69 = arith.constant 0 : i32
        %dma_start3A_70 = tpu.memref_slice %arg11[%dma_start3A_68, %dma_start3A_69] : memref<10240x128xf32, #tpu.memory_space<vmem_shared>> -> memref<10240x128xf32, #tpu.memory_space<vmem_shared>>
        tpu.enqueue_indirect_dma source(%arg9 : memref<128x128xf32, #tpu.memory_space<vmem>>) target(%dma_start3A_70 : memref<10240x128xf32, #tpu.memory_space<vmem_shared>>) offsets(%dma_start3A_67 : memref<128xi32, #tpu.memory_space<vmem>>) semaphore(%run_scoped3A_64 : memref<!tpu.dma_semaphore, #tpu.memory_space<semaphore_mem>>) {add = true}
        %dma_wait3A_71 = arith.constant 0 : i32
        %dma_wait3A_72 = tpu.memref_slice %arg6[%mul3A_43, %dma_wait3A_71] : memref<80x128xi32, #tpu.memory_space<vmem>> -> memref<1x128xi32, #tpu.memory_space<vmem>>
        %dma_wait3A_73 = tpu.memref_squeeze %dma_wait3A_72 : memref<1x128xi32, #tpu.memory_space<vmem>> -> memref<128xi32, #tpu.memory_space<vmem>>
        %dma_wait3A_74 = arith.constant 0 : i32
        %dma_wait3A_75 = arith.constant 0 : i32
        %dma_wait3A_76 = tpu.memref_slice %arg11[%dma_wait3A_74, %dma_wait3A_75] : memref<10240x128xf32, #tpu.memory_space<vmem_shared>> -> memref<10240x128xf32, #tpu.memory_space<vmem_shared>>
        tpu.wait_indirect_dma semaphore(%run_scoped3A_64 : memref<!tpu.dma_semaphore, #tpu.memory_space<semaphore_mem>>) src(%arg9 : memref<128x128xf32, #tpu.memory_space<vmem>>) dst(%dma_wait3A_76 : memref<10240x128xf32, #tpu.memory_space<vmem_shared>>)
        tpu.yield
      }) : () -> ()
      %add3A_46 = arith.constant 2 : i32
      %add3A_47 = arith.addi %mul3A_43, %add3A_46 : i32
      %lt3A = arith.constant 80 : i32
      %lt3A_48 = arith.cmpi slt, %add3A_47, %lt3A : i32
      %convert_element_type3A = arith.extui %lt3A_48 : i1 to i32
      %cond3A = arith.constant 0 : i32
      %cond3A_49 = arith.cmpi ne, %convert_element_type3A, %cond3A : i32
      scf.if %cond3A_49 {
        %add3A_64 = arith.constant 2 : i32
        %add3A_65 = arith.addi %mul3A_43, %add3A_64 : i32
        "tpu.region"() ({
          %run_scoped3A_69 = tpu.sem_alloc : memref<!tpu.dma_semaphore, #tpu.memory_space<semaphore_mem>>
          %dma_start3A_70 = arith.constant 0 : i32
          %dma_start3A_71 = tpu.memref_slice %arg3[%arg0, %arg1, %add3A_65, %dma_start3A_70] : memref<2x16x80x128xi32, #tpu.memory_space<hbm>> -> memref<1x1x1x128xi32, #tpu.memory_space<hbm>>
          %dma_start3A_72 = tpu.memref_squeeze %dma_start3A_71 : memref<1x1x1x128xi32, #tpu.memory_space<hbm>> -> memref<128xi32, #tpu.memory_space<hbm>>
          %dma_start3A_73 = arith.constant 0 : i32
          %dma_start3A_74 = tpu.memref_slice %arg3[%arg0, %arg1, %add3A_65, %dma_start3A_73] : memref<2x16x80x128xi32, #tpu.memory_space<hbm>> -> memref<1x1x1x128xi32, #tpu.memory_space<hbm>>
          %dma_start3A_75 = tpu.memref_squeeze %dma_start3A_74 : memref<1x1x1x128xi32, #tpu.memory_space<hbm>> -> memref<128xi32, #tpu.memory_space<hbm>>
          tpu.enqueue_dma source(%dma_start3A_75 : memref<128xi32, #tpu.memory_space<hbm>>) target(%arg7 : memref<128xi32, #tpu.memory_space<vmem>>) target_semaphore(%run_scoped3A_69 : memref<!tpu.dma_semaphore, #tpu.memory_space<semaphore_mem>>)
          %dma_wait3A_76 = arith.constant 0 : i32
          %dma_wait3A_77 = tpu.memref_slice %arg3[%arg0, %arg1, %add3A_65, %dma_wait3A_76] : memref<2x16x80x128xi32, #tpu.memory_space<hbm>> -> memref<1x1x1x128xi32, #tpu.memory_space<hbm>>
          %dma_wait3A_78 = tpu.memref_squeeze %dma_wait3A_77 : memref<1x1x1x128xi32, #tpu.memory_space<hbm>> -> memref<128xi32, #tpu.memory_space<hbm>>
          %dma_wait3A_79 = arith.constant 0 : i32
          %dma_wait3A_80 = tpu.memref_slice %arg3[%arg0, %arg1, %add3A_65, %dma_wait3A_79] : memref<2x16x80x128xi32, #tpu.memory_space<hbm>> -> memref<1x1x1x128xi32, #tpu.memory_space<hbm>>
          %dma_wait3A_81 = tpu.memref_squeeze %dma_wait3A_80 : memref<1x1x1x128xi32, #tpu.memory_space<hbm>> -> memref<128xi32, #tpu.memory_space<hbm>>
          tpu.wait_dma2 semaphore(%run_scoped3A_69 : memref<!tpu.dma_semaphore, #tpu.memory_space<semaphore_mem>>) src(%dma_wait3A_81 : memref<128xi32, #tpu.memory_space<hbm>>) dst(%arg7 : memref<128xi32, #tpu.memory_space<vmem>>)
          tpu.yield
        }) : () -> ()
        %dma_start3A_66 = arith.constant 0 : i32
        %dma_start3A_67 = arith.constant 0 : i32
        %dma_start3A_68 = tpu.memref_slice %arg2[%dma_start3A_66, %dma_start3A_67] : memref<10000x128xf32, #tpu.memory_space<hbm>> -> memref<10000x128xf32, #tpu.memory_space<hbm>>
        tpu.enqueue_indirect_dma source(%dma_start3A_68 : memref<10000x128xf32, #tpu.memory_space<hbm>>) target(%arg9 : memref<128x128xf32, #tpu.memory_space<vmem>>) offsets(%arg7 : memref<128xi32, #tpu.memory_space<vmem>>) semaphore(%arg12 : memref<!tpu.dma_semaphore, #tpu.memory_space<semaphore_mem>>)
      } else {
      }
      %mul3A_50 = arith.constant 2 : i32
      %mul3A_51 = arith.muli %mul3A_50, %scan3A_41 : i32
      %add3A_52 = arith.constant 1 : i32
      %add3A_53 = arith.addi %mul3A_51, %add3A_52 : i32
      %dma_wait3A_54 = arith.constant 0 : i32
      %dma_wait3A_55 = arith.constant 0 : i32
      %dma_wait3A_56 = tpu.memref_slice %arg2[%dma_wait3A_54, %dma_wait3A_55] : memref<10000x128xf32, #tpu.memory_space<hbm>> -> memref<10000x128xf32, #tpu.memory_space<hbm>>
      tpu.wait_indirect_dma semaphore(%arg13 : memref<!tpu.dma_semaphore, #tpu.memory_space<semaphore_mem>>) src(%dma_wait3A_56 : memref<10000x128xf32, #tpu.memory_space<hbm>>) dst(%arg10 : memref<128x128xf32, #tpu.memory_space<vmem>>)
      "tpu.region"() ({
        %run_scoped3A_64 = tpu.sem_alloc : memref<!tpu.dma_semaphore, #tpu.memory_space<semaphore_mem>>
        %dma_start3A_65 = arith.constant 0 : i32
        %dma_start3A_66 = tpu.memref_slice %arg6[%add3A_53, %dma_start3A_65] : memref<80x128xi32, #tpu.memory_space<vmem>> -> memref<1x128xi32, #tpu.memory_space<vmem>>
        %dma_start3A_67 = tpu.memref_squeeze %dma_start3A_66 : memref<1x128xi32, #tpu.memory_space<vmem>> -> memref<128xi32, #tpu.memory_space<vmem>>
        %dma_start3A_68 = arith.constant 0 : i32
        %dma_start3A_69 = arith.constant 0 : i32
        %dma_start3A_70 = tpu.memref_slice %arg11[%dma_start3A_68, %dma_start3A_69] : memref<10240x128xf32, #tpu.memory_space<vmem_shared>> -> memref<10240x128xf32, #tpu.memory_space<vmem_shared>>
        tpu.enqueue_indirect_dma source(%arg10 : memref<128x128xf32, #tpu.memory_space<vmem>>) target(%dma_start3A_70 : memref<10240x128xf32, #tpu.memory_space<vmem_shared>>) offsets(%dma_start3A_67 : memref<128xi32, #tpu.memory_space<vmem>>) semaphore(%run_scoped3A_64 : memref<!tpu.dma_semaphore, #tpu.memory_space<semaphore_mem>>) {add = true}
        %dma_wait3A_71 = arith.constant 0 : i32
        %dma_wait3A_72 = tpu.memref_slice %arg6[%add3A_53, %dma_wait3A_71] : memref<80x128xi32, #tpu.memory_space<vmem>> -> memref<1x128xi32, #tpu.memory_space<vmem>>
        %dma_wait3A_73 = tpu.memref_squeeze %dma_wait3A_72 : memref<1x128xi32, #tpu.memory_space<vmem>> -> memref<128xi32, #tpu.memory_space<vmem>>
        %dma_wait3A_74 = arith.constant 0 : i32
        %dma_wait3A_75 = arith.constant 0 : i32
        %dma_wait3A_76 = tpu.memref_slice %arg11[%dma_wait3A_74, %dma_wait3A_75] : memref<10240x128xf32, #tpu.memory_space<vmem_shared>> -> memref<10240x128xf32, #tpu.memory_space<vmem_shared>>
        tpu.wait_indirect_dma semaphore(%run_scoped3A_64 : memref<!tpu.dma_semaphore, #tpu.memory_space<semaphore_mem>>) src(%arg10 : memref<128x128xf32, #tpu.memory_space<vmem>>) dst(%dma_wait3A_76 : memref<10240x128xf32, #tpu.memory_space<vmem_shared>>)
        tpu.yield
      }) : () -> ()
      %add3A_57 = arith.constant 2 : i32
      %add3A_58 = arith.addi %add3A_53, %add3A_57 : i32
      %lt3A_59 = arith.constant 80 : i32
      %lt3A_60 = arith.cmpi slt, %add3A_58, %lt3A_59 : i32
      %convert_element_type3A_61 = arith.extui %lt3A_60 : i1 to i32
      %cond3A_62 = arith.constant 0 : i32
      %cond3A_63 = arith.cmpi ne, %convert_element_type3A_61, %cond3A_62 : i32
      scf.if %cond3A_63 {
        %add3A_64 = arith.constant 2 : i32
        %add3A_65 = arith.addi %add3A_53, %add3A_64 : i32
        "tpu.region"() ({
          %run_scoped3A_69 = tpu.sem_alloc : memref<!tpu.dma_semaphore, #tpu.memory_space<semaphore_mem>>
          %dma_start3A_70 = arith.constant 0 : i32
          %dma_start3A_71 = tpu.memref_slice %arg3[%arg0, %arg1, %add3A_65, %dma_start3A_70] : memref<2x16x80x128xi32, #tpu.memory_space<hbm>> -> memref<1x1x1x128xi32, #tpu.memory_space<hbm>>
          %dma_start3A_72 = tpu.memref_squeeze %dma_start3A_71 : memref<1x1x1x128xi32, #tpu.memory_space<hbm>> -> memref<128xi32, #tpu.memory_space<hbm>>
          %dma_start3A_73 = arith.constant 0 : i32
          %dma_start3A_74 = tpu.memref_slice %arg3[%arg0, %arg1, %add3A_65, %dma_start3A_73] : memref<2x16x80x128xi32, #tpu.memory_space<hbm>> -> memref<1x1x1x128xi32, #tpu.memory_space<hbm>>
          %dma_start3A_75 = tpu.memref_squeeze %dma_start3A_74 : memref<1x1x1x128xi32, #tpu.memory_space<hbm>> -> memref<128xi32, #tpu.memory_space<hbm>>
          tpu.enqueue_dma source(%dma_start3A_75 : memref<128xi32, #tpu.memory_space<hbm>>) target(%arg8 : memref<128xi32, #tpu.memory_space<vmem>>) target_semaphore(%run_scoped3A_69 : memref<!tpu.dma_semaphore, #tpu.memory_space<semaphore_mem>>)
          %dma_wait3A_76 = arith.constant 0 : i32
          %dma_wait3A_77 = tpu.memref_slice %arg3[%arg0, %arg1, %add3A_65, %dma_wait3A_76] : memref<2x16x80x128xi32, #tpu.memory_space<hbm>> -> memref<1x1x1x128xi32, #tpu.memory_space<hbm>>
          %dma_wait3A_78 = tpu.memref_squeeze %dma_wait3A_77 : memref<1x1x1x128xi32, #tpu.memory_space<hbm>> -> memref<128xi32, #tpu.memory_space<hbm>>
          %dma_wait3A_79 = arith.constant 0 : i32
          %dma_wait3A_80 = tpu.memref_slice %arg3[%arg0, %arg1, %add3A_65, %dma_wait3A_79] : memref<2x16x80x128xi32, #tpu.memory_space<hbm>> -> memref<1x1x1x128xi32, #tpu.memory_space<hbm>>
          %dma_wait3A_81 = tpu.memref_squeeze %dma_wait3A_80 : memref<1x1x1x128xi32, #tpu.memory_space<hbm>> -> memref<128xi32, #tpu.memory_space<hbm>>
          tpu.wait_dma2 semaphore(%run_scoped3A_69 : memref<!tpu.dma_semaphore, #tpu.memory_space<semaphore_mem>>) src(%dma_wait3A_81 : memref<128xi32, #tpu.memory_space<hbm>>) dst(%arg8 : memref<128xi32, #tpu.memory_space<vmem>>)
          tpu.yield
        }) : () -> ()
        %dma_start3A_66 = arith.constant 0 : i32
        %dma_start3A_67 = arith.constant 0 : i32
        %dma_start3A_68 = tpu.memref_slice %arg2[%dma_start3A_66, %dma_start3A_67] : memref<10000x128xf32, #tpu.memory_space<hbm>> -> memref<10000x128xf32, #tpu.memory_space<hbm>>
        tpu.enqueue_indirect_dma source(%dma_start3A_68 : memref<10000x128xf32, #tpu.memory_space<hbm>>) target(%arg10 : memref<128x128xf32, #tpu.memory_space<vmem>>) offsets(%arg8 : memref<128xi32, #tpu.memory_space<vmem>>) semaphore(%arg13 : memref<!tpu.dma_semaphore, #tpu.memory_space<semaphore_mem>>)
      } else {
      }
    }
    %scan3A_35 = arith.constant 40 : i32
    %barrier3A_36 = arith.constant 0 : index
    tpu.barrier barrier_id(%barrier3A_36)
    %mul3A_37 = arith.constant 640 : i32
    %mul3A_38 = arith.muli %arg1, %mul3A_37 : i32
    %mul3A_39 = arith.constant 640 : i32
    %mul3A_40 = arith.muli %arg1, %mul3A_39 : i32
    "tpu.region"() ({
      %run_scoped3A_41 = tpu.sem_alloc : memref<!tpu.dma_semaphore, #tpu.memory_space<semaphore_mem>>
      %dma_start3A_42 = arith.constant 0 : i32
      %dma_start3A_43 = tpu.memref_slice %arg5[%arg0, %mul3A_40, %dma_start3A_42] : memref<2x10240x128xf32, #tpu.memory_space<hbm>> -> memref<1x640x128xf32, #tpu.memory_space<hbm>>
      %dma_start3A_44 = tpu.memref_squeeze %dma_start3A_43 : memref<1x640x128xf32, #tpu.memory_space<hbm>> -> memref<640x128xf32, #tpu.memory_space<hbm>>
      %dma_start3A_45 = arith.constant 0 : i32
      %dma_start3A_46 = tpu.memref_slice %arg11[%mul3A_38, %dma_start3A_45] : memref<10240x128xf32, #tpu.memory_space<vmem_shared>> -> memref<640x128xf32, #tpu.memory_space<vmem_shared>>
      tpu.enqueue_dma source(%dma_start3A_46 : memref<640x128xf32, #tpu.memory_space<vmem_shared>>) target(%dma_start3A_44 : memref<640x128xf32, #tpu.memory_space<hbm>>) target_semaphore(%run_scoped3A_41 : memref<!tpu.dma_semaphore, #tpu.memory_space<semaphore_mem>>)
      %dma_wait3A = arith.constant 0 : i32
      %dma_wait3A_47 = tpu.memref_slice %arg5[%arg0, %mul3A_40, %dma_wait3A] : memref<2x10240x128xf32, #tpu.memory_space<hbm>> -> memref<1x640x128xf32, #tpu.memory_space<hbm>>
      %dma_wait3A_48 = tpu.memref_squeeze %dma_wait3A_47 : memref<1x640x128xf32, #tpu.memory_space<hbm>> -> memref<640x128xf32, #tpu.memory_space<hbm>>
      %dma_wait3A_49 = arith.constant 0 : i32
      %dma_wait3A_50 = tpu.memref_slice %arg11[%mul3A_38, %dma_wait3A_49] : memref<10240x128xf32, #tpu.memory_space<vmem_shared>> -> memref<640x128xf32, #tpu.memory_space<vmem_shared>>
      tpu.wait_dma2 semaphore(%run_scoped3A_41 : memref<!tpu.dma_semaphore, #tpu.memory_space<semaphore_mem>>) src(%dma_wait3A_50 : memref<640x128xf32, #tpu.memory_space<vmem_shared>>) dst(%dma_wait3A_48 : memref<640x128xf32, #tpu.memory_space<hbm>>)
      tpu.yield
    }) : () -> ()
    return
  }
}

#map = affine_map<(d0, d1) -> (0, 0, 0, 0)>
#map1 = affine_map<(d0, d1) -> (0, 0, 0)>
module attributes {stable_mosaic.version = 14 : i64} {
  func.func @body(%arg0: i32, %arg1: i32, %arg2: memref<2x16x80x128xi32, #tpu.memory_space<hbm>>, %arg3: memref<2x10240x16xf32, #tpu.memory_space<hbm>>, %arg4: memref<80x128xi32, #tpu.memory_space<vmem>>, %arg5: memref<128x16xf32, #tpu.memory_space<vmem>>, %arg6: memref<10240x16xf32, #tpu.memory_space<vmem_shared>>) attributes {dimension_semantics = [#tpu.dimension_semantics<core_parallel>, #tpu.dimension_semantics<subcore_parallel>], iteration_bounds = array<i64: 2, 16>, scalar_prefetch = 0 : i64, scratch_operands = 3 : i64, tpu.core_type = #tpu.core_type<sc_vector_subcore>, window_params = [{transform_indices = #map}, {transform_indices = #map1}]} {
    "tpu.region"() ({
      %run_scoped3A = tpu.sem_alloc : memref<!tpu.dma_semaphore, #tpu.memory_space<semaphore_mem>>
      %dma_start3A = arith.constant 0 : i32
      %dma_start3A_46 = arith.constant 0 : i32
      %dma_start3A_47 = tpu.memref_slice %arg2[%arg0, %arg1, %dma_start3A, %dma_start3A_46] : memref<2x16x80x128xi32, #tpu.memory_space<hbm>> -> memref<1x1x80x128xi32, #tpu.memory_space<hbm>>
      %dma_start3A_48 = tpu.memref_squeeze %dma_start3A_47 : memref<1x1x80x128xi32, #tpu.memory_space<hbm>> -> memref<80x128xi32, #tpu.memory_space<hbm>>
      %dma_start3A_49 = arith.constant 0 : i32
      %dma_start3A_50 = arith.constant 0 : i32
      %dma_start3A_51 = tpu.memref_slice %arg2[%arg0, %arg1, %dma_start3A_49, %dma_start3A_50] : memref<2x16x80x128xi32, #tpu.memory_space<hbm>> -> memref<1x1x80x128xi32, #tpu.memory_space<hbm>>
      %dma_start3A_52 = tpu.memref_squeeze %dma_start3A_51 : memref<1x1x80x128xi32, #tpu.memory_space<hbm>> -> memref<80x128xi32, #tpu.memory_space<hbm>>
      tpu.enqueue_dma source(%dma_start3A_52 : memref<80x128xi32, #tpu.memory_space<hbm>>) target(%arg4 : memref<80x128xi32, #tpu.memory_space<vmem>>) target_semaphore(%run_scoped3A : memref<!tpu.dma_semaphore, #tpu.memory_space<semaphore_mem>>)
      %dma_wait3A = arith.constant 0 : i32
      %dma_wait3A_53 = arith.constant 0 : i32
      %dma_wait3A_54 = tpu.memref_slice %arg2[%arg0, %arg1, %dma_wait3A, %dma_wait3A_53] : memref<2x16x80x128xi32, #tpu.memory_space<hbm>> -> memref<1x1x80x128xi32, #tpu.memory_space<hbm>>
      %dma_wait3A_55 = tpu.memref_squeeze %dma_wait3A_54 : memref<1x1x80x128xi32, #tpu.memory_space<hbm>> -> memref<80x128xi32, #tpu.memory_space<hbm>>
      %dma_wait3A_56 = arith.constant 0 : i32
      %dma_wait3A_57 = arith.constant 0 : i32
      %dma_wait3A_58 = tpu.memref_slice %arg2[%arg0, %arg1, %dma_wait3A_56, %dma_wait3A_57] : memref<2x16x80x128xi32, #tpu.memory_space<hbm>> -> memref<1x1x80x128xi32, #tpu.memory_space<hbm>>
      %dma_wait3A_59 = tpu.memref_squeeze %dma_wait3A_58 : memref<1x1x80x128xi32, #tpu.memory_space<hbm>> -> memref<80x128xi32, #tpu.memory_space<hbm>>
      tpu.wait_dma2 semaphore(%run_scoped3A : memref<!tpu.dma_semaphore, #tpu.memory_space<semaphore_mem>>) src(%dma_wait3A_59 : memref<80x128xi32, #tpu.memory_space<hbm>>) dst(%arg4 : memref<80x128xi32, #tpu.memory_space<vmem>>)
      tpu.yield
    }) : () -> ()
    %broadcast_in_dim3A = arith.constant 0.000000e+00 : f32
    %broadcast_in_dim3A_0 = vector.broadcast %broadcast_in_dim3A : f32 to vector<16xf32>
    %scan3A = arith.constant 0 : i32
    %scan3A_1 = arith.constant 0 : i32
    %scan3A_2 = arith.constant 128 : i32
    %scan3A_3 = arith.addi %scan3A_1, %scan3A_2 : i32
    %scan3A_4 = arith.constant 1 : i32
    scf.for %scan3A_46 = %scan3A_1 to %scan3A_3 step %scan3A_4  : i32 {
      %swap3A = arith.index_cast %scan3A_46 : i32 to index
      %swap3A_47 = arith.constant 0 : index
      %swap3A_48 = tpu.vector_load %arg5[%swap3A, %swap3A_47] {strides = array<i32>} : memref<128x16xf32, #tpu.memory_space<vmem>>, vector<1x16xf32>,
      %swap3A_49 = vector.shape_cast %swap3A_48 : vector<1x16xf32> to vector<16xf32>
      %swap3A_50 = vector.shape_cast %broadcast_in_dim3A_0 : vector<16xf32> to vector<1x16xf32>
      tpu.vector_store %arg5[%swap3A, %swap3A_47], %swap3A_50 {strides = array<i32>} : memref<128x16xf32, #tpu.memory_space<vmem>>, vector<1x16xf32>,
    }
    %scan3A_5 = arith.constant 128 : i32
    %mul3A = arith.constant 640 : i32
    %mul3A_6 = arith.muli %arg1, %mul3A : i32
    %add3A = arith.constant 0 : i32
    %add3A_7 = arith.addi %mul3A_6, %add3A : i32
    "tpu.region"() ({
      %run_scoped3A = tpu.sem_alloc : memref<!tpu.dma_semaphore, #tpu.memory_space<semaphore_mem>>
      %dma_start3A = arith.constant 0 : i32
      %dma_start3A_46 = tpu.memref_slice %arg6[%add3A_7, %dma_start3A] : memref<10240x16xf32, #tpu.memory_space<vmem_shared>> -> memref<128x16xf32, #tpu.memory_space<vmem_shared>>
      %dma_start3A_47 = arith.constant 0 : i32
      %dma_start3A_48 = tpu.memref_slice %arg6[%add3A_7, %dma_start3A_47] : memref<10240x16xf32, #tpu.memory_space<vmem_shared>> -> memref<128x16xf32, #tpu.memory_space<vmem_shared>>
      tpu.enqueue_dma source(%arg5 : memref<128x16xf32, #tpu.memory_space<vmem>>) target(%dma_start3A_48 : memref<128x16xf32, #tpu.memory_space<vmem_shared>>) target_semaphore(%run_scoped3A : memref<!tpu.dma_semaphore, #tpu.memory_space<semaphore_mem>>)
      %dma_wait3A = arith.constant 0 : i32
      %dma_wait3A_49 = tpu.memref_slice %arg6[%add3A_7, %dma_wait3A] : memref<10240x16xf32, #tpu.memory_space<vmem_shared>> -> memref<128x16xf32, #tpu.memory_space<vmem_shared>>
      %dma_wait3A_50 = arith.constant 0 : i32
      %dma_wait3A_51 = tpu.memref_slice %arg6[%add3A_7, %dma_wait3A_50] : memref<10240x16xf32, #tpu.memory_space<vmem_shared>> -> memref<128x16xf32, #tpu.memory_space<vmem_shared>>
      tpu.wait_dma2 semaphore(%run_scoped3A : memref<!tpu.dma_semaphore, #tpu.memory_space<semaphore_mem>>) src(%arg5 : memref<128x16xf32, #tpu.memory_space<vmem>>) dst(%dma_wait3A_51 : memref<128x16xf32, #tpu.memory_space<vmem_shared>>)
      tpu.yield
    }) : () -> ()
    %mul3A_8 = arith.constant 640 : i32
    %mul3A_9 = arith.muli %arg1, %mul3A_8 : i32
    %add3A_10 = arith.constant 128 : i32
    %add3A_11 = arith.addi %mul3A_9, %add3A_10 : i32
    "tpu.region"() ({
      %run_scoped3A = tpu.sem_alloc : memref<!tpu.dma_semaphore, #tpu.memory_space<semaphore_mem>>
      %dma_start3A = arith.constant 0 : i32
      %dma_start3A_46 = tpu.memref_slice %arg6[%add3A_11, %dma_start3A] : memref<10240x16xf32, #tpu.memory_space<vmem_shared>> -> memref<128x16xf32, #tpu.memory_space<vmem_shared>>
      %dma_start3A_47 = arith.constant 0 : i32
      %dma_start3A_48 = tpu.memref_slice %arg6[%add3A_11, %dma_start3A_47] : memref<10240x16xf32, #tpu.memory_space<vmem_shared>> -> memref<128x16xf32, #tpu.memory_space<vmem_shared>>
      tpu.enqueue_dma source(%arg5 : memref<128x16xf32, #tpu.memory_space<vmem>>) target(%dma_start3A_48 : memref<128x16xf32, #tpu.memory_space<vmem_shared>>) target_semaphore(%run_scoped3A : memref<!tpu.dma_semaphore, #tpu.memory_space<semaphore_mem>>)
      %dma_wait3A = arith.constant 0 : i32
      %dma_wait3A_49 = tpu.memref_slice %arg6[%add3A_11, %dma_wait3A] : memref<10240x16xf32, #tpu.memory_space<vmem_shared>> -> memref<128x16xf32, #tpu.memory_space<vmem_shared>>
      %dma_wait3A_50 = arith.constant 0 : i32
      %dma_wait3A_51 = tpu.memref_slice %arg6[%add3A_11, %dma_wait3A_50] : memref<10240x16xf32, #tpu.memory_space<vmem_shared>> -> memref<128x16xf32, #tpu.memory_space<vmem_shared>>
      tpu.wait_dma2 semaphore(%run_scoped3A : memref<!tpu.dma_semaphore, #tpu.memory_space<semaphore_mem>>) src(%arg5 : memref<128x16xf32, #tpu.memory_space<vmem>>) dst(%dma_wait3A_51 : memref<128x16xf32, #tpu.memory_space<vmem_shared>>)
      tpu.yield
    }) : () -> ()
    %mul3A_12 = arith.constant 640 : i32
    %mul3A_13 = arith.muli %arg1, %mul3A_12 : i32
    %add3A_14 = arith.constant 256 : i32
    %add3A_15 = arith.addi %mul3A_13, %add3A_14 : i32
    "tpu.region"() ({
      %run_scoped3A = tpu.sem_alloc : memref<!tpu.dma_semaphore, #tpu.memory_space<semaphore_mem>>
      %dma_start3A = arith.constant 0 : i32
      %dma_start3A_46 = tpu.memref_slice %arg6[%add3A_15, %dma_start3A] : memref<10240x16xf32, #tpu.memory_space<vmem_shared>> -> memref<128x16xf32, #tpu.memory_space<vmem_shared>>
      %dma_start3A_47 = arith.constant 0 : i32
      %dma_start3A_48 = tpu.memref_slice %arg6[%add3A_15, %dma_start3A_47] : memref<10240x16xf32, #tpu.memory_space<vmem_shared>> -> memref<128x16xf32, #tpu.memory_space<vmem_shared>>
      tpu.enqueue_dma source(%arg5 : memref<128x16xf32, #tpu.memory_space<vmem>>) target(%dma_start3A_48 : memref<128x16xf32, #tpu.memory_space<vmem_shared>>) target_semaphore(%run_scoped3A : memref<!tpu.dma_semaphore, #tpu.memory_space<semaphore_mem>>)
      %dma_wait3A = arith.constant 0 : i32
      %dma_wait3A_49 = tpu.memref_slice %arg6[%add3A_15, %dma_wait3A] : memref<10240x16xf32, #tpu.memory_space<vmem_shared>> -> memref<128x16xf32, #tpu.memory_space<vmem_shared>>
      %dma_wait3A_50 = arith.constant 0 : i32
      %dma_wait3A_51 = tpu.memref_slice %arg6[%add3A_15, %dma_wait3A_50] : memref<10240x16xf32, #tpu.memory_space<vmem_shared>> -> memref<128x16xf32, #tpu.memory_space<vmem_shared>>
      tpu.wait_dma2 semaphore(%run_scoped3A : memref<!tpu.dma_semaphore, #tpu.memory_space<semaphore_mem>>) src(%arg5 : memref<128x16xf32, #tpu.memory_space<vmem>>) dst(%dma_wait3A_51 : memref<128x16xf32, #tpu.memory_space<vmem_shared>>)
      tpu.yield
    }) : () -> ()
    %mul3A_16 = arith.constant 640 : i32
    %mul3A_17 = arith.muli %arg1, %mul3A_16 : i32
    %add3A_18 = arith.constant 384 : i32
    %add3A_19 = arith.addi %mul3A_17, %add3A_18 : i32
    "tpu.region"() ({
      %run_scoped3A = tpu.sem_alloc : memref<!tpu.dma_semaphore, #tpu.memory_space<semaphore_mem>>
      %dma_start3A = arith.constant 0 : i32
      %dma_start3A_46 = tpu.memref_slice %arg6[%add3A_19, %dma_start3A] : memref<10240x16xf32, #tpu.memory_space<vmem_shared>> -> memref<128x16xf32, #tpu.memory_space<vmem_shared>>
      %dma_start3A_47 = arith.constant 0 : i32
      %dma_start3A_48 = tpu.memref_slice %arg6[%add3A_19, %dma_start3A_47] : memref<10240x16xf32, #tpu.memory_space<vmem_shared>> -> memref<128x16xf32, #tpu.memory_space<vmem_shared>>
      tpu.enqueue_dma source(%arg5 : memref<128x16xf32, #tpu.memory_space<vmem>>) target(%dma_start3A_48 : memref<128x16xf32, #tpu.memory_space<vmem_shared>>) target_semaphore(%run_scoped3A : memref<!tpu.dma_semaphore, #tpu.memory_space<semaphore_mem>>)
      %dma_wait3A = arith.constant 0 : i32
      %dma_wait3A_49 = tpu.memref_slice %arg6[%add3A_19, %dma_wait3A] : memref<10240x16xf32, #tpu.memory_space<vmem_shared>> -> memref<128x16xf32, #tpu.memory_space<vmem_shared>>
      %dma_wait3A_50 = arith.constant 0 : i32
      %dma_wait3A_51 = tpu.memref_slice %arg6[%add3A_19, %dma_wait3A_50] : memref<10240x16xf32, #tpu.memory_space<vmem_shared>> -> memref<128x16xf32, #tpu.memory_space<vmem_shared>>
      tpu.wait_dma2 semaphore(%run_scoped3A : memref<!tpu.dma_semaphore, #tpu.memory_space<semaphore_mem>>) src(%arg5 : memref<128x16xf32, #tpu.memory_space<vmem>>) dst(%dma_wait3A_51 : memref<128x16xf32, #tpu.memory_space<vmem_shared>>)
      tpu.yield
    }) : () -> ()
    %mul3A_20 = arith.constant 640 : i32
    %mul3A_21 = arith.muli %arg1, %mul3A_20 : i32
    %add3A_22 = arith.constant 512 : i32
    %add3A_23 = arith.addi %mul3A_21, %add3A_22 : i32
    "tpu.region"() ({
      %run_scoped3A = tpu.sem_alloc : memref<!tpu.dma_semaphore, #tpu.memory_space<semaphore_mem>>
      %dma_start3A = arith.constant 0 : i32
      %dma_start3A_46 = tpu.memref_slice %arg6[%add3A_23, %dma_start3A] : memref<10240x16xf32, #tpu.memory_space<vmem_shared>> -> memref<128x16xf32, #tpu.memory_space<vmem_shared>>
      %dma_start3A_47 = arith.constant 0 : i32
      %dma_start3A_48 = tpu.memref_slice %arg6[%add3A_23, %dma_start3A_47] : memref<10240x16xf32, #tpu.memory_space<vmem_shared>> -> memref<128x16xf32, #tpu.memory_space<vmem_shared>>
      tpu.enqueue_dma source(%arg5 : memref<128x16xf32, #tpu.memory_space<vmem>>) target(%dma_start3A_48 : memref<128x16xf32, #tpu.memory_space<vmem_shared>>) target_semaphore(%run_scoped3A : memref<!tpu.dma_semaphore, #tpu.memory_space<semaphore_mem>>)
      %dma_wait3A = arith.constant 0 : i32
      %dma_wait3A_49 = tpu.memref_slice %arg6[%add3A_23, %dma_wait3A] : memref<10240x16xf32, #tpu.memory_space<vmem_shared>> -> memref<128x16xf32, #tpu.memory_space<vmem_shared>>
      %dma_wait3A_50 = arith.constant 0 : i32
      %dma_wait3A_51 = tpu.memref_slice %arg6[%add3A_23, %dma_wait3A_50] : memref<10240x16xf32, #tpu.memory_space<vmem_shared>> -> memref<128x16xf32, #tpu.memory_space<vmem_shared>>
      tpu.wait_dma2 semaphore(%run_scoped3A : memref<!tpu.dma_semaphore, #tpu.memory_space<semaphore_mem>>) src(%arg5 : memref<128x16xf32, #tpu.memory_space<vmem>>) dst(%dma_wait3A_51 : memref<128x16xf32, #tpu.memory_space<vmem_shared>>)
      tpu.yield
    }) : () -> ()
    %iota3A = tpu.iota {dimensions = array<i32: 0>} : vector<16xi32>
    %eq3A = arith.constant 0 : i32
    %eq3A_24 = vector.broadcast %eq3A : i32 to vector<16xi32>
    %eq3A_25 = arith.cmpi eq, %iota3A, %eq3A_24 : vector<16xi32>
    %jit3A = arith.constant 1.000000e+00 : f32
    %jit3A_26 = arith.constant 0.000000e+00 : f32
    %broadcast_in_dim3A_27 = vector.broadcast %jit3A : f32 to vector<16xf32>
    %broadcast_in_dim3A_28 = vector.broadcast %jit3A_26 : f32 to vector<16xf32>
    %select_n3A = arith.select %eq3A_25, %broadcast_in_dim3A_27, %broadcast_in_dim3A_28 : vector<16xi1>, vector<16xf32>
    %scan3A_29 = arith.constant 0 : i32
    %scan3A_30 = arith.constant 0 : i32
    %scan3A_31 = arith.constant 128 : i32
    %scan3A_32 = arith.addi %scan3A_30, %scan3A_31 : i32
    %scan3A_33 = arith.constant 1 : i32
    scf.for %scan3A_46 = %scan3A_30 to %scan3A_32 step %scan3A_33  : i32 {
      %swap3A = arith.index_cast %scan3A_46 : i32 to index
      %swap3A_47 = arith.constant 0 : index
      %swap3A_48 = tpu.vector_load %arg5[%swap3A, %swap3A_47] {strides = array<i32>} : memref<128x16xf32, #tpu.memory_space<vmem>>, vector<1x16xf32>,
      %swap3A_49 = vector.shape_cast %swap3A_48 : vector<1x16xf32> to vector<16xf32>
      %swap3A_50 = vector.shape_cast %select_n3A : vector<16xf32> to vector<1x16xf32>
      tpu.vector_store %arg5[%swap3A, %swap3A_47], %swap3A_50 {strides = array<i32>} : memref<128x16xf32, #tpu.memory_space<vmem>>, vector<1x16xf32>,
    }
    %scan3A_34 = arith.constant 128 : i32
    %barrier3A = arith.constant 0 : index
    tpu.barrier barrier_id(%barrier3A)
    %scan3A_35 = arith.constant 0 : i32
    %scan3A_36 = arith.constant 0 : i32
    %scan3A_37 = arith.constant 80 : i32
    %scan3A_38 = arith.addi %scan3A_36, %scan3A_37 : i32
    %scan3A_39 = arith.constant 1 : i32
    scf.for %scan3A_46 = %scan3A_36 to %scan3A_38 step %scan3A_39  : i32 {
      "tpu.region"() ({
        %run_scoped3A = tpu.sem_alloc : memref<!tpu.dma_semaphore, #tpu.memory_space<semaphore_mem>>
        %dma_start3A = arith.constant 0 : i32
        %dma_start3A_47 = tpu.memref_slice %arg4[%scan3A_46, %dma_start3A] : memref<80x128xi32, #tpu.memory_space<vmem>> -> memref<1x128xi32, #tpu.memory_space<vmem>>
        %dma_start3A_48 = tpu.memref_squeeze %dma_start3A_47 : memref<1x128xi32, #tpu.memory_space<vmem>> -> memref<128xi32, #tpu.memory_space<vmem>>
        %dma_start3A_49 = arith.constant 0 : i32
        %dma_start3A_50 = arith.constant 0 : i32
        %dma_start3A_51 = tpu.memref_slice %arg6[%dma_start3A_49, %dma_start3A_50] : memref<10240x16xf32, #tpu.memory_space<vmem_shared>> -> memref<10240x16xf32, #tpu.memory_space<vmem_shared>>
        tpu.enqueue_indirect_dma source(%arg5 : memref<128x16xf32, #tpu.memory_space<vmem>>) target(%dma_start3A_51 : memref<10240x16xf32, #tpu.memory_space<vmem_shared>>) offsets(%dma_start3A_48 : memref<128xi32, #tpu.memory_space<vmem>>) semaphore(%run_scoped3A : memref<!tpu.dma_semaphore, #tpu.memory_space<semaphore_mem>>) {add = true}
        %dma_wait3A = arith.constant 0 : i32
        %dma_wait3A_52 = tpu.memref_slice %arg4[%scan3A_46, %dma_wait3A] : memref<80x128xi32, #tpu.memory_space<vmem>> -> memref<1x128xi32, #tpu.memory_space<vmem>>
        %dma_wait3A_53 = tpu.memref_squeeze %dma_wait3A_52 : memref<1x128xi32, #tpu.memory_space<vmem>> -> memref<128xi32, #tpu.memory_space<vmem>>
        %dma_wait3A_54 = arith.constant 0 : i32
        %dma_wait3A_55 = arith.constant 0 : i32
        %dma_wait3A_56 = tpu.memref_slice %arg6[%dma_wait3A_54, %dma_wait3A_55] : memref<10240x16xf32, #tpu.memory_space<vmem_shared>> -> memref<10240x16xf32, #tpu.memory_space<vmem_shared>>
        tpu.wait_indirect_dma semaphore(%run_scoped3A : memref<!tpu.dma_semaphore, #tpu.memory_space<semaphore_mem>>) src(%arg5 : memref<128x16xf32, #tpu.memory_space<vmem>>) dst(%dma_wait3A_56 : memref<10240x16xf32, #tpu.memory_space<vmem_shared>>)
        tpu.yield
      }) : () -> ()
    }
    %scan3A_40 = arith.constant 80 : i32
    %barrier3A_41 = arith.constant 0 : index
    tpu.barrier barrier_id(%barrier3A_41)
    %mul3A_42 = arith.constant 640 : i32
    %mul3A_43 = arith.muli %arg1, %mul3A_42 : i32
    %mul3A_44 = arith.constant 640 : i32
    %mul3A_45 = arith.muli %arg1, %mul3A_44 : i32
    "tpu.region"() ({
      %run_scoped3A = tpu.sem_alloc : memref<!tpu.dma_semaphore, #tpu.memory_space<semaphore_mem>>
      %dma_start3A = arith.constant 0 : i32
      %dma_start3A_46 = tpu.memref_slice %arg3[%arg0, %mul3A_45, %dma_start3A] : memref<2x10240x16xf32, #tpu.memory_space<hbm>> -> memref<1x640x16xf32, #tpu.memory_space<hbm>>
      %dma_start3A_47 = tpu.memref_squeeze %dma_start3A_46 : memref<1x640x16xf32, #tpu.memory_space<hbm>> -> memref<640x16xf32, #tpu.memory_space<hbm>>
      %dma_start3A_48 = arith.constant 0 : i32
      %dma_start3A_49 = tpu.memref_slice %arg6[%mul3A_43, %dma_start3A_48] : memref<10240x16xf32, #tpu.memory_space<vmem_shared>> -> memref<640x16xf32, #tpu.memory_space<vmem_shared>>
      tpu.enqueue_dma source(%dma_start3A_49 : memref<640x16xf32, #tpu.memory_space<vmem_shared>>) target(%dma_start3A_47 : memref<640x16xf32, #tpu.memory_space<hbm>>) target_semaphore(%run_scoped3A : memref<!tpu.dma_semaphore, #tpu.memory_space<semaphore_mem>>)
      %dma_wait3A = arith.constant 0 : i32
      %dma_wait3A_50 = tpu.memref_slice %arg3[%arg0, %mul3A_45, %dma_wait3A] : memref<2x10240x16xf32, #tpu.memory_space<hbm>> -> memref<1x640x16xf32, #tpu.memory_space<hbm>>
      %dma_wait3A_51 = tpu.memref_squeeze %dma_wait3A_50 : memref<1x640x16xf32, #tpu.memory_space<hbm>> -> memref<640x16xf32, #tpu.memory_space<hbm>>
      %dma_wait3A_52 = arith.constant 0 : i32
      %dma_wait3A_53 = tpu.memref_slice %arg6[%mul3A_43, %dma_wait3A_52] : memref<10240x16xf32, #tpu.memory_space<vmem_shared>> -> memref<640x16xf32, #tpu.memory_space<vmem_shared>>
      tpu.wait_dma2 semaphore(%run_scoped3A : memref<!tpu.dma_semaphore, #tpu.memory_space<semaphore_mem>>) src(%dma_wait3A_53 : memref<640x16xf32, #tpu.memory_space<vmem_shared>>) dst(%dma_wait3A_51 : memref<640x16xf32, #tpu.memory_space<hbm>>)
      tpu.yield
    }) : () -> ()
    return
  }
}

#map = affine_map<(d0, d1) -> (0, 0)>
#map1 = affine_map<(d0, d1) -> (0, 0, 0, 0)>
#map2 = affine_map<(d0, d1) -> (0, 0, 0)>
module attributes {stable_mosaic.version = 14 : i64} {
  func.func @body(%arg0: i32, %arg1: i32, %arg2: memref<10000x128xf32, #tpu.memory_space<hbm>>, %arg3: memref<2x16x80x128xi32, #tpu.memory_space<hbm>>, %arg4: memref<2x16x80x128xi32, #tpu.memory_space<hbm>>, %arg5: memref<2x10240x128xf32, #tpu.memory_space<hbm>>, %arg6: memref<80x128xi32, #tpu.memory_space<vmem>>, %arg7: memref<128xi32, #tpu.memory_space<vmem>>, %arg8: memref<128xi32, #tpu.memory_space<vmem>>, %arg9: memref<128x128xf32, #tpu.memory_space<vmem>>, %arg10: memref<128x128xf32, #tpu.memory_space<vmem>>, %arg11: memref<10240x128xf32, #tpu.memory_space<vmem_shared>>, %arg12: memref<!tpu.dma_semaphore, #tpu.memory_space<semaphore_mem>>, %arg13: memref<!tpu.dma_semaphore, #tpu.memory_space<semaphore_mem>>) attributes {dimension_semantics = [#tpu.dimension_semantics<core_parallel>, #tpu.dimension_semantics<subcore_parallel>], iteration_bounds = array<i64: 2, 16>, scalar_prefetch = 0 : i64, scratch_operands = 8 : i64, tpu.core_type = #tpu.core_type<sc_vector_subcore>, window_params = [{transform_indices = #map}, {transform_indices = #map1}, {transform_indices = #map1}, {transform_indices = #map2}]} {
    "tpu.region"() ({
      %run_scoped3A_41 = tpu.sem_alloc : memref<!tpu.dma_semaphore, #tpu.memory_space<semaphore_mem>>
      %dma_start3A_42 = arith.constant 0 : i32
      %dma_start3A_43 = arith.constant 0 : i32
      %dma_start3A_44 = tpu.memref_slice %arg4[%arg0, %arg1, %dma_start3A_42, %dma_start3A_43] : memref<2x16x80x128xi32, #tpu.memory_space<hbm>> -> memref<1x1x80x128xi32, #tpu.memory_space<hbm>>
      %dma_start3A_45 = tpu.memref_squeeze %dma_start3A_44 : memref<1x1x80x128xi32, #tpu.memory_space<hbm>> -> memref<80x128xi32, #tpu.memory_space<hbm>>
      %dma_start3A_46 = arith.constant 0 : i32
      %dma_start3A_47 = arith.constant 0 : i32
      %dma_start3A_48 = tpu.memref_slice %arg4[%arg0, %arg1, %dma_start3A_46, %dma_start3A_47] : memref<2x16x80x128xi32, #tpu.memory_space<hbm>> -> memref<1x1x80x128xi32, #tpu.memory_space<hbm>>
      %dma_start3A_49 = tpu.memref_squeeze %dma_start3A_48 : memref<1x1x80x128xi32, #tpu.memory_space<hbm>> -> memref<80x128xi32, #tpu.memory_space<hbm>>
      tpu.enqueue_dma source(%dma_start3A_49 : memref<80x128xi32, #tpu.memory_space<hbm>>) target(%arg6 : memref<80x128xi32, #tpu.memory_space<vmem>>) target_semaphore(%run_scoped3A_41 : memref<!tpu.dma_semaphore, #tpu.memory_space<semaphore_mem>>)
      %dma_wait3A = arith.constant 0 : i32
      %dma_wait3A_50 = arith.constant 0 : i32
      %dma_wait3A_51 = tpu.memref_slice %arg4[%arg0, %arg1, %dma_wait3A, %dma_wait3A_50] : memref<2x16x80x128xi32, #tpu.memory_space<hbm>> -> memref<1x1x80x128xi32, #tpu.memory_space<hbm>>
      %dma_wait3A_52 = tpu.memref_squeeze %dma_wait3A_51 : memref<1x1x80x128xi32, #tpu.memory_space<hbm>> -> memref<80x128xi32, #tpu.memory_space<hbm>>
      %dma_wait3A_53 = arith.constant 0 : i32
      %dma_wait3A_54 = arith.constant 0 : i32
      %dma_wait3A_55 = tpu.memref_slice %arg4[%arg0, %arg1, %dma_wait3A_53, %dma_wait3A_54] : memref<2x16x80x128xi32, #tpu.memory_space<hbm>> -> memref<1x1x80x128xi32, #tpu.memory_space<hbm>>
      %dma_wait3A_56 = tpu.memref_squeeze %dma_wait3A_55 : memref<1x1x80x128xi32, #tpu.memory_space<hbm>> -> memref<80x128xi32, #tpu.memory_space<hbm>>
      tpu.wait_dma2 semaphore(%run_scoped3A_41 : memref<!tpu.dma_semaphore, #tpu.memory_space<semaphore_mem>>) src(%dma_wait3A_56 : memref<80x128xi32, #tpu.memory_space<hbm>>) dst(%arg6 : memref<80x128xi32, #tpu.memory_space<vmem>>)
      tpu.yield
    }) : () -> ()
    %broadcast_in_dim3A = arith.constant 0.000000e+00 : f32
    %broadcast_in_dim3A_0 = vector.broadcast %broadcast_in_dim3A : f32 to vector<16xf32>
    %scan3A = arith.constant 0 : i32
    %scan3A_1 = arith.constant 0 : i32
    %scan3A_2 = arith.constant 128 : i32
    %scan3A_3 = arith.addi %scan3A_1, %scan3A_2 : i32
    %scan3A_4 = arith.constant 1 : i32
    scf.for %scan3A_41 = %scan3A_1 to %scan3A_3 step %scan3A_4  : i32 {
      %swap3A = arith.index_cast %scan3A_41 : i32 to index
      %swap3A_42 = arith.constant 0 : index
      %swap3A_43 = tpu.vector_load %arg9[%swap3A, %swap3A_42] {strides = array<i32>} : memref<128x128xf32, #tpu.memory_space<vmem>>, vector<1x16xf32>,
      %swap3A_44 = vector.shape_cast %swap3A_43 : vector<1x16xf32> to vector<16xf32>
      %swap3A_45 = vector.shape_cast %broadcast_in_dim3A_0 : vector<16xf32> to vector<1x16xf32>
      tpu.vector_store %arg9[%swap3A, %swap3A_42], %swap3A_45 {strides = array<i32>} : memref<128x128xf32, #tpu.memory_space<vmem>>, vector<1x16xf32>,
      %swap3A_46 = arith.index_cast %scan3A_41 : i32 to index
      %swap3A_47 = arith.constant 16 : index
      %swap3A_48 = tpu.vector_load %arg9[%swap3A_46, %swap3A_47] {strides = array<i32>} : memref<128x128xf32, #tpu.memory_space<vmem>>, vector<1x16xf32>,
      %swap3A_49 = vector.shape_cast %swap3A_48 : vector<1x16xf32> to vector<16xf32>
      %swap3A_50 = vector.shape_cast %broadcast_in_dim3A_0 : vector<16xf32> to vector<1x16xf32>
      tpu.vector_store %arg9[%swap3A_46, %swap3A_47], %swap3A_50 {strides = array<i32>} : memref<128x128xf32, #tpu.memory_space<vmem>>, vector<1x16xf32>,
      %swap3A_51 = arith.index_cast %scan3A_41 : i32 to index
      %swap3A_52 = arith.constant 32 : index
      %swap3A_53 = tpu.vector_load %arg9[%swap3A_51, %swap3A_52] {strides = array<i32>} : memref<128x128xf32, #tpu.memory_space<vmem>>, vector<1x16xf32>,
      %swap3A_54 = vector.shape_cast %swap3A_53 : vector<1x16xf32> to vector<16xf32>
      %swap3A_55 = vector.shape_cast %broadcast_in_dim3A_0 : vector<16xf32> to vector<1x16xf32>
      tpu.vector_store %arg9[%swap3A_51, %swap3A_52], %swap3A_55 {strides = array<i32>} : memref<128x128xf32, #tpu.memory_space<vmem>>, vector<1x16xf32>,
      %swap3A_56 = arith.index_cast %scan3A_41 : i32 to index
      %swap3A_57 = arith.constant 48 : index
      %swap3A_58 = tpu.vector_load %arg9[%swap3A_56, %swap3A_57] {strides = array<i32>} : memref<128x128xf32, #tpu.memory_space<vmem>>, vector<1x16xf32>,
      %swap3A_59 = vector.shape_cast %swap3A_58 : vector<1x16xf32> to vector<16xf32>
      %swap3A_60 = vector.shape_cast %broadcast_in_dim3A_0 : vector<16xf32> to vector<1x16xf32>
      tpu.vector_store %arg9[%swap3A_56, %swap3A_57], %swap3A_60 {strides = array<i32>} : memref<128x128xf32, #tpu.memory_space<vmem>>, vector<1x16xf32>,
      %swap3A_61 = arith.index_cast %scan3A_41 : i32 to index
      %swap3A_62 = arith.constant 64 : index
      %swap3A_63 = tpu.vector_load %arg9[%swap3A_61, %swap3A_62] {strides = array<i32>} : memref<128x128xf32, #tpu.memory_space<vmem>>, vector<1x16xf32>,
      %swap3A_64 = vector.shape_cast %swap3A_63 : vector<1x16xf32> to vector<16xf32>
      %swap3A_65 = vector.shape_cast %broadcast_in_dim3A_0 : vector<16xf32> to vector<1x16xf32>
      tpu.vector_store %arg9[%swap3A_61, %swap3A_62], %swap3A_65 {strides = array<i32>} : memref<128x128xf32, #tpu.memory_space<vmem>>, vector<1x16xf32>,
      %swap3A_66 = arith.index_cast %scan3A_41 : i32 to index
      %swap3A_67 = arith.constant 80 : index
      %swap3A_68 = tpu.vector_load %arg9[%swap3A_66, %swap3A_67] {strides = array<i32>} : memref<128x128xf32, #tpu.memory_space<vmem>>, vector<1x16xf32>,
      %swap3A_69 = vector.shape_cast %swap3A_68 : vector<1x16xf32> to vector<16xf32>
      %swap3A_70 = vector.shape_cast %broadcast_in_dim3A_0 : vector<16xf32> to vector<1x16xf32>
      tpu.vector_store %arg9[%swap3A_66, %swap3A_67], %swap3A_70 {strides = array<i32>} : memref<128x128xf32, #tpu.memory_space<vmem>>, vector<1x16xf32>,
      %swap3A_71 = arith.index_cast %scan3A_41 : i32 to index
      %swap3A_72 = arith.constant 96 : index
      %swap3A_73 = tpu.vector_load %arg9[%swap3A_71, %swap3A_72] {strides = array<i32>} : memref<128x128xf32, #tpu.memory_space<vmem>>, vector<1x16xf32>,
      %swap3A_74 = vector.shape_cast %swap3A_73 : vector<1x16xf32> to vector<16xf32>
      %swap3A_75 = vector.shape_cast %broadcast_in_dim3A_0 : vector<16xf32> to vector<1x16xf32>
      tpu.vector_store %arg9[%swap3A_71, %swap3A_72], %swap3A_75 {strides = array<i32>} : memref<128x128xf32, #tpu.memory_space<vmem>>, vector<1x16xf32>,
      %swap3A_76 = arith.index_cast %scan3A_41 : i32 to index
      %swap3A_77 = arith.constant 112 : index
      %swap3A_78 = tpu.vector_load %arg9[%swap3A_76, %swap3A_77] {strides = array<i32>} : memref<128x128xf32, #tpu.memory_space<vmem>>, vector<1x16xf32>,
      %swap3A_79 = vector.shape_cast %swap3A_78 : vector<1x16xf32> to vector<16xf32>
      %swap3A_80 = vector.shape_cast %broadcast_in_dim3A_0 : vector<16xf32> to vector<1x16xf32>
      tpu.vector_store %arg9[%swap3A_76, %swap3A_77], %swap3A_80 {strides = array<i32>} : memref<128x128xf32, #tpu.memory_space<vmem>>, vector<1x16xf32>,
    }
    %scan3A_5 = arith.constant 128 : i32
    %mul3A = arith.constant 640 : i32
    %mul3A_6 = arith.muli %arg1, %mul3A : i32
    %add3A = arith.constant 0 : i32
    %add3A_7 = arith.addi %mul3A_6, %add3A : i32
    "tpu.region"() ({
      %run_scoped3A_41 = tpu.sem_alloc : memref<!tpu.dma_semaphore, #tpu.memory_space<semaphore_mem>>
      %dma_start3A_42 = arith.constant 0 : i32
      %dma_start3A_43 = tpu.memref_slice %arg11[%add3A_7, %dma_start3A_42] : memref<10240x128xf32, #tpu.memory_space<vmem_shared>> -> memref<128x128xf32, #tpu.memory_space<vmem_shared>>
      %dma_start3A_44 = arith.constant 0 : i32
      %dma_start3A_45 = tpu.memref_slice %arg11[%add3A_7, %dma_start3A_44] : memref<10240x128xf32, #tpu.memory_space<vmem_shared>> -> memref<128x128xf32, #tpu.memory_space<vmem_shared>>
      tpu.enqueue_dma source(%arg9 : memref<128x128xf32, #tpu.memory_space<vmem>>) target(%dma_start3A_45 : memref<128x128xf32, #tpu.memory_space<vmem_shared>>) target_semaphore(%run_scoped3A_41 : memref<!tpu.dma_semaphore, #tpu.memory_space<semaphore_mem>>)
      %dma_wait3A = arith.constant 0 : i32
      %dma_wait3A_46 = tpu.memref_slice %arg11[%add3A_7, %dma_wait3A] : memref<10240x128xf32, #tpu.memory_space<vmem_shared>> -> memref<128x128xf32, #tpu.memory_space<vmem_shared>>
      %dma_wait3A_47 = arith.constant 0 : i32
      %dma_wait3A_48 = tpu.memref_slice %arg11[%add3A_7, %dma_wait3A_47] : memref<10240x128xf32, #tpu.memory_space<vmem_shared>> -> memref<128x128xf32, #tpu.memory_space<vmem_shared>>
      tpu.wait_dma2 semaphore(%run_scoped3A_41 : memref<!tpu.dma_semaphore, #tpu.memory_space<semaphore_mem>>) src(%arg9 : memref<128x128xf32, #tpu.memory_space<vmem>>) dst(%dma_wait3A_48 : memref<128x128xf32, #tpu.memory_space<vmem_shared>>)
      tpu.yield
    }) : () -> ()
    %mul3A_8 = arith.constant 640 : i32
    %mul3A_9 = arith.muli %arg1, %mul3A_8 : i32
    %add3A_10 = arith.constant 128 : i32
    %add3A_11 = arith.addi %mul3A_9, %add3A_10 : i32
    "tpu.region"() ({
      %run_scoped3A_41 = tpu.sem_alloc : memref<!tpu.dma_semaphore, #tpu.memory_space<semaphore_mem>>
      %dma_start3A_42 = arith.constant 0 : i32
      %dma_start3A_43 = tpu.memref_slice %arg11[%add3A_11, %dma_start3A_42] : memref<10240x128xf32, #tpu.memory_space<vmem_shared>> -> memref<128x128xf32, #tpu.memory_space<vmem_shared>>
      %dma_start3A_44 = arith.constant 0 : i32
      %dma_start3A_45 = tpu.memref_slice %arg11[%add3A_11, %dma_start3A_44] : memref<10240x128xf32, #tpu.memory_space<vmem_shared>> -> memref<128x128xf32, #tpu.memory_space<vmem_shared>>
      tpu.enqueue_dma source(%arg9 : memref<128x128xf32, #tpu.memory_space<vmem>>) target(%dma_start3A_45 : memref<128x128xf32, #tpu.memory_space<vmem_shared>>) target_semaphore(%run_scoped3A_41 : memref<!tpu.dma_semaphore, #tpu.memory_space<semaphore_mem>>)
      %dma_wait3A = arith.constant 0 : i32
      %dma_wait3A_46 = tpu.memref_slice %arg11[%add3A_11, %dma_wait3A] : memref<10240x128xf32, #tpu.memory_space<vmem_shared>> -> memref<128x128xf32, #tpu.memory_space<vmem_shared>>
      %dma_wait3A_47 = arith.constant 0 : i32
      %dma_wait3A_48 = tpu.memref_slice %arg11[%add3A_11, %dma_wait3A_47] : memref<10240x128xf32, #tpu.memory_space<vmem_shared>> -> memref<128x128xf32, #tpu.memory_space<vmem_shared>>
      tpu.wait_dma2 semaphore(%run_scoped3A_41 : memref<!tpu.dma_semaphore, #tpu.memory_space<semaphore_mem>>) src(%arg9 : memref<128x128xf32, #tpu.memory_space<vmem>>) dst(%dma_wait3A_48 : memref<128x128xf32, #tpu.memory_space<vmem_shared>>)
      tpu.yield
    }) : () -> ()
    %mul3A_12 = arith.constant 640 : i32
    %mul3A_13 = arith.muli %arg1, %mul3A_12 : i32
    %add3A_14 = arith.constant 256 : i32
    %add3A_15 = arith.addi %mul3A_13, %add3A_14 : i32
    "tpu.region"() ({
      %run_scoped3A_41 = tpu.sem_alloc : memref<!tpu.dma_semaphore, #tpu.memory_space<semaphore_mem>>
      %dma_start3A_42 = arith.constant 0 : i32
      %dma_start3A_43 = tpu.memref_slice %arg11[%add3A_15, %dma_start3A_42] : memref<10240x128xf32, #tpu.memory_space<vmem_shared>> -> memref<128x128xf32, #tpu.memory_space<vmem_shared>>
      %dma_start3A_44 = arith.constant 0 : i32
      %dma_start3A_45 = tpu.memref_slice %arg11[%add3A_15, %dma_start3A_44] : memref<10240x128xf32, #tpu.memory_space<vmem_shared>> -> memref<128x128xf32, #tpu.memory_space<vmem_shared>>
      tpu.enqueue_dma source(%arg9 : memref<128x128xf32, #tpu.memory_space<vmem>>) target(%dma_start3A_45 : memref<128x128xf32, #tpu.memory_space<vmem_shared>>) target_semaphore(%run_scoped3A_41 : memref<!tpu.dma_semaphore, #tpu.memory_space<semaphore_mem>>)
      %dma_wait3A = arith.constant 0 : i32
      %dma_wait3A_46 = tpu.memref_slice %arg11[%add3A_15, %dma_wait3A] : memref<10240x128xf32, #tpu.memory_space<vmem_shared>> -> memref<128x128xf32, #tpu.memory_space<vmem_shared>>
      %dma_wait3A_47 = arith.constant 0 : i32
      %dma_wait3A_48 = tpu.memref_slice %arg11[%add3A_15, %dma_wait3A_47] : memref<10240x128xf32, #tpu.memory_space<vmem_shared>> -> memref<128x128xf32, #tpu.memory_space<vmem_shared>>
      tpu.wait_dma2 semaphore(%run_scoped3A_41 : memref<!tpu.dma_semaphore, #tpu.memory_space<semaphore_mem>>) src(%arg9 : memref<128x128xf32, #tpu.memory_space<vmem>>) dst(%dma_wait3A_48 : memref<128x128xf32, #tpu.memory_space<vmem_shared>>)
      tpu.yield
    }) : () -> ()
    %mul3A_16 = arith.constant 640 : i32
    %mul3A_17 = arith.muli %arg1, %mul3A_16 : i32
    %add3A_18 = arith.constant 384 : i32
    %add3A_19 = arith.addi %mul3A_17, %add3A_18 : i32
    "tpu.region"() ({
      %run_scoped3A_41 = tpu.sem_alloc : memref<!tpu.dma_semaphore, #tpu.memory_space<semaphore_mem>>
      %dma_start3A_42 = arith.constant 0 : i32
      %dma_start3A_43 = tpu.memref_slice %arg11[%add3A_19, %dma_start3A_42] : memref<10240x128xf32, #tpu.memory_space<vmem_shared>> -> memref<128x128xf32, #tpu.memory_space<vmem_shared>>
      %dma_start3A_44 = arith.constant 0 : i32
      %dma_start3A_45 = tpu.memref_slice %arg11[%add3A_19, %dma_start3A_44] : memref<10240x128xf32, #tpu.memory_space<vmem_shared>> -> memref<128x128xf32, #tpu.memory_space<vmem_shared>>
      tpu.enqueue_dma source(%arg9 : memref<128x128xf32, #tpu.memory_space<vmem>>) target(%dma_start3A_45 : memref<128x128xf32, #tpu.memory_space<vmem_shared>>) target_semaphore(%run_scoped3A_41 : memref<!tpu.dma_semaphore, #tpu.memory_space<semaphore_mem>>)
      %dma_wait3A = arith.constant 0 : i32
      %dma_wait3A_46 = tpu.memref_slice %arg11[%add3A_19, %dma_wait3A] : memref<10240x128xf32, #tpu.memory_space<vmem_shared>> -> memref<128x128xf32, #tpu.memory_space<vmem_shared>>
      %dma_wait3A_47 = arith.constant 0 : i32
      %dma_wait3A_48 = tpu.memref_slice %arg11[%add3A_19, %dma_wait3A_47] : memref<10240x128xf32, #tpu.memory_space<vmem_shared>> -> memref<128x128xf32, #tpu.memory_space<vmem_shared>>
      tpu.wait_dma2 semaphore(%run_scoped3A_41 : memref<!tpu.dma_semaphore, #tpu.memory_space<semaphore_mem>>) src(%arg9 : memref<128x128xf32, #tpu.memory_space<vmem>>) dst(%dma_wait3A_48 : memref<128x128xf32, #tpu.memory_space<vmem_shared>>)
      tpu.yield
    }) : () -> ()
    %mul3A_20 = arith.constant 640 : i32
    %mul3A_21 = arith.muli %arg1, %mul3A_20 : i32
    %add3A_22 = arith.constant 512 : i32
    %add3A_23 = arith.addi %mul3A_21, %add3A_22 : i32
    "tpu.region"() ({
      %run_scoped3A_41 = tpu.sem_alloc : memref<!tpu.dma_semaphore, #tpu.memory_space<semaphore_mem>>
      %dma_start3A_42 = arith.constant 0 : i32
      %dma_start3A_43 = tpu.memref_slice %arg11[%add3A_23, %dma_start3A_42] : memref<10240x128xf32, #tpu.memory_space<vmem_shared>> -> memref<128x128xf32, #tpu.memory_space<vmem_shared>>
      %dma_start3A_44 = arith.constant 0 : i32
      %dma_start3A_45 = tpu.memref_slice %arg11[%add3A_23, %dma_start3A_44] : memref<10240x128xf32, #tpu.memory_space<vmem_shared>> -> memref<128x128xf32, #tpu.memory_space<vmem_shared>>
      tpu.enqueue_dma source(%arg9 : memref<128x128xf32, #tpu.memory_space<vmem>>) target(%dma_start3A_45 : memref<128x128xf32, #tpu.memory_space<vmem_shared>>) target_semaphore(%run_scoped3A_41 : memref<!tpu.dma_semaphore, #tpu.memory_space<semaphore_mem>>)
      %dma_wait3A = arith.constant 0 : i32
      %dma_wait3A_46 = tpu.memref_slice %arg11[%add3A_23, %dma_wait3A] : memref<10240x128xf32, #tpu.memory_space<vmem_shared>> -> memref<128x128xf32, #tpu.memory_space<vmem_shared>>
      %dma_wait3A_47 = arith.constant 0 : i32
      %dma_wait3A_48 = tpu.memref_slice %arg11[%add3A_23, %dma_wait3A_47] : memref<10240x128xf32, #tpu.memory_space<vmem_shared>> -> memref<128x128xf32, #tpu.memory_space<vmem_shared>>
      tpu.wait_dma2 semaphore(%run_scoped3A_41 : memref<!tpu.dma_semaphore, #tpu.memory_space<semaphore_mem>>) src(%arg9 : memref<128x128xf32, #tpu.memory_space<vmem>>) dst(%dma_wait3A_48 : memref<128x128xf32, #tpu.memory_space<vmem_shared>>)
      tpu.yield
    }) : () -> ()
    %barrier3A = arith.constant 0 : index
    tpu.barrier barrier_id(%barrier3A)
    %run_scoped3A = arith.constant 0 : i32
    "tpu.region"() ({
      %run_scoped3A_41 = tpu.sem_alloc : memref<!tpu.dma_semaphore, #tpu.memory_space<semaphore_mem>>
      %dma_start3A_42 = arith.constant 0 : i32
      %dma_start3A_43 = tpu.memref_slice %arg3[%arg0, %arg1, %run_scoped3A, %dma_start3A_42] : memref<2x16x80x128xi32, #tpu.memory_space<hbm>> -> memref<1x1x1x128xi32, #tpu.memory_space<hbm>>
      %dma_start3A_44 = tpu.memref_squeeze %dma_start3A_43 : memref<1x1x1x128xi32, #tpu.memory_space<hbm>> -> memref<128xi32, #tpu.memory_space<hbm>>
      %dma_start3A_45 = arith.constant 0 : i32
      %dma_start3A_46 = tpu.memref_slice %arg3[%arg0, %arg1, %run_scoped3A, %dma_start3A_45] : memref<2x16x80x128xi32, #tpu.memory_space<hbm>> -> memref<1x1x1x128xi32, #tpu.memory_space<hbm>>
      %dma_start3A_47 = tpu.memref_squeeze %dma_start3A_46 : memref<1x1x1x128xi32, #tpu.memory_space<hbm>> -> memref<128xi32, #tpu.memory_space<hbm>>
      tpu.enqueue_dma source(%dma_start3A_47 : memref<128xi32, #tpu.memory_space<hbm>>) target(%arg7 : memref<128xi32, #tpu.memory_space<vmem>>) target_semaphore(%run_scoped3A_41 : memref<!tpu.dma_semaphore, #tpu.memory_space<semaphore_mem>>)
      %dma_wait3A = arith.constant 0 : i32
      %dma_wait3A_48 = tpu.memref_slice %arg3[%arg0, %arg1, %run_scoped3A, %dma_wait3A] : memref<2x16x80x128xi32, #tpu.memory_space<hbm>> -> memref<1x1x1x128xi32, #tpu.memory_space<hbm>>
      %dma_wait3A_49 = tpu.memref_squeeze %dma_wait3A_48 : memref<1x1x1x128xi32, #tpu.memory_space<hbm>> -> memref<128xi32, #tpu.memory_space<hbm>>
      %dma_wait3A_50 = arith.constant 0 : i32
      %dma_wait3A_51 = tpu.memref_slice %arg3[%arg0, %arg1, %run_scoped3A, %dma_wait3A_50] : memref<2x16x80x128xi32, #tpu.memory_space<hbm>> -> memref<1x1x1x128xi32, #tpu.memory_space<hbm>>
      %dma_wait3A_52 = tpu.memref_squeeze %dma_wait3A_51 : memref<1x1x1x128xi32, #tpu.memory_space<hbm>> -> memref<128xi32, #tpu.memory_space<hbm>>
      tpu.wait_dma2 semaphore(%run_scoped3A_41 : memref<!tpu.dma_semaphore, #tpu.memory_space<semaphore_mem>>) src(%dma_wait3A_52 : memref<128xi32, #tpu.memory_space<hbm>>) dst(%arg7 : memref<128xi32, #tpu.memory_space<vmem>>)
      tpu.yield
    }) : () -> ()
    %dma_start3A = arith.constant 0 : i32
    %dma_start3A_24 = arith.constant 0 : i32
    %dma_start3A_25 = tpu.memref_slice %arg2[%dma_start3A, %dma_start3A_24] : memref<10000x128xf32, #tpu.memory_space<hbm>> -> memref<10000x128xf32, #tpu.memory_space<hbm>>
    tpu.enqueue_indirect_dma source(%dma_start3A_25 : memref<10000x128xf32, #tpu.memory_space<hbm>>) target(%arg9 : memref<128x128xf32, #tpu.memory_space<vmem>>) offsets(%arg7 : memref<128xi32, #tpu.memory_space<vmem>>) semaphore(%arg12 : memref<!tpu.dma_semaphore, #tpu.memory_space<semaphore_mem>>)
    %run_scoped3A_26 = arith.constant 1 : i32
    "tpu.region"() ({
      %run_scoped3A_41 = tpu.sem_alloc : memref<!tpu.dma_semaphore, #tpu.memory_space<semaphore_mem>>
      %dma_start3A_42 = arith.constant 0 : i32
      %dma_start3A_43 = tpu.memref_slice %arg3[%arg0, %arg1, %run_scoped3A_26, %dma_start3A_42] : memref<2x16x80x128xi32, #tpu.memory_space<hbm>> -> memref<1x1x1x128xi32, #tpu.memory_space<hbm>>
      %dma_start3A_44 = tpu.memref_squeeze %dma_start3A_43 : memref<1x1x1x128xi32, #tpu.memory_space<hbm>> -> memref<128xi32, #tpu.memory_space<hbm>>
      %dma_start3A_45 = arith.constant 0 : i32
      %dma_start3A_46 = tpu.memref_slice %arg3[%arg0, %arg1, %run_scoped3A_26, %dma_start3A_45] : memref<2x16x80x128xi32, #tpu.memory_space<hbm>> -> memref<1x1x1x128xi32, #tpu.memory_space<hbm>>
      %dma_start3A_47 = tpu.memref_squeeze %dma_start3A_46 : memref<1x1x1x128xi32, #tpu.memory_space<hbm>> -> memref<128xi32, #tpu.memory_space<hbm>>
      tpu.enqueue_dma source(%dma_start3A_47 : memref<128xi32, #tpu.memory_space<hbm>>) target(%arg8 : memref<128xi32, #tpu.memory_space<vmem>>) target_semaphore(%run_scoped3A_41 : memref<!tpu.dma_semaphore, #tpu.memory_space<semaphore_mem>>)
      %dma_wait3A = arith.constant 0 : i32
      %dma_wait3A_48 = tpu.memref_slice %arg3[%arg0, %arg1, %run_scoped3A_26, %dma_wait3A] : memref<2x16x80x128xi32, #tpu.memory_space<hbm>> -> memref<1x1x1x128xi32, #tpu.memory_space<hbm>>
      %dma_wait3A_49 = tpu.memref_squeeze %dma_wait3A_48 : memref<1x1x1x128xi32, #tpu.memory_space<hbm>> -> memref<128xi32, #tpu.memory_space<hbm>>
      %dma_wait3A_50 = arith.constant 0 : i32
      %dma_wait3A_51 = tpu.memref_slice %arg3[%arg0, %arg1, %run_scoped3A_26, %dma_wait3A_50] : memref<2x16x80x128xi32, #tpu.memory_space<hbm>> -> memref<1x1x1x128xi32, #tpu.memory_space<hbm>>
      %dma_wait3A_52 = tpu.memref_squeeze %dma_wait3A_51 : memref<1x1x1x128xi32, #tpu.memory_space<hbm>> -> memref<128xi32, #tpu.memory_space<hbm>>
      tpu.wait_dma2 semaphore(%run_scoped3A_41 : memref<!tpu.dma_semaphore, #tpu.memory_space<semaphore_mem>>) src(%dma_wait3A_52 : memref<128xi32, #tpu.memory_space<hbm>>) dst(%arg8 : memref<128xi32, #tpu.memory_space<vmem>>)
      tpu.yield
    }) : () -> ()
    %dma_start3A_27 = arith.constant 0 : i32
    %dma_start3A_28 = arith.constant 0 : i32
    %dma_start3A_29 = tpu.memref_slice %arg2[%dma_start3A_27, %dma_start3A_28] : memref<10000x128xf32, #tpu.memory_space<hbm>> -> memref<10000x128xf32, #tpu.memory_space<hbm>>
    tpu.enqueue_indirect_dma source(%dma_start3A_29 : memref<10000x128xf32, #tpu.memory_space<hbm>>) target(%arg10 : memref<128x128xf32, #tpu.memory_space<vmem>>) offsets(%arg8 : memref<128xi32, #tpu.memory_space<vmem>>) semaphore(%arg13 : memref<!tpu.dma_semaphore, #tpu.memory_space<semaphore_mem>>)
    %scan3A_30 = arith.constant 0 : i32
    %scan3A_31 = arith.constant 0 : i32
    %scan3A_32 = arith.constant 40 : i32
    %scan3A_33 = arith.addi %scan3A_31, %scan3A_32 : i32
    %scan3A_34 = arith.constant 1 : i32
    scf.for %scan3A_41 = %scan3A_31 to %scan3A_33 step %scan3A_34  : i32 {
      %mul3A_42 = arith.constant 2 : i32
      %mul3A_43 = arith.muli %mul3A_42, %scan3A_41 : i32
      %dma_wait3A = arith.constant 0 : i32
      %dma_wait3A_44 = arith.constant 0 : i32
      %dma_wait3A_45 = tpu.memref_slice %arg2[%dma_wait3A, %dma_wait3A_44] : memref<10000x128xf32, #tpu.memory_space<hbm>> -> memref<10000x128xf32, #tpu.memory_space<hbm>>
      tpu.wait_indirect_dma semaphore(%arg12 : memref<!tpu.dma_semaphore, #tpu.memory_space<semaphore_mem>>) src(%dma_wait3A_45 : memref<10000x128xf32, #tpu.memory_space<hbm>>) dst(%arg9 : memref<128x128xf32, #tpu.memory_space<vmem>>)
      "tpu.region"() ({
        %run_scoped3A_64 = tpu.sem_alloc : memref<!tpu.dma_semaphore, #tpu.memory_space<semaphore_mem>>
        %dma_start3A_65 = arith.constant 0 : i32
        %dma_start3A_66 = tpu.memref_slice %arg6[%mul3A_43, %dma_start3A_65] : memref<80x128xi32, #tpu.memory_space<vmem>> -> memref<1x128xi32, #tpu.memory_space<vmem>>
        %dma_start3A_67 = tpu.memref_squeeze %dma_start3A_66 : memref<1x128xi32, #tpu.memory_space<vmem>> -> memref<128xi32, #tpu.memory_space<vmem>>
        %dma_start3A_68 = arith.constant 0 : i32
        %dma_start3A_69 = arith.constant 0 : i32
        %dma_start3A_70 = tpu.memref_slice %arg11[%dma_start3A_68, %dma_start3A_69] : memref<10240x128xf32, #tpu.memory_space<vmem_shared>> -> memref<10240x128xf32, #tpu.memory_space<vmem_shared>>
        tpu.enqueue_indirect_dma source(%arg9 : memref<128x128xf32, #tpu.memory_space<vmem>>) target(%dma_start3A_70 : memref<10240x128xf32, #tpu.memory_space<vmem_shared>>) offsets(%dma_start3A_67 : memref<128xi32, #tpu.memory_space<vmem>>) semaphore(%run_scoped3A_64 : memref<!tpu.dma_semaphore, #tpu.memory_space<semaphore_mem>>) {add = true}
        %dma_wait3A_71 = arith.constant 0 : i32
        %dma_wait3A_72 = tpu.memref_slice %arg6[%mul3A_43, %dma_wait3A_71] : memref<80x128xi32, #tpu.memory_space<vmem>> -> memref<1x128xi32, #tpu.memory_space<vmem>>
        %dma_wait3A_73 = tpu.memref_squeeze %dma_wait3A_72 : memref<1x128xi32, #tpu.memory_space<vmem>> -> memref<128xi32, #tpu.memory_space<vmem>>
        %dma_wait3A_74 = arith.constant 0 : i32
        %dma_wait3A_75 = arith.constant 0 : i32
        %dma_wait3A_76 = tpu.memref_slice %arg11[%dma_wait3A_74, %dma_wait3A_75] : memref<10240x128xf32, #tpu.memory_space<vmem_shared>> -> memref<10240x128xf32, #tpu.memory_space<vmem_shared>>
        tpu.wait_indirect_dma semaphore(%run_scoped3A_64 : memref<!tpu.dma_semaphore, #tpu.memory_space<semaphore_mem>>) src(%arg9 : memref<128x128xf32, #tpu.memory_space<vmem>>) dst(%dma_wait3A_76 : memref<10240x128xf32, #tpu.memory_space<vmem_shared>>)
        tpu.yield
      }) : () -> ()
      %add3A_46 = arith.constant 2 : i32
      %add3A_47 = arith.addi %mul3A_43, %add3A_46 : i32
      %lt3A = arith.constant 80 : i32
      %lt3A_48 = arith.cmpi slt, %add3A_47, %lt3A : i32
      %convert_element_type3A = arith.extui %lt3A_48 : i1 to i32
      %cond3A = arith.constant 0 : i32
      %cond3A_49 = arith.cmpi ne, %convert_element_type3A, %cond3A : i32
      scf.if %cond3A_49 {
        %add3A_64 = arith.constant 2 : i32
        %add3A_65 = arith.addi %mul3A_43, %add3A_64 : i32
        "tpu.region"() ({
          %run_scoped3A_69 = tpu.sem_alloc : memref<!tpu.dma_semaphore, #tpu.memory_space<semaphore_mem>>
          %dma_start3A_70 = arith.constant 0 : i32
          %dma_start3A_71 = tpu.memref_slice %arg3[%arg0, %arg1, %add3A_65, %dma_start3A_70] : memref<2x16x80x128xi32, #tpu.memory_space<hbm>> -> memref<1x1x1x128xi32, #tpu.memory_space<hbm>>
          %dma_start3A_72 = tpu.memref_squeeze %dma_start3A_71 : memref<1x1x1x128xi32, #tpu.memory_space<hbm>> -> memref<128xi32, #tpu.memory_space<hbm>>
          %dma_start3A_73 = arith.constant 0 : i32
          %dma_start3A_74 = tpu.memref_slice %arg3[%arg0, %arg1, %add3A_65, %dma_start3A_73] : memref<2x16x80x128xi32, #tpu.memory_space<hbm>> -> memref<1x1x1x128xi32, #tpu.memory_space<hbm>>
          %dma_start3A_75 = tpu.memref_squeeze %dma_start3A_74 : memref<1x1x1x128xi32, #tpu.memory_space<hbm>> -> memref<128xi32, #tpu.memory_space<hbm>>
          tpu.enqueue_dma source(%dma_start3A_75 : memref<128xi32, #tpu.memory_space<hbm>>) target(%arg7 : memref<128xi32, #tpu.memory_space<vmem>>) target_semaphore(%run_scoped3A_69 : memref<!tpu.dma_semaphore, #tpu.memory_space<semaphore_mem>>)
          %dma_wait3A_76 = arith.constant 0 : i32
          %dma_wait3A_77 = tpu.memref_slice %arg3[%arg0, %arg1, %add3A_65, %dma_wait3A_76] : memref<2x16x80x128xi32, #tpu.memory_space<hbm>> -> memref<1x1x1x128xi32, #tpu.memory_space<hbm>>
          %dma_wait3A_78 = tpu.memref_squeeze %dma_wait3A_77 : memref<1x1x1x128xi32, #tpu.memory_space<hbm>> -> memref<128xi32, #tpu.memory_space<hbm>>
          %dma_wait3A_79 = arith.constant 0 : i32
          %dma_wait3A_80 = tpu.memref_slice %arg3[%arg0, %arg1, %add3A_65, %dma_wait3A_79] : memref<2x16x80x128xi32, #tpu.memory_space<hbm>> -> memref<1x1x1x128xi32, #tpu.memory_space<hbm>>
          %dma_wait3A_81 = tpu.memref_squeeze %dma_wait3A_80 : memref<1x1x1x128xi32, #tpu.memory_space<hbm>> -> memref<128xi32, #tpu.memory_space<hbm>>
          tpu.wait_dma2 semaphore(%run_scoped3A_69 : memref<!tpu.dma_semaphore, #tpu.memory_space<semaphore_mem>>) src(%dma_wait3A_81 : memref<128xi32, #tpu.memory_space<hbm>>) dst(%arg7 : memref<128xi32, #tpu.memory_space<vmem>>)
          tpu.yield
        }) : () -> ()
        %dma_start3A_66 = arith.constant 0 : i32
        %dma_start3A_67 = arith.constant 0 : i32
        %dma_start3A_68 = tpu.memref_slice %arg2[%dma_start3A_66, %dma_start3A_67] : memref<10000x128xf32, #tpu.memory_space<hbm>> -> memref<10000x128xf32, #tpu.memory_space<hbm>>
        tpu.enqueue_indirect_dma source(%dma_start3A_68 : memref<10000x128xf32, #tpu.memory_space<hbm>>) target(%arg9 : memref<128x128xf32, #tpu.memory_space<vmem>>) offsets(%arg7 : memref<128xi32, #tpu.memory_space<vmem>>) semaphore(%arg12 : memref<!tpu.dma_semaphore, #tpu.memory_space<semaphore_mem>>)
      } else {
      }
      %mul3A_50 = arith.constant 2 : i32
      %mul3A_51 = arith.muli %mul3A_50, %scan3A_41 : i32
      %add3A_52 = arith.constant 1 : i32
      %add3A_53 = arith.addi %mul3A_51, %add3A_52 : i32
      %dma_wait3A_54 = arith.constant 0 : i32
      %dma_wait3A_55 = arith.constant 0 : i32
      %dma_wait3A_56 = tpu.memref_slice %arg2[%dma_wait3A_54, %dma_wait3A_55] : memref<10000x128xf32, #tpu.memory_space<hbm>> -> memref<10000x128xf32, #tpu.memory_space<hbm>>
      tpu.wait_indirect_dma semaphore(%arg13 : memref<!tpu.dma_semaphore, #tpu.memory_space<semaphore_mem>>) src(%dma_wait3A_56 : memref<10000x128xf32, #tpu.memory_space<hbm>>) dst(%arg10 : memref<128x128xf32, #tpu.memory_space<vmem>>)
      "tpu.region"() ({
        %run_scoped3A_64 = tpu.sem_alloc : memref<!tpu.dma_semaphore, #tpu.memory_space<semaphore_mem>>
        %dma_start3A_65 = arith.constant 0 : i32
        %dma_start3A_66 = tpu.memref_slice %arg6[%add3A_53, %dma_start3A_65] : memref<80x128xi32, #tpu.memory_space<vmem>> -> memref<1x128xi32, #tpu.memory_space<vmem>>
        %dma_start3A_67 = tpu.memref_squeeze %dma_start3A_66 : memref<1x128xi32, #tpu.memory_space<vmem>> -> memref<128xi32, #tpu.memory_space<vmem>>
        %dma_start3A_68 = arith.constant 0 : i32
        %dma_start3A_69 = arith.constant 0 : i32
        %dma_start3A_70 = tpu.memref_slice %arg11[%dma_start3A_68, %dma_start3A_69] : memref<10240x128xf32, #tpu.memory_space<vmem_shared>> -> memref<10240x128xf32, #tpu.memory_space<vmem_shared>>
        tpu.enqueue_indirect_dma source(%arg10 : memref<128x128xf32, #tpu.memory_space<vmem>>) target(%dma_start3A_70 : memref<10240x128xf32, #tpu.memory_space<vmem_shared>>) offsets(%dma_start3A_67 : memref<128xi32, #tpu.memory_space<vmem>>) semaphore(%run_scoped3A_64 : memref<!tpu.dma_semaphore, #tpu.memory_space<semaphore_mem>>) {add = true}
        %dma_wait3A_71 = arith.constant 0 : i32
        %dma_wait3A_72 = tpu.memref_slice %arg6[%add3A_53, %dma_wait3A_71] : memref<80x128xi32, #tpu.memory_space<vmem>> -> memref<1x128xi32, #tpu.memory_space<vmem>>
        %dma_wait3A_73 = tpu.memref_squeeze %dma_wait3A_72 : memref<1x128xi32, #tpu.memory_space<vmem>> -> memref<128xi32, #tpu.memory_space<vmem>>
        %dma_wait3A_74 = arith.constant 0 : i32
        %dma_wait3A_75 = arith.constant 0 : i32
        %dma_wait3A_76 = tpu.memref_slice %arg11[%dma_wait3A_74, %dma_wait3A_75] : memref<10240x128xf32, #tpu.memory_space<vmem_shared>> -> memref<10240x128xf32, #tpu.memory_space<vmem_shared>>
        tpu.wait_indirect_dma semaphore(%run_scoped3A_64 : memref<!tpu.dma_semaphore, #tpu.memory_space<semaphore_mem>>) src(%arg10 : memref<128x128xf32, #tpu.memory_space<vmem>>) dst(%dma_wait3A_76 : memref<10240x128xf32, #tpu.memory_space<vmem_shared>>)
        tpu.yield
      }) : () -> ()
      %add3A_57 = arith.constant 2 : i32
      %add3A_58 = arith.addi %add3A_53, %add3A_57 : i32
      %lt3A_59 = arith.constant 80 : i32
      %lt3A_60 = arith.cmpi slt, %add3A_58, %lt3A_59 : i32
      %convert_element_type3A_61 = arith.extui %lt3A_60 : i1 to i32
      %cond3A_62 = arith.constant 0 : i32
      %cond3A_63 = arith.cmpi ne, %convert_element_type3A_61, %cond3A_62 : i32
      scf.if %cond3A_63 {
        %add3A_64 = arith.constant 2 : i32
        %add3A_65 = arith.addi %add3A_53, %add3A_64 : i32
        "tpu.region"() ({
          %run_scoped3A_69 = tpu.sem_alloc : memref<!tpu.dma_semaphore, #tpu.memory_space<semaphore_mem>>
          %dma_start3A_70 = arith.constant 0 : i32
          %dma_start3A_71 = tpu.memref_slice %arg3[%arg0, %arg1, %add3A_65, %dma_start3A_70] : memref<2x16x80x128xi32, #tpu.memory_space<hbm>> -> memref<1x1x1x128xi32, #tpu.memory_space<hbm>>
          %dma_start3A_72 = tpu.memref_squeeze %dma_start3A_71 : memref<1x1x1x128xi32, #tpu.memory_space<hbm>> -> memref<128xi32, #tpu.memory_space<hbm>>
          %dma_start3A_73 = arith.constant 0 : i32
          %dma_start3A_74 = tpu.memref_slice %arg3[%arg0, %arg1, %add3A_65, %dma_start3A_73] : memref<2x16x80x128xi32, #tpu.memory_space<hbm>> -> memref<1x1x1x128xi32, #tpu.memory_space<hbm>>
          %dma_start3A_75 = tpu.memref_squeeze %dma_start3A_74 : memref<1x1x1x128xi32, #tpu.memory_space<hbm>> -> memref<128xi32, #tpu.memory_space<hbm>>
          tpu.enqueue_dma source(%dma_start3A_75 : memref<128xi32, #tpu.memory_space<hbm>>) target(%arg8 : memref<128xi32, #tpu.memory_space<vmem>>) target_semaphore(%run_scoped3A_69 : memref<!tpu.dma_semaphore, #tpu.memory_space<semaphore_mem>>)
          %dma_wait3A_76 = arith.constant 0 : i32
          %dma_wait3A_77 = tpu.memref_slice %arg3[%arg0, %arg1, %add3A_65, %dma_wait3A_76] : memref<2x16x80x128xi32, #tpu.memory_space<hbm>> -> memref<1x1x1x128xi32, #tpu.memory_space<hbm>>
          %dma_wait3A_78 = tpu.memref_squeeze %dma_wait3A_77 : memref<1x1x1x128xi32, #tpu.memory_space<hbm>> -> memref<128xi32, #tpu.memory_space<hbm>>
          %dma_wait3A_79 = arith.constant 0 : i32
          %dma_wait3A_80 = tpu.memref_slice %arg3[%arg0, %arg1, %add3A_65, %dma_wait3A_79] : memref<2x16x80x128xi32, #tpu.memory_space<hbm>> -> memref<1x1x1x128xi32, #tpu.memory_space<hbm>>
          %dma_wait3A_81 = tpu.memref_squeeze %dma_wait3A_80 : memref<1x1x1x128xi32, #tpu.memory_space<hbm>> -> memref<128xi32, #tpu.memory_space<hbm>>
          tpu.wait_dma2 semaphore(%run_scoped3A_69 : memref<!tpu.dma_semaphore, #tpu.memory_space<semaphore_mem>>) src(%dma_wait3A_81 : memref<128xi32, #tpu.memory_space<hbm>>) dst(%arg8 : memref<128xi32, #tpu.memory_space<vmem>>)
          tpu.yield
        }) : () -> ()
        %dma_start3A_66 = arith.constant 0 : i32
        %dma_start3A_67 = arith.constant 0 : i32
        %dma_start3A_68 = tpu.memref_slice %arg2[%dma_start3A_66, %dma_start3A_67] : memref<10000x128xf32, #tpu.memory_space<hbm>> -> memref<10000x128xf32, #tpu.memory_space<hbm>>
        tpu.enqueue_indirect_dma source(%dma_start3A_68 : memref<10000x128xf32, #tpu.memory_space<hbm>>) target(%arg10 : memref<128x128xf32, #tpu.memory_space<vmem>>) offsets(%arg8 : memref<128xi32, #tpu.memory_space<vmem>>) semaphore(%arg13 : memref<!tpu.dma_semaphore, #tpu.memory_space<semaphore_mem>>)
      } else {
      }
    }
    %scan3A_35 = arith.constant 40 : i32
    %barrier3A_36 = arith.constant 0 : index
    tpu.barrier barrier_id(%barrier3A_36)
    %mul3A_37 = arith.constant 640 : i32
    %mul3A_38 = arith.muli %arg1, %mul3A_37 : i32
    %mul3A_39 = arith.constant 640 : i32
    %mul3A_40 = arith.muli %arg1, %mul3A_39 : i32
    "tpu.region"() ({
      %run_scoped3A_41 = tpu.sem_alloc : memref<!tpu.dma_semaphore, #tpu.memory_space<semaphore_mem>>
      %dma_start3A_42 = arith.constant 0 : i32
      %dma_start3A_43 = tpu.memref_slice %arg5[%arg0, %mul3A_40, %dma_start3A_42] : memref<2x10240x128xf32, #tpu.memory_space<hbm>> -> memref<1x640x128xf32, #tpu.memory_space<hbm>>
      %dma_start3A_44 = tpu.memref_squeeze %dma_start3A_43 : memref<1x640x128xf32, #tpu.memory_space<hbm>> -> memref<640x128xf32, #tpu.memory_space<hbm>>
      %dma_start3A_45 = arith.constant 0 : i32
      %dma_start3A_46 = tpu.memref_slice %arg11[%mul3A_38, %dma_start3A_45] : memref<10240x128xf32, #tpu.memory_space<vmem_shared>> -> memref<640x128xf32, #tpu.memory_space<vmem_shared>>
      tpu.enqueue_dma source(%dma_start3A_46 : memref<640x128xf32, #tpu.memory_space<vmem_shared>>) target(%dma_start3A_44 : memref<640x128xf32, #tpu.memory_space<hbm>>) target_semaphore(%run_scoped3A_41 : memref<!tpu.dma_semaphore, #tpu.memory_space<semaphore_mem>>)
      %dma_wait3A = arith.constant 0 : i32
      %dma_wait3A_47 = tpu.memref_slice %arg5[%arg0, %mul3A_40, %dma_wait3A] : memref<2x10240x128xf32, #tpu.memory_space<hbm>> -> memref<1x640x128xf32, #tpu.memory_space<hbm>>
      %dma_wait3A_48 = tpu.memref_squeeze %dma_wait3A_47 : memref<1x640x128xf32, #tpu.memory_space<hbm>> -> memref<640x128xf32, #tpu.memory_space<hbm>>
      %dma_wait3A_49 = arith.constant 0 : i32
      %dma_wait3A_50 = tpu.memref_slice %arg11[%mul3A_38, %dma_wait3A_49] : memref<10240x128xf32, #tpu.memory_space<vmem_shared>> -> memref<640x128xf32, #tpu.memory_space<vmem_shared>>
      tpu.wait_dma2 semaphore(%run_scoped3A_41 : memref<!tpu.dma_semaphore, #tpu.memory_space<semaphore_mem>>) src(%dma_wait3A_50 : memref<640x128xf32, #tpu.memory_space<vmem_shared>>) dst(%dma_wait3A_48 : memref<640x128xf32, #tpu.memory_space<hbm>>)
      tpu.yield
    }) : () -> ()
    return
  }
}

#map = affine_map<(d0, d1) -> (0, 0)>
#map1 = affine_map<(d0, d1) -> (0, 0, 0, 0)>
#map2 = affine_map<(d0, d1) -> (0, 0, 0)>
module attributes {stable_mosaic.version = 14 : i64} {
  func.func @body(%arg0: i32, %arg1: i32, %arg2: memref<10000x128xf32, #tpu.memory_space<hbm>>, %arg3: memref<2x16x80x128xi32, #tpu.memory_space<hbm>>, %arg4: memref<2x16x80x128xi32, #tpu.memory_space<hbm>>, %arg5: memref<2x10240x128xf32, #tpu.memory_space<hbm>>, %arg6: memref<80x128xi32, #tpu.memory_space<vmem>>, %arg7: memref<128xi32, #tpu.memory_space<vmem>>, %arg8: memref<128xi32, #tpu.memory_space<vmem>>, %arg9: memref<128x128xf32, #tpu.memory_space<vmem>>, %arg10: memref<128x128xf32, #tpu.memory_space<vmem>>, %arg11: memref<10240x128xf32, #tpu.memory_space<vmem_shared>>, %arg12: memref<!tpu.dma_semaphore, #tpu.memory_space<semaphore_mem>>, %arg13: memref<!tpu.dma_semaphore, #tpu.memory_space<semaphore_mem>>) attributes {dimension_semantics = [#tpu.dimension_semantics<core_parallel>, #tpu.dimension_semantics<subcore_parallel>], iteration_bounds = array<i64: 2, 16>, scalar_prefetch = 0 : i64, scratch_operands = 8 : i64, tpu.core_type = #tpu.core_type<sc_vector_subcore>, window_params = [{transform_indices = #map}, {transform_indices = #map1}, {transform_indices = #map1}, {transform_indices = #map2}]} {
    "tpu.region"() ({
      %run_scoped3A_41 = tpu.sem_alloc : memref<!tpu.dma_semaphore, #tpu.memory_space<semaphore_mem>>
      %dma_start3A_42 = arith.constant 0 : i32
      %dma_start3A_43 = arith.constant 0 : i32
      %dma_start3A_44 = tpu.memref_slice %arg4[%arg0, %arg1, %dma_start3A_42, %dma_start3A_43] : memref<2x16x80x128xi32, #tpu.memory_space<hbm>> -> memref<1x1x80x128xi32, #tpu.memory_space<hbm>>
      %dma_start3A_45 = tpu.memref_squeeze %dma_start3A_44 : memref<1x1x80x128xi32, #tpu.memory_space<hbm>> -> memref<80x128xi32, #tpu.memory_space<hbm>>
      %dma_start3A_46 = arith.constant 0 : i32
      %dma_start3A_47 = arith.constant 0 : i32
      %dma_start3A_48 = tpu.memref_slice %arg4[%arg0, %arg1, %dma_start3A_46, %dma_start3A_47] : memref<2x16x80x128xi32, #tpu.memory_space<hbm>> -> memref<1x1x80x128xi32, #tpu.memory_space<hbm>>
      %dma_start3A_49 = tpu.memref_squeeze %dma_start3A_48 : memref<1x1x80x128xi32, #tpu.memory_space<hbm>> -> memref<80x128xi32, #tpu.memory_space<hbm>>
      tpu.enqueue_dma source(%dma_start3A_49 : memref<80x128xi32, #tpu.memory_space<hbm>>) target(%arg6 : memref<80x128xi32, #tpu.memory_space<vmem>>) target_semaphore(%run_scoped3A_41 : memref<!tpu.dma_semaphore, #tpu.memory_space<semaphore_mem>>)
      %dma_wait3A = arith.constant 0 : i32
      %dma_wait3A_50 = arith.constant 0 : i32
      %dma_wait3A_51 = tpu.memref_slice %arg4[%arg0, %arg1, %dma_wait3A, %dma_wait3A_50] : memref<2x16x80x128xi32, #tpu.memory_space<hbm>> -> memref<1x1x80x128xi32, #tpu.memory_space<hbm>>
      %dma_wait3A_52 = tpu.memref_squeeze %dma_wait3A_51 : memref<1x1x80x128xi32, #tpu.memory_space<hbm>> -> memref<80x128xi32, #tpu.memory_space<hbm>>
      %dma_wait3A_53 = arith.constant 0 : i32
      %dma_wait3A_54 = arith.constant 0 : i32
      %dma_wait3A_55 = tpu.memref_slice %arg4[%arg0, %arg1, %dma_wait3A_53, %dma_wait3A_54] : memref<2x16x80x128xi32, #tpu.memory_space<hbm>> -> memref<1x1x80x128xi32, #tpu.memory_space<hbm>>
      %dma_wait3A_56 = tpu.memref_squeeze %dma_wait3A_55 : memref<1x1x80x128xi32, #tpu.memory_space<hbm>> -> memref<80x128xi32, #tpu.memory_space<hbm>>
      tpu.wait_dma2 semaphore(%run_scoped3A_41 : memref<!tpu.dma_semaphore, #tpu.memory_space<semaphore_mem>>) src(%dma_wait3A_56 : memref<80x128xi32, #tpu.memory_space<hbm>>) dst(%arg6 : memref<80x128xi32, #tpu.memory_space<vmem>>)
      tpu.yield
    }) : () -> ()
    %broadcast_in_dim3A = arith.constant 0.000000e+00 : f32
    %broadcast_in_dim3A_0 = vector.broadcast %broadcast_in_dim3A : f32 to vector<16xf32>
    %scan3A = arith.constant 0 : i32
    %scan3A_1 = arith.constant 0 : i32
    %scan3A_2 = arith.constant 128 : i32
    %scan3A_3 = arith.addi %scan3A_1, %scan3A_2 : i32
    %scan3A_4 = arith.constant 1 : i32
    scf.for %scan3A_41 = %scan3A_1 to %scan3A_3 step %scan3A_4  : i32 {
      %swap3A = arith.index_cast %scan3A_41 : i32 to index
      %swap3A_42 = arith.constant 0 : index
      %swap3A_43 = tpu.vector_load %arg9[%swap3A, %swap3A_42] {strides = array<i32>} : memref<128x128xf32, #tpu.memory_space<vmem>>, vector<1x16xf32>,
      %swap3A_44 = vector.shape_cast %swap3A_43 : vector<1x16xf32> to vector<16xf32>
      %swap3A_45 = vector.shape_cast %broadcast_in_dim3A_0 : vector<16xf32> to vector<1x16xf32>
      tpu.vector_store %arg9[%swap3A, %swap3A_42], %swap3A_45 {strides = array<i32>} : memref<128x128xf32, #tpu.memory_space<vmem>>, vector<1x16xf32>,
      %swap3A_46 = arith.index_cast %scan3A_41 : i32 to index
      %swap3A_47 = arith.constant 16 : index
      %swap3A_48 = tpu.vector_load %arg9[%swap3A_46, %swap3A_47] {strides = array<i32>} : memref<128x128xf32, #tpu.memory_space<vmem>>, vector<1x16xf32>,
      %swap3A_49 = vector.shape_cast %swap3A_48 : vector<1x16xf32> to vector<16xf32>
      %swap3A_50 = vector.shape_cast %broadcast_in_dim3A_0 : vector<16xf32> to vector<1x16xf32>
      tpu.vector_store %arg9[%swap3A_46, %swap3A_47], %swap3A_50 {strides = array<i32>} : memref<128x128xf32, #tpu.memory_space<vmem>>, vector<1x16xf32>,
      %swap3A_51 = arith.index_cast %scan3A_41 : i32 to index
      %swap3A_52 = arith.constant 32 : index
      %swap3A_53 = tpu.vector_load %arg9[%swap3A_51, %swap3A_52] {strides = array<i32>} : memref<128x128xf32, #tpu.memory_space<vmem>>, vector<1x16xf32>,
      %swap3A_54 = vector.shape_cast %swap3A_53 : vector<1x16xf32> to vector<16xf32>
      %swap3A_55 = vector.shape_cast %broadcast_in_dim3A_0 : vector<16xf32> to vector<1x16xf32>
      tpu.vector_store %arg9[%swap3A_51, %swap3A_52], %swap3A_55 {strides = array<i32>} : memref<128x128xf32, #tpu.memory_space<vmem>>, vector<1x16xf32>,
      %swap3A_56 = arith.index_cast %scan3A_41 : i32 to index
      %swap3A_57 = arith.constant 48 : index
      %swap3A_58 = tpu.vector_load %arg9[%swap3A_56, %swap3A_57] {strides = array<i32>} : memref<128x128xf32, #tpu.memory_space<vmem>>, vector<1x16xf32>,
      %swap3A_59 = vector.shape_cast %swap3A_58 : vector<1x16xf32> to vector<16xf32>
      %swap3A_60 = vector.shape_cast %broadcast_in_dim3A_0 : vector<16xf32> to vector<1x16xf32>
      tpu.vector_store %arg9[%swap3A_56, %swap3A_57], %swap3A_60 {strides = array<i32>} : memref<128x128xf32, #tpu.memory_space<vmem>>, vector<1x16xf32>,
      %swap3A_61 = arith.index_cast %scan3A_41 : i32 to index
      %swap3A_62 = arith.constant 64 : index
      %swap3A_63 = tpu.vector_load %arg9[%swap3A_61, %swap3A_62] {strides = array<i32>} : memref<128x128xf32, #tpu.memory_space<vmem>>, vector<1x16xf32>,
      %swap3A_64 = vector.shape_cast %swap3A_63 : vector<1x16xf32> to vector<16xf32>
      %swap3A_65 = vector.shape_cast %broadcast_in_dim3A_0 : vector<16xf32> to vector<1x16xf32>
      tpu.vector_store %arg9[%swap3A_61, %swap3A_62], %swap3A_65 {strides = array<i32>} : memref<128x128xf32, #tpu.memory_space<vmem>>, vector<1x16xf32>,
      %swap3A_66 = arith.index_cast %scan3A_41 : i32 to index
      %swap3A_67 = arith.constant 80 : index
      %swap3A_68 = tpu.vector_load %arg9[%swap3A_66, %swap3A_67] {strides = array<i32>} : memref<128x128xf32, #tpu.memory_space<vmem>>, vector<1x16xf32>,
      %swap3A_69 = vector.shape_cast %swap3A_68 : vector<1x16xf32> to vector<16xf32>
      %swap3A_70 = vector.shape_cast %broadcast_in_dim3A_0 : vector<16xf32> to vector<1x16xf32>
      tpu.vector_store %arg9[%swap3A_66, %swap3A_67], %swap3A_70 {strides = array<i32>} : memref<128x128xf32, #tpu.memory_space<vmem>>, vector<1x16xf32>,
      %swap3A_71 = arith.index_cast %scan3A_41 : i32 to index
      %swap3A_72 = arith.constant 96 : index
      %swap3A_73 = tpu.vector_load %arg9[%swap3A_71, %swap3A_72] {strides = array<i32>} : memref<128x128xf32, #tpu.memory_space<vmem>>, vector<1x16xf32>,
      %swap3A_74 = vector.shape_cast %swap3A_73 : vector<1x16xf32> to vector<16xf32>
      %swap3A_75 = vector.shape_cast %broadcast_in_dim3A_0 : vector<16xf32> to vector<1x16xf32>
      tpu.vector_store %arg9[%swap3A_71, %swap3A_72], %swap3A_75 {strides = array<i32>} : memref<128x128xf32, #tpu.memory_space<vmem>>, vector<1x16xf32>,
      %swap3A_76 = arith.index_cast %scan3A_41 : i32 to index
      %swap3A_77 = arith.constant 112 : index
      %swap3A_78 = tpu.vector_load %arg9[%swap3A_76, %swap3A_77] {strides = array<i32>} : memref<128x128xf32, #tpu.memory_space<vmem>>, vector<1x16xf32>,
      %swap3A_79 = vector.shape_cast %swap3A_78 : vector<1x16xf32> to vector<16xf32>
      %swap3A_80 = vector.shape_cast %broadcast_in_dim3A_0 : vector<16xf32> to vector<1x16xf32>
      tpu.vector_store %arg9[%swap3A_76, %swap3A_77], %swap3A_80 {strides = array<i32>} : memref<128x128xf32, #tpu.memory_space<vmem>>, vector<1x16xf32>,
    }
    %scan3A_5 = arith.constant 128 : i32
    %mul3A = arith.constant 640 : i32
    %mul3A_6 = arith.muli %arg1, %mul3A : i32
    %add3A = arith.constant 0 : i32
    %add3A_7 = arith.addi %mul3A_6, %add3A : i32
    "tpu.region"() ({
      %run_scoped3A_41 = tpu.sem_alloc : memref<!tpu.dma_semaphore, #tpu.memory_space<semaphore_mem>>
      %dma_start3A_42 = arith.constant 0 : i32
      %dma_start3A_43 = tpu.memref_slice %arg11[%add3A_7, %dma_start3A_42] : memref<10240x128xf32, #tpu.memory_space<vmem_shared>> -> memref<128x128xf32, #tpu.memory_space<vmem_shared>>
      %dma_start3A_44 = arith.constant 0 : i32
      %dma_start3A_45 = tpu.memref_slice %arg11[%add3A_7, %dma_start3A_44] : memref<10240x128xf32, #tpu.memory_space<vmem_shared>> -> memref<128x128xf32, #tpu.memory_space<vmem_shared>>
      tpu.enqueue_dma source(%arg9 : memref<128x128xf32, #tpu.memory_space<vmem>>) target(%dma_start3A_45 : memref<128x128xf32, #tpu.memory_space<vmem_shared>>) target_semaphore(%run_scoped3A_41 : memref<!tpu.dma_semaphore, #tpu.memory_space<semaphore_mem>>)
      %dma_wait3A = arith.constant 0 : i32
      %dma_wait3A_46 = tpu.memref_slice %arg11[%add3A_7, %dma_wait3A] : memref<10240x128xf32, #tpu.memory_space<vmem_shared>> -> memref<128x128xf32, #tpu.memory_space<vmem_shared>>
      %dma_wait3A_47 = arith.constant 0 : i32
      %dma_wait3A_48 = tpu.memref_slice %arg11[%add3A_7, %dma_wait3A_47] : memref<10240x128xf32, #tpu.memory_space<vmem_shared>> -> memref<128x128xf32, #tpu.memory_space<vmem_shared>>
      tpu.wait_dma2 semaphore(%run_scoped3A_41 : memref<!tpu.dma_semaphore, #tpu.memory_space<semaphore_mem>>) src(%arg9 : memref<128x128xf32, #tpu.memory_space<vmem>>) dst(%dma_wait3A_48 : memref<128x128xf32, #tpu.memory_space<vmem_shared>>)
      tpu.yield
    }) : () -> ()
    %mul3A_8 = arith.constant 640 : i32
    %mul3A_9 = arith.muli %arg1, %mul3A_8 : i32
    %add3A_10 = arith.constant 128 : i32
    %add3A_11 = arith.addi %mul3A_9, %add3A_10 : i32
    "tpu.region"() ({
      %run_scoped3A_41 = tpu.sem_alloc : memref<!tpu.dma_semaphore, #tpu.memory_space<semaphore_mem>>
      %dma_start3A_42 = arith.constant 0 : i32
      %dma_start3A_43 = tpu.memref_slice %arg11[%add3A_11, %dma_start3A_42] : memref<10240x128xf32, #tpu.memory_space<vmem_shared>> -> memref<128x128xf32, #tpu.memory_space<vmem_shared>>
      %dma_start3A_44 = arith.constant 0 : i32
      %dma_start3A_45 = tpu.memref_slice %arg11[%add3A_11, %dma_start3A_44] : memref<10240x128xf32, #tpu.memory_space<vmem_shared>> -> memref<128x128xf32, #tpu.memory_space<vmem_shared>>
      tpu.enqueue_dma source(%arg9 : memref<128x128xf32, #tpu.memory_space<vmem>>) target(%dma_start3A_45 : memref<128x128xf32, #tpu.memory_space<vmem_shared>>) target_semaphore(%run_scoped3A_41 : memref<!tpu.dma_semaphore, #tpu.memory_space<semaphore_mem>>)
      %dma_wait3A = arith.constant 0 : i32
      %dma_wait3A_46 = tpu.memref_slice %arg11[%add3A_11, %dma_wait3A] : memref<10240x128xf32, #tpu.memory_space<vmem_shared>> -> memref<128x128xf32, #tpu.memory_space<vmem_shared>>
      %dma_wait3A_47 = arith.constant 0 : i32
      %dma_wait3A_48 = tpu.memref_slice %arg11[%add3A_11, %dma_wait3A_47] : memref<10240x128xf32, #tpu.memory_space<vmem_shared>> -> memref<128x128xf32, #tpu.memory_space<vmem_shared>>
      tpu.wait_dma2 semaphore(%run_scoped3A_41 : memref<!tpu.dma_semaphore, #tpu.memory_space<semaphore_mem>>) src(%arg9 : memref<128x128xf32, #tpu.memory_space<vmem>>) dst(%dma_wait3A_48 : memref<128x128xf32, #tpu.memory_space<vmem_shared>>)
      tpu.yield
    }) : () -> ()
    %mul3A_12 = arith.constant 640 : i32
    %mul3A_13 = arith.muli %arg1, %mul3A_12 : i32
    %add3A_14 = arith.constant 256 : i32
    %add3A_15 = arith.addi %mul3A_13, %add3A_14 : i32
    "tpu.region"() ({
      %run_scoped3A_41 = tpu.sem_alloc : memref<!tpu.dma_semaphore, #tpu.memory_space<semaphore_mem>>
      %dma_start3A_42 = arith.constant 0 : i32
      %dma_start3A_43 = tpu.memref_slice %arg11[%add3A_15, %dma_start3A_42] : memref<10240x128xf32, #tpu.memory_space<vmem_shared>> -> memref<128x128xf32, #tpu.memory_space<vmem_shared>>
      %dma_start3A_44 = arith.constant 0 : i32
      %dma_start3A_45 = tpu.memref_slice %arg11[%add3A_15, %dma_start3A_44] : memref<10240x128xf32, #tpu.memory_space<vmem_shared>> -> memref<128x128xf32, #tpu.memory_space<vmem_shared>>
      tpu.enqueue_dma source(%arg9 : memref<128x128xf32, #tpu.memory_space<vmem>>) target(%dma_start3A_45 : memref<128x128xf32, #tpu.memory_space<vmem_shared>>) target_semaphore(%run_scoped3A_41 : memref<!tpu.dma_semaphore, #tpu.memory_space<semaphore_mem>>)
      %dma_wait3A = arith.constant 0 : i32
      %dma_wait3A_46 = tpu.memref_slice %arg11[%add3A_15, %dma_wait3A] : memref<10240x128xf32, #tpu.memory_space<vmem_shared>> -> memref<128x128xf32, #tpu.memory_space<vmem_shared>>
      %dma_wait3A_47 = arith.constant 0 : i32
      %dma_wait3A_48 = tpu.memref_slice %arg11[%add3A_15, %dma_wait3A_47] : memref<10240x128xf32, #tpu.memory_space<vmem_shared>> -> memref<128x128xf32, #tpu.memory_space<vmem_shared>>
      tpu.wait_dma2 semaphore(%run_scoped3A_41 : memref<!tpu.dma_semaphore, #tpu.memory_space<semaphore_mem>>) src(%arg9 : memref<128x128xf32, #tpu.memory_space<vmem>>) dst(%dma_wait3A_48 : memref<128x128xf32, #tpu.memory_space<vmem_shared>>)
      tpu.yield
    }) : () -> ()
    %mul3A_16 = arith.constant 640 : i32
    %mul3A_17 = arith.muli %arg1, %mul3A_16 : i32
    %add3A_18 = arith.constant 384 : i32
    %add3A_19 = arith.addi %mul3A_17, %add3A_18 : i32
    "tpu.region"() ({
      %run_scoped3A_41 = tpu.sem_alloc : memref<!tpu.dma_semaphore, #tpu.memory_space<semaphore_mem>>
      %dma_start3A_42 = arith.constant 0 : i32
      %dma_start3A_43 = tpu.memref_slice %arg11[%add3A_19, %dma_start3A_42] : memref<10240x128xf32, #tpu.memory_space<vmem_shared>> -> memref<128x128xf32, #tpu.memory_space<vmem_shared>>
      %dma_start3A_44 = arith.constant 0 : i32
      %dma_start3A_45 = tpu.memref_slice %arg11[%add3A_19, %dma_start3A_44] : memref<10240x128xf32, #tpu.memory_space<vmem_shared>> -> memref<128x128xf32, #tpu.memory_space<vmem_shared>>
      tpu.enqueue_dma source(%arg9 : memref<128x128xf32, #tpu.memory_space<vmem>>) target(%dma_start3A_45 : memref<128x128xf32, #tpu.memory_space<vmem_shared>>) target_semaphore(%run_scoped3A_41 : memref<!tpu.dma_semaphore, #tpu.memory_space<semaphore_mem>>)
      %dma_wait3A = arith.constant 0 : i32
      %dma_wait3A_46 = tpu.memref_slice %arg11[%add3A_19, %dma_wait3A] : memref<10240x128xf32, #tpu.memory_space<vmem_shared>> -> memref<128x128xf32, #tpu.memory_space<vmem_shared>>
      %dma_wait3A_47 = arith.constant 0 : i32
      %dma_wait3A_48 = tpu.memref_slice %arg11[%add3A_19, %dma_wait3A_47] : memref<10240x128xf32, #tpu.memory_space<vmem_shared>> -> memref<128x128xf32, #tpu.memory_space<vmem_shared>>
      tpu.wait_dma2 semaphore(%run_scoped3A_41 : memref<!tpu.dma_semaphore, #tpu.memory_space<semaphore_mem>>) src(%arg9 : memref<128x128xf32, #tpu.memory_space<vmem>>) dst(%dma_wait3A_48 : memref<128x128xf32, #tpu.memory_space<vmem_shared>>)
      tpu.yield
    }) : () -> ()
    %mul3A_20 = arith.constant 640 : i32
    %mul3A_21 = arith.muli %arg1, %mul3A_20 : i32
    %add3A_22 = arith.constant 512 : i32
    %add3A_23 = arith.addi %mul3A_21, %add3A_22 : i32
    "tpu.region"() ({
      %run_scoped3A_41 = tpu.sem_alloc : memref<!tpu.dma_semaphore, #tpu.memory_space<semaphore_mem>>
      %dma_start3A_42 = arith.constant 0 : i32
      %dma_start3A_43 = tpu.memref_slice %arg11[%add3A_23, %dma_start3A_42] : memref<10240x128xf32, #tpu.memory_space<vmem_shared>> -> memref<128x128xf32, #tpu.memory_space<vmem_shared>>
      %dma_start3A_44 = arith.constant 0 : i32
      %dma_start3A_45 = tpu.memref_slice %arg11[%add3A_23, %dma_start3A_44] : memref<10240x128xf32, #tpu.memory_space<vmem_shared>> -> memref<128x128xf32, #tpu.memory_space<vmem_shared>>
      tpu.enqueue_dma source(%arg9 : memref<128x128xf32, #tpu.memory_space<vmem>>) target(%dma_start3A_45 : memref<128x128xf32, #tpu.memory_space<vmem_shared>>) target_semaphore(%run_scoped3A_41 : memref<!tpu.dma_semaphore, #tpu.memory_space<semaphore_mem>>)
      %dma_wait3A = arith.constant 0 : i32
      %dma_wait3A_46 = tpu.memref_slice %arg11[%add3A_23, %dma_wait3A] : memref<10240x128xf32, #tpu.memory_space<vmem_shared>> -> memref<128x128xf32, #tpu.memory_space<vmem_shared>>
      %dma_wait3A_47 = arith.constant 0 : i32
      %dma_wait3A_48 = tpu.memref_slice %arg11[%add3A_23, %dma_wait3A_47] : memref<10240x128xf32, #tpu.memory_space<vmem_shared>> -> memref<128x128xf32, #tpu.memory_space<vmem_shared>>
      tpu.wait_dma2 semaphore(%run_scoped3A_41 : memref<!tpu.dma_semaphore, #tpu.memory_space<semaphore_mem>>) src(%arg9 : memref<128x128xf32, #tpu.memory_space<vmem>>) dst(%dma_wait3A_48 : memref<128x128xf32, #tpu.memory_space<vmem_shared>>)
      tpu.yield
    }) : () -> ()
    %barrier3A = arith.constant 0 : index
    tpu.barrier barrier_id(%barrier3A)
    %run_scoped3A = arith.constant 0 : i32
    "tpu.region"() ({
      %run_scoped3A_41 = tpu.sem_alloc : memref<!tpu.dma_semaphore, #tpu.memory_space<semaphore_mem>>
      %dma_start3A_42 = arith.constant 0 : i32
      %dma_start3A_43 = tpu.memref_slice %arg3[%arg0, %arg1, %run_scoped3A, %dma_start3A_42] : memref<2x16x80x128xi32, #tpu.memory_space<hbm>> -> memref<1x1x1x128xi32, #tpu.memory_space<hbm>>
      %dma_start3A_44 = tpu.memref_squeeze %dma_start3A_43 : memref<1x1x1x128xi32, #tpu.memory_space<hbm>> -> memref<128xi32, #tpu.memory_space<hbm>>
      %dma_start3A_45 = arith.constant 0 : i32
      %dma_start3A_46 = tpu.memref_slice %arg3[%arg0, %arg1, %run_scoped3A, %dma_start3A_45] : memref<2x16x80x128xi32, #tpu.memory_space<hbm>> -> memref<1x1x1x128xi32, #tpu.memory_space<hbm>>
      %dma_start3A_47 = tpu.memref_squeeze %dma_start3A_46 : memref<1x1x1x128xi32, #tpu.memory_space<hbm>> -> memref<128xi32, #tpu.memory_space<hbm>>
      tpu.enqueue_dma source(%dma_start3A_47 : memref<128xi32, #tpu.memory_space<hbm>>) target(%arg7 : memref<128xi32, #tpu.memory_space<vmem>>) target_semaphore(%run_scoped3A_41 : memref<!tpu.dma_semaphore, #tpu.memory_space<semaphore_mem>>)
      %dma_wait3A = arith.constant 0 : i32
      %dma_wait3A_48 = tpu.memref_slice %arg3[%arg0, %arg1, %run_scoped3A, %dma_wait3A] : memref<2x16x80x128xi32, #tpu.memory_space<hbm>> -> memref<1x1x1x128xi32, #tpu.memory_space<hbm>>
      %dma_wait3A_49 = tpu.memref_squeeze %dma_wait3A_48 : memref<1x1x1x128xi32, #tpu.memory_space<hbm>> -> memref<128xi32, #tpu.memory_space<hbm>>
      %dma_wait3A_50 = arith.constant 0 : i32
      %dma_wait3A_51 = tpu.memref_slice %arg3[%arg0, %arg1, %run_scoped3A, %dma_wait3A_50] : memref<2x16x80x128xi32, #tpu.memory_space<hbm>> -> memref<1x1x1x128xi32, #tpu.memory_space<hbm>>
      %dma_wait3A_52 = tpu.memref_squeeze %dma_wait3A_51 : memref<1x1x1x128xi32, #tpu.memory_space<hbm>> -> memref<128xi32, #tpu.memory_space<hbm>>
      tpu.wait_dma2 semaphore(%run_scoped3A_41 : memref<!tpu.dma_semaphore, #tpu.memory_space<semaphore_mem>>) src(%dma_wait3A_52 : memref<128xi32, #tpu.memory_space<hbm>>) dst(%arg7 : memref<128xi32, #tpu.memory_space<vmem>>)
      tpu.yield
    }) : () -> ()
    %dma_start3A = arith.constant 0 : i32
    %dma_start3A_24 = arith.constant 0 : i32
    %dma_start3A_25 = tpu.memref_slice %arg2[%dma_start3A, %dma_start3A_24] : memref<10000x128xf32, #tpu.memory_space<hbm>> -> memref<10000x128xf32, #tpu.memory_space<hbm>>
    tpu.enqueue_indirect_dma source(%dma_start3A_25 : memref<10000x128xf32, #tpu.memory_space<hbm>>) target(%arg9 : memref<128x128xf32, #tpu.memory_space<vmem>>) offsets(%arg7 : memref<128xi32, #tpu.memory_space<vmem>>) semaphore(%arg12 : memref<!tpu.dma_semaphore, #tpu.memory_space<semaphore_mem>>)
    %run_scoped3A_26 = arith.constant 1 : i32
    "tpu.region"() ({
      %run_scoped3A_41 = tpu.sem_alloc : memref<!tpu.dma_semaphore, #tpu.memory_space<semaphore_mem>>
      %dma_start3A_42 = arith.constant 0 : i32
      %dma_start3A_43 = tpu.memref_slice %arg3[%arg0, %arg1, %run_scoped3A_26, %dma_start3A_42] : memref<2x16x80x128xi32, #tpu.memory_space<hbm>> -> memref<1x1x1x128xi32, #tpu.memory_space<hbm>>
      %dma_start3A_44 = tpu.memref_squeeze %dma_start3A_43 : memref<1x1x1x128xi32, #tpu.memory_space<hbm>> -> memref<128xi32, #tpu.memory_space<hbm>>
      %dma_start3A_45 = arith.constant 0 : i32
      %dma_start3A_46 = tpu.memref_slice %arg3[%arg0, %arg1, %run_scoped3A_26, %dma_start3A_45] : memref<2x16x80x128xi32, #tpu.memory_space<hbm>> -> memref<1x1x1x128xi32, #tpu.memory_space<hbm>>
      %dma_start3A_47 = tpu.memref_squeeze %dma_start3A_46 : memref<1x1x1x128xi32, #tpu.memory_space<hbm>> -> memref<128xi32, #tpu.memory_space<hbm>>
      tpu.enqueue_dma source(%dma_start3A_47 : memref<128xi32, #tpu.memory_space<hbm>>) target(%arg8 : memref<128xi32, #tpu.memory_space<vmem>>) target_semaphore(%run_scoped3A_41 : memref<!tpu.dma_semaphore, #tpu.memory_space<semaphore_mem>>)
      %dma_wait3A = arith.constant 0 : i32
      %dma_wait3A_48 = tpu.memref_slice %arg3[%arg0, %arg1, %run_scoped3A_26, %dma_wait3A] : memref<2x16x80x128xi32, #tpu.memory_space<hbm>> -> memref<1x1x1x128xi32, #tpu.memory_space<hbm>>
      %dma_wait3A_49 = tpu.memref_squeeze %dma_wait3A_48 : memref<1x1x1x128xi32, #tpu.memory_space<hbm>> -> memref<128xi32, #tpu.memory_space<hbm>>
      %dma_wait3A_50 = arith.constant 0 : i32
      %dma_wait3A_51 = tpu.memref_slice %arg3[%arg0, %arg1, %run_scoped3A_26, %dma_wait3A_50] : memref<2x16x80x128xi32, #tpu.memory_space<hbm>> -> memref<1x1x1x128xi32, #tpu.memory_space<hbm>>
      %dma_wait3A_52 = tpu.memref_squeeze %dma_wait3A_51 : memref<1x1x1x128xi32, #tpu.memory_space<hbm>> -> memref<128xi32, #tpu.memory_space<hbm>>
      tpu.wait_dma2 semaphore(%run_scoped3A_41 : memref<!tpu.dma_semaphore, #tpu.memory_space<semaphore_mem>>) src(%dma_wait3A_52 : memref<128xi32, #tpu.memory_space<hbm>>) dst(%arg8 : memref<128xi32, #tpu.memory_space<vmem>>)
      tpu.yield
    }) : () -> ()
    %dma_start3A_27 = arith.constant 0 : i32
    %dma_start3A_28 = arith.constant 0 : i32
    %dma_start3A_29 = tpu.memref_slice %arg2[%dma_start3A_27, %dma_start3A_28] : memref<10000x128xf32, #tpu.memory_space<hbm>> -> memref<10000x128xf32, #tpu.memory_space<hbm>>
    tpu.enqueue_indirect_dma source(%dma_start3A_29 : memref<10000x128xf32, #tpu.memory_space<hbm>>) target(%arg10 : memref<128x128xf32, #tpu.memory_space<vmem>>) offsets(%arg8 : memref<128xi32, #tpu.memory_space<vmem>>) semaphore(%arg13 : memref<!tpu.dma_semaphore, #tpu.memory_space<semaphore_mem>>)
    %scan3A_30 = arith.constant 0 : i32
    %scan3A_31 = arith.constant 0 : i32
    %scan3A_32 = arith.constant 40 : i32
    %scan3A_33 = arith.addi %scan3A_31, %scan3A_32 : i32
    %scan3A_34 = arith.constant 1 : i32
    scf.for %scan3A_41 = %scan3A_31 to %scan3A_33 step %scan3A_34  : i32 {
      %mul3A_42 = arith.constant 2 : i32
      %mul3A_43 = arith.muli %mul3A_42, %scan3A_41 : i32
      %dma_wait3A = arith.constant 0 : i32
      %dma_wait3A_44 = arith.constant 0 : i32
      %dma_wait3A_45 = tpu.memref_slice %arg2[%dma_wait3A, %dma_wait3A_44] : memref<10000x128xf32, #tpu.memory_space<hbm>> -> memref<10000x128xf32, #tpu.memory_space<hbm>>
      tpu.wait_indirect_dma semaphore(%arg12 : memref<!tpu.dma_semaphore, #tpu.memory_space<semaphore_mem>>) src(%dma_wait3A_45 : memref<10000x128xf32, #tpu.memory_space<hbm>>) dst(%arg9 : memref<128x128xf32, #tpu.memory_space<vmem>>)
      "tpu.region"() ({
        %run_scoped3A_64 = tpu.sem_alloc : memref<!tpu.dma_semaphore, #tpu.memory_space<semaphore_mem>>
        %dma_start3A_65 = arith.constant 0 : i32
        %dma_start3A_66 = tpu.memref_slice %arg6[%mul3A_43, %dma_start3A_65] : memref<80x128xi32, #tpu.memory_space<vmem>> -> memref<1x128xi32, #tpu.memory_space<vmem>>
        %dma_start3A_67 = tpu.memref_squeeze %dma_start3A_66 : memref<1x128xi32, #tpu.memory_space<vmem>> -> memref<128xi32, #tpu.memory_space<vmem>>
        %dma_start3A_68 = arith.constant 0 : i32
        %dma_start3A_69 = arith.constant 0 : i32
        %dma_start3A_70 = tpu.memref_slice %arg11[%dma_start3A_68, %dma_start3A_69] : memref<10240x128xf32, #tpu.memory_space<vmem_shared>> -> memref<10240x128xf32, #tpu.memory_space<vmem_shared>>
        tpu.enqueue_indirect_dma source(%arg9 : memref<128x128xf32, #tpu.memory_space<vmem>>) target(%dma_start3A_70 : memref<10240x128xf32, #tpu.memory_space<vmem_shared>>) offsets(%dma_start3A_67 : memref<128xi32, #tpu.memory_space<vmem>>) semaphore(%run_scoped3A_64 : memref<!tpu.dma_semaphore, #tpu.memory_space<semaphore_mem>>) {add = true}
        %dma_wait3A_71 = arith.constant 0 : i32
        %dma_wait3A_72 = tpu.memref_slice %arg6[%mul3A_43, %dma_wait3A_71] : memref<80x128xi32, #tpu.memory_space<vmem>> -> memref<1x128xi32, #tpu.memory_space<vmem>>
        %dma_wait3A_73 = tpu.memref_squeeze %dma_wait3A_72 : memref<1x128xi32, #tpu.memory_space<vmem>> -> memref<128xi32, #tpu.memory_space<vmem>>
        %dma_wait3A_74 = arith.constant 0 : i32
        %dma_wait3A_75 = arith.constant 0 : i32
        %dma_wait3A_76 = tpu.memref_slice %arg11[%dma_wait3A_74, %dma_wait3A_75] : memref<10240x128xf32, #tpu.memory_space<vmem_shared>> -> memref<10240x128xf32, #tpu.memory_space<vmem_shared>>
        tpu.wait_indirect_dma semaphore(%run_scoped3A_64 : memref<!tpu.dma_semaphore, #tpu.memory_space<semaphore_mem>>) src(%arg9 : memref<128x128xf32, #tpu.memory_space<vmem>>) dst(%dma_wait3A_76 : memref<10240x128xf32, #tpu.memory_space<vmem_shared>>)
        tpu.yield
      }) : () -> ()
      %add3A_46 = arith.constant 2 : i32
      %add3A_47 = arith.addi %mul3A_43, %add3A_46 : i32
      %lt3A = arith.constant 80 : i32
      %lt3A_48 = arith.cmpi slt, %add3A_47, %lt3A : i32
      %convert_element_type3A = arith.extui %lt3A_48 : i1 to i32
      %cond3A = arith.constant 0 : i32
      %cond3A_49 = arith.cmpi ne, %convert_element_type3A, %cond3A : i32
      scf.if %cond3A_49 {
        %add3A_64 = arith.constant 2 : i32
        %add3A_65 = arith.addi %mul3A_43, %add3A_64 : i32
        "tpu.region"() ({
          %run_scoped3A_69 = tpu.sem_alloc : memref<!tpu.dma_semaphore, #tpu.memory_space<semaphore_mem>>
          %dma_start3A_70 = arith.constant 0 : i32
          %dma_start3A_71 = tpu.memref_slice %arg3[%arg0, %arg1, %add3A_65, %dma_start3A_70] : memref<2x16x80x128xi32, #tpu.memory_space<hbm>> -> memref<1x1x1x128xi32, #tpu.memory_space<hbm>>
          %dma_start3A_72 = tpu.memref_squeeze %dma_start3A_71 : memref<1x1x1x128xi32, #tpu.memory_space<hbm>> -> memref<128xi32, #tpu.memory_space<hbm>>
          %dma_start3A_73 = arith.constant 0 : i32
          %dma_start3A_74 = tpu.memref_slice %arg3[%arg0, %arg1, %add3A_65, %dma_start3A_73] : memref<2x16x80x128xi32, #tpu.memory_space<hbm>> -> memref<1x1x1x128xi32, #tpu.memory_space<hbm>>
          %dma_start3A_75 = tpu.memref_squeeze %dma_start3A_74 : memref<1x1x1x128xi32, #tpu.memory_space<hbm>> -> memref<128xi32, #tpu.memory_space<hbm>>
          tpu.enqueue_dma source(%dma_start3A_75 : memref<128xi32, #tpu.memory_space<hbm>>) target(%arg7 : memref<128xi32, #tpu.memory_space<vmem>>) target_semaphore(%run_scoped3A_69 : memref<!tpu.dma_semaphore, #tpu.memory_space<semaphore_mem>>)
          %dma_wait3A_76 = arith.constant 0 : i32
          %dma_wait3A_77 = tpu.memref_slice %arg3[%arg0, %arg1, %add3A_65, %dma_wait3A_76] : memref<2x16x80x128xi32, #tpu.memory_space<hbm>> -> memref<1x1x1x128xi32, #tpu.memory_space<hbm>>
          %dma_wait3A_78 = tpu.memref_squeeze %dma_wait3A_77 : memref<1x1x1x128xi32, #tpu.memory_space<hbm>> -> memref<128xi32, #tpu.memory_space<hbm>>
          %dma_wait3A_79 = arith.constant 0 : i32
          %dma_wait3A_80 = tpu.memref_slice %arg3[%arg0, %arg1, %add3A_65, %dma_wait3A_79] : memref<2x16x80x128xi32, #tpu.memory_space<hbm>> -> memref<1x1x1x128xi32, #tpu.memory_space<hbm>>
          %dma_wait3A_81 = tpu.memref_squeeze %dma_wait3A_80 : memref<1x1x1x128xi32, #tpu.memory_space<hbm>> -> memref<128xi32, #tpu.memory_space<hbm>>
          tpu.wait_dma2 semaphore(%run_scoped3A_69 : memref<!tpu.dma_semaphore, #tpu.memory_space<semaphore_mem>>) src(%dma_wait3A_81 : memref<128xi32, #tpu.memory_space<hbm>>) dst(%arg7 : memref<128xi32, #tpu.memory_space<vmem>>)
          tpu.yield
        }) : () -> ()
        %dma_start3A_66 = arith.constant 0 : i32
        %dma_start3A_67 = arith.constant 0 : i32
        %dma_start3A_68 = tpu.memref_slice %arg2[%dma_start3A_66, %dma_start3A_67] : memref<10000x128xf32, #tpu.memory_space<hbm>> -> memref<10000x128xf32, #tpu.memory_space<hbm>>
        tpu.enqueue_indirect_dma source(%dma_start3A_68 : memref<10000x128xf32, #tpu.memory_space<hbm>>) target(%arg9 : memref<128x128xf32, #tpu.memory_space<vmem>>) offsets(%arg7 : memref<128xi32, #tpu.memory_space<vmem>>) semaphore(%arg12 : memref<!tpu.dma_semaphore, #tpu.memory_space<semaphore_mem>>)
      } else {
      }
      %mul3A_50 = arith.constant 2 : i32
      %mul3A_51 = arith.muli %mul3A_50, %scan3A_41 : i32
      %add3A_52 = arith.constant 1 : i32
      %add3A_53 = arith.addi %mul3A_51, %add3A_52 : i32
      %dma_wait3A_54 = arith.constant 0 : i32
      %dma_wait3A_55 = arith.constant 0 : i32
      %dma_wait3A_56 = tpu.memref_slice %arg2[%dma_wait3A_54, %dma_wait3A_55] : memref<10000x128xf32, #tpu.memory_space<hbm>> -> memref<10000x128xf32, #tpu.memory_space<hbm>>
      tpu.wait_indirect_dma semaphore(%arg13 : memref<!tpu.dma_semaphore, #tpu.memory_space<semaphore_mem>>) src(%dma_wait3A_56 : memref<10000x128xf32, #tpu.memory_space<hbm>>) dst(%arg10 : memref<128x128xf32, #tpu.memory_space<vmem>>)
      "tpu.region"() ({
        %run_scoped3A_64 = tpu.sem_alloc : memref<!tpu.dma_semaphore, #tpu.memory_space<semaphore_mem>>
        %dma_start3A_65 = arith.constant 0 : i32
        %dma_start3A_66 = tpu.memref_slice %arg6[%add3A_53, %dma_start3A_65] : memref<80x128xi32, #tpu.memory_space<vmem>> -> memref<1x128xi32, #tpu.memory_space<vmem>>
        %dma_start3A_67 = tpu.memref_squeeze %dma_start3A_66 : memref<1x128xi32, #tpu.memory_space<vmem>> -> memref<128xi32, #tpu.memory_space<vmem>>
        %dma_start3A_68 = arith.constant 0 : i32
        %dma_start3A_69 = arith.constant 0 : i32
        %dma_start3A_70 = tpu.memref_slice %arg11[%dma_start3A_68, %dma_start3A_69] : memref<10240x128xf32, #tpu.memory_space<vmem_shared>> -> memref<10240x128xf32, #tpu.memory_space<vmem_shared>>
        tpu.enqueue_indirect_dma source(%arg10 : memref<128x128xf32, #tpu.memory_space<vmem>>) target(%dma_start3A_70 : memref<10240x128xf32, #tpu.memory_space<vmem_shared>>) offsets(%dma_start3A_67 : memref<128xi32, #tpu.memory_space<vmem>>) semaphore(%run_scoped3A_64 : memref<!tpu.dma_semaphore, #tpu.memory_space<semaphore_mem>>) {add = true}
        %dma_wait3A_71 = arith.constant 0 : i32
        %dma_wait3A_72 = tpu.memref_slice %arg6[%add3A_53, %dma_wait3A_71] : memref<80x128xi32, #tpu.memory_space<vmem>> -> memref<1x128xi32, #tpu.memory_space<vmem>>
        %dma_wait3A_73 = tpu.memref_squeeze %dma_wait3A_72 : memref<1x128xi32, #tpu.memory_space<vmem>> -> memref<128xi32, #tpu.memory_space<vmem>>
        %dma_wait3A_74 = arith.constant 0 : i32
        %dma_wait3A_75 = arith.constant 0 : i32
        %dma_wait3A_76 = tpu.memref_slice %arg11[%dma_wait3A_74, %dma_wait3A_75] : memref<10240x128xf32, #tpu.memory_space<vmem_shared>> -> memref<10240x128xf32, #tpu.memory_space<vmem_shared>>
        tpu.wait_indirect_dma semaphore(%run_scoped3A_64 : memref<!tpu.dma_semaphore, #tpu.memory_space<semaphore_mem>>) src(%arg10 : memref<128x128xf32, #tpu.memory_space<vmem>>) dst(%dma_wait3A_76 : memref<10240x128xf32, #tpu.memory_space<vmem_shared>>)
        tpu.yield
      }) : () -> ()
      %add3A_57 = arith.constant 2 : i32
      %add3A_58 = arith.addi %add3A_53, %add3A_57 : i32
      %lt3A_59 = arith.constant 80 : i32
      %lt3A_60 = arith.cmpi slt, %add3A_58, %lt3A_59 : i32
      %convert_element_type3A_61 = arith.extui %lt3A_60 : i1 to i32
      %cond3A_62 = arith.constant 0 : i32
      %cond3A_63 = arith.cmpi ne, %convert_element_type3A_61, %cond3A_62 : i32
      scf.if %cond3A_63 {
        %add3A_64 = arith.constant 2 : i32
        %add3A_65 = arith.addi %add3A_53, %add3A_64 : i32
        "tpu.region"() ({
          %run_scoped3A_69 = tpu.sem_alloc : memref<!tpu.dma_semaphore, #tpu.memory_space<semaphore_mem>>
          %dma_start3A_70 = arith.constant 0 : i32
          %dma_start3A_71 = tpu.memref_slice %arg3[%arg0, %arg1, %add3A_65, %dma_start3A_70] : memref<2x16x80x128xi32, #tpu.memory_space<hbm>> -> memref<1x1x1x128xi32, #tpu.memory_space<hbm>>
          %dma_start3A_72 = tpu.memref_squeeze %dma_start3A_71 : memref<1x1x1x128xi32, #tpu.memory_space<hbm>> -> memref<128xi32, #tpu.memory_space<hbm>>
          %dma_start3A_73 = arith.constant 0 : i32
          %dma_start3A_74 = tpu.memref_slice %arg3[%arg0, %arg1, %add3A_65, %dma_start3A_73] : memref<2x16x80x128xi32, #tpu.memory_space<hbm>> -> memref<1x1x1x128xi32, #tpu.memory_space<hbm>>
          %dma_start3A_75 = tpu.memref_squeeze %dma_start3A_74 : memref<1x1x1x128xi32, #tpu.memory_space<hbm>> -> memref<128xi32, #tpu.memory_space<hbm>>
          tpu.enqueue_dma source(%dma_start3A_75 : memref<128xi32, #tpu.memory_space<hbm>>) target(%arg8 : memref<128xi32, #tpu.memory_space<vmem>>) target_semaphore(%run_scoped3A_69 : memref<!tpu.dma_semaphore, #tpu.memory_space<semaphore_mem>>)
          %dma_wait3A_76 = arith.constant 0 : i32
          %dma_wait3A_77 = tpu.memref_slice %arg3[%arg0, %arg1, %add3A_65, %dma_wait3A_76] : memref<2x16x80x128xi32, #tpu.memory_space<hbm>> -> memref<1x1x1x128xi32, #tpu.memory_space<hbm>>
          %dma_wait3A_78 = tpu.memref_squeeze %dma_wait3A_77 : memref<1x1x1x128xi32, #tpu.memory_space<hbm>> -> memref<128xi32, #tpu.memory_space<hbm>>
          %dma_wait3A_79 = arith.constant 0 : i32
          %dma_wait3A_80 = tpu.memref_slice %arg3[%arg0, %arg1, %add3A_65, %dma_wait3A_79] : memref<2x16x80x128xi32, #tpu.memory_space<hbm>> -> memref<1x1x1x128xi32, #tpu.memory_space<hbm>>
          %dma_wait3A_81 = tpu.memref_squeeze %dma_wait3A_80 : memref<1x1x1x128xi32, #tpu.memory_space<hbm>> -> memref<128xi32, #tpu.memory_space<hbm>>
          tpu.wait_dma2 semaphore(%run_scoped3A_69 : memref<!tpu.dma_semaphore, #tpu.memory_space<semaphore_mem>>) src(%dma_wait3A_81 : memref<128xi32, #tpu.memory_space<hbm>>) dst(%arg8 : memref<128xi32, #tpu.memory_space<vmem>>)
          tpu.yield
        }) : () -> ()
        %dma_start3A_66 = arith.constant 0 : i32
        %dma_start3A_67 = arith.constant 0 : i32
        %dma_start3A_68 = tpu.memref_slice %arg2[%dma_start3A_66, %dma_start3A_67] : memref<10000x128xf32, #tpu.memory_space<hbm>> -> memref<10000x128xf32, #tpu.memory_space<hbm>>
        tpu.enqueue_indirect_dma source(%dma_start3A_68 : memref<10000x128xf32, #tpu.memory_space<hbm>>) target(%arg10 : memref<128x128xf32, #tpu.memory_space<vmem>>) offsets(%arg8 : memref<128xi32, #tpu.memory_space<vmem>>) semaphore(%arg13 : memref<!tpu.dma_semaphore, #tpu.memory_space<semaphore_mem>>)
      } else {
      }
    }
    %scan3A_35 = arith.constant 40 : i32
    %barrier3A_36 = arith.constant 0 : index
    tpu.barrier barrier_id(%barrier3A_36)
    %mul3A_37 = arith.constant 640 : i32
    %mul3A_38 = arith.muli %arg1, %mul3A_37 : i32
    %mul3A_39 = arith.constant 640 : i32
    %mul3A_40 = arith.muli %arg1, %mul3A_39 : i32
    "tpu.region"() ({
      %run_scoped3A_41 = tpu.sem_alloc : memref<!tpu.dma_semaphore, #tpu.memory_space<semaphore_mem>>
      %dma_start3A_42 = arith.constant 0 : i32
      %dma_start3A_43 = tpu.memref_slice %arg5[%arg0, %mul3A_40, %dma_start3A_42] : memref<2x10240x128xf32, #tpu.memory_space<hbm>> -> memref<1x640x128xf32, #tpu.memory_space<hbm>>
      %dma_start3A_44 = tpu.memref_squeeze %dma_start3A_43 : memref<1x640x128xf32, #tpu.memory_space<hbm>> -> memref<640x128xf32, #tpu.memory_space<hbm>>
      %dma_start3A_45 = arith.constant 0 : i32
      %dma_start3A_46 = tpu.memref_slice %arg11[%mul3A_38, %dma_start3A_45] : memref<10240x128xf32, #tpu.memory_space<vmem_shared>> -> memref<640x128xf32, #tpu.memory_space<vmem_shared>>
      tpu.enqueue_dma source(%dma_start3A_46 : memref<640x128xf32, #tpu.memory_space<vmem_shared>>) target(%dma_start3A_44 : memref<640x128xf32, #tpu.memory_space<hbm>>) target_semaphore(%run_scoped3A_41 : memref<!tpu.dma_semaphore, #tpu.memory_space<semaphore_mem>>)
      %dma_wait3A = arith.constant 0 : i32
      %dma_wait3A_47 = tpu.memref_slice %arg5[%arg0, %mul3A_40, %dma_wait3A] : memref<2x10240x128xf32, #tpu.memory_space<hbm>> -> memref<1x640x128xf32, #tpu.memory_space<hbm>>
      %dma_wait3A_48 = tpu.memref_squeeze %dma_wait3A_47 : memref<1x640x128xf32, #tpu.memory_space<hbm>> -> memref<640x128xf32, #tpu.memory_space<hbm>>
      %dma_wait3A_49 = arith.constant 0 : i32
      %dma_wait3A_50 = tpu.memref_slice %arg11[%mul3A_38, %dma_wait3A_49] : memref<10240x128xf32, #tpu.memory_space<vmem_shared>> -> memref<640x128xf32, #tpu.memory_space<vmem_shared>>
      tpu.wait_dma2 semaphore(%run_scoped3A_41 : memref<!tpu.dma_semaphore, #tpu.memory_space<semaphore_mem>>) src(%dma_wait3A_50 : memref<640x128xf32, #tpu.memory_space<vmem_shared>>) dst(%dma_wait3A_48 : memref<640x128xf32, #tpu.memory_space<hbm>>)
      tpu.yield
    }) : () -> ()
    return
  }
}

module attributes {stable_mosaic.version = 14 : i64} {
  func.func @body(%arg0: i32, %arg1: memref<2000x128xf32, #tpu.memory_space<vmem>>, %arg2: memref<1x2000x16xf32, #tpu.memory_space<vmem>>, %arg3: memref<1x2000x16xf32, #tpu.memory_space<vmem>>, %arg4: memref<128x128xf32, #tpu.memory_space<vmem>>, %arg5: memref<2000x128xf32, #tpu.memory_space<vmem>>, %arg6: memref<2000x1xf32, #tpu.memory_space<vmem>>) attributes {dimension_semantics = [#tpu.dimension_semantics<arbitrary>], iteration_bounds = array<i64: 5>, scalar_prefetch = 0 : i64, scratch_operands = 0 : i64, tpu.core_type = #tpu.core_type<tc>, window_params = [{transform_indices = @transform_0, window_bounds = array<i64: 2000, 128>}, {transform_indices = @transform_1, window_bounds = array<i64: 1, 2000, 16>}, {transform_indices = @transform_2, window_bounds = array<i64: 1, 2000, 16>}, {pipeline_mode = #tpu.pipeline_mode<synchronous>, transform_indices = @transform_3, window_bounds = array<i64: 128, 128>}, {transform_indices = @transform_4, window_bounds = array<i64: 2000, 128>}, {transform_indices = @transform_5, window_bounds = array<i64: 2000, 1>}]} {
    %get3A = arith.constant 0 : index
    %get3A_0 = arith.constant 0 : index
    %get3A_1 = arith.constant 0 : index
    %get3A_2 = vector.load %arg2[%get3A, %get3A_0, %get3A_1] : memref<1x2000x16xf32, #tpu.memory_space<vmem>>, vector<1x2000x1xf32>
    %get3A_3 = vector.shape_cast %get3A_2 : vector<1x2000x1xf32> to vector<2000x1xf32>
    %get3A_4 = arith.constant 0 : index
    %get3A_5 = arith.constant 0 : index
    %get3A_6 = arith.constant 0 : index
    %get3A_7 = vector.load %arg3[%get3A_4, %get3A_5, %get3A_6] : memref<1x2000x16xf32, #tpu.memory_space<vmem>>, vector<1x2000x1xf32>
    %get3A_8 = vector.shape_cast %get3A_7 : vector<1x2000x1xf32> to vector<2000x1xf32>
    %add3A = arith.addf %get3A_3, %get3A_8 : vector<2000x1xf32>
    %add3A_9 = arith.constant 1.000000e+00 : f32
    %add3A_10 = vector.broadcast %add3A_9 : f32 to vector<2000x1xf32>
    %add3A_11 = arith.addf %add3A, %add3A_10 : vector<2000x1xf32>
    %rsqrt3A = math.rsqrt %add3A_11 : vector<2000x1xf32>
    %get3A_12 = arith.constant 0 : index
    %get3A_13 = arith.constant 0 : index
    %get3A_14 = vector.load %arg1[%get3A_12, %get3A_13] : memref<2000x128xf32, #tpu.memory_space<vmem>>, vector<2000x128xf32>
    %get3A_15 = arith.constant 0 : index
    %get3A_16 = arith.constant 0 : index
    %get3A_17 = vector.load %arg4[%get3A_15, %get3A_16] : memref<128x128xf32, #tpu.memory_space<vmem>>, vector<128x128xf32>
    %dot_general3A = arith.constant dense<0.000000e+00> : vector<2000x128xf32>
    %dot_general3A_18 = tpu.matmul %get3A_14, %get3A_17, %dot_general3A {dimension_numbers = #tpu.dot_dimension_numbers<[1], [0], [0], [1], [0, 0, 1, 1], [], []>, transpose_lhs_hint = false} : vector<2000x128xf32>, vector<128x128xf32>, vector<2000x128xf32> -> vector<2000x128xf32>
    %mul3A = vector.broadcast %rsqrt3A : vector<2000x1xf32> to vector<2000x128xf32>
    %mul3A_19 = arith.mulf %dot_general3A_18, %mul3A : vector<2000x128xf32>
    %swap3A = arith.constant 0 : index
    %swap3A_20 = arith.constant 0 : index
    %swap3A_21 = vector.load %arg5[%swap3A, %swap3A_20] : memref<2000x128xf32, #tpu.memory_space<vmem>>, vector<2000x128xf32>
    tpu.vector_store %arg5[%swap3A, %swap3A_20], %mul3A_19 {strides = array<i32>} : memref<2000x128xf32, #tpu.memory_space<vmem>>, vector<2000x128xf32>,
    %swap3A_22 = arith.constant 0 : index
    %swap3A_23 = arith.constant 0 : index
    %swap3A_24 = vector.load %arg6[%swap3A_22, %swap3A_23] : memref<2000x1xf32, #tpu.memory_space<vmem>>, vector<2000x1xf32>
    tpu.vector_store %arg6[%swap3A_22, %swap3A_23], %rsqrt3A {strides = array<i32>} : memref<2000x1xf32, #tpu.memory_space<vmem>>, vector<2000x1xf32>,
    return
  }
  func.func @transform_0(%arg0: i32) -> (i32, i32) {
    %c0_i32 = arith.constant 0 : i32
    %c0_i32_0 = arith.constant 0 : i32
    return %arg0, %c0_i32 : i32, i32
  }
  func.func @transform_1(%arg0: i32) -> (i32, i32, i32) {
    %c0_i32 = arith.constant 0 : i32
    %c0_i32_0 = arith.constant 0 : i32
    %c0_i32_1 = arith.constant 0 : i32
    return %c0_i32, %arg0, %c0_i32_0 : i32, i32, i32
  }
  func.func @transform_2(%arg0: i32) -> (i32, i32, i32) {
    %c1_i32 = arith.constant 1 : i32
    %c0_i32 = arith.constant 0 : i32
    %c0_i32_0 = arith.constant 0 : i32
    return %c1_i32, %arg0, %c0_i32 : i32, i32, i32
  }
  func.func @transform_3(%arg0: i32) -> (i32, i32) {
    %c0_i32 = arith.constant 0 : i32
    %c0_i32_0 = arith.constant 0 : i32
    %c0_i32_1 = arith.constant 0 : i32
    return %c0_i32, %c0_i32_0 : i32, i32
  }
  func.func @transform_4(%arg0: i32) -> (i32, i32) {
    %c0_i32 = arith.constant 0 : i32
    %c0_i32_0 = arith.constant 0 : i32
    return %arg0, %c0_i32 : i32, i32
  }
  func.func @transform_5(%arg0: i32) -> (i32, i32) {
    %c0_i32 = arith.constant 0 : i32
    %c0_i32_0 = arith.constant 0 : i32
    return %arg0, %c0_i32 : i32, i32
  }
}

module attributes {stable_mosaic.version = 14 : i64} {
  func.func @body(%arg0: i32, %arg1: memref<1x2000x128xf32, #tpu.memory_space<vmem>>, %arg2: memref<1x2000x128xf32, #tpu.memory_space<vmem>>, %arg3: memref<2000x128xf32, #tpu.memory_space<vmem>>, %arg4: memref<2000x1xf32, #tpu.memory_space<vmem>>, %arg5: memref<1x128xf32, #tpu.memory_space<vmem>>, %arg6: memref<128x128xf32, #tpu.memory_space<vmem>>, %arg7: memref<2000x128xf32, #tpu.memory_space<vmem>>) attributes {dimension_semantics = [#tpu.dimension_semantics<arbitrary>], iteration_bounds = array<i64: 5>, scalar_prefetch = 0 : i64, scratch_operands = 0 : i64, tpu.core_type = #tpu.core_type<tc>, window_params = [{transform_indices = @transform_0, window_bounds = array<i64: 1, 2000, 128>}, {transform_indices = @transform_1, window_bounds = array<i64: 1, 2000, 128>}, {transform_indices = @transform_2, window_bounds = array<i64: 2000, 128>}, {transform_indices = @transform_3, window_bounds = array<i64: 2000, 1>}, {pipeline_mode = #tpu.pipeline_mode<synchronous>, transform_indices = @transform_4, window_bounds = array<i64: 1, 128>}, {pipeline_mode = #tpu.pipeline_mode<synchronous>, transform_indices = @transform_5, window_bounds = array<i64: 128, 128>}, {transform_indices = @transform_6, window_bounds = array<i64: 2000, 128>}]} {
    %get3A = arith.constant 0 : index
    %get3A_0 = arith.constant 0 : index
    %get3A_1 = vector.load %arg4[%get3A, %get3A_0] : memref<2000x1xf32, #tpu.memory_space<vmem>>, vector<2000x1xf32>
    %get3A_2 = arith.constant 0 : index
    %get3A_3 = arith.constant 0 : index
    %get3A_4 = arith.constant 0 : index
    %get3A_5 = vector.load %arg1[%get3A_2, %get3A_3, %get3A_4] : memref<1x2000x128xf32, #tpu.memory_space<vmem>>, vector<1x2000x128xf32>
    %get3A_6 = vector.shape_cast %get3A_5 : vector<1x2000x128xf32> to vector<2000x128xf32>
    %get3A_7 = arith.constant 0 : index
    %get3A_8 = arith.constant 0 : index
    %get3A_9 = arith.constant 0 : index
    %get3A_10 = vector.load %arg2[%get3A_7, %get3A_8, %get3A_9] : memref<1x2000x128xf32, #tpu.memory_space<vmem>>, vector<1x2000x128xf32>
    %get3A_11 = vector.shape_cast %get3A_10 : vector<1x2000x128xf32> to vector<2000x128xf32>
    %add3A = arith.addf %get3A_6, %get3A_11 : vector<2000x128xf32>
    %get3A_12 = arith.constant 0 : index
    %get3A_13 = arith.constant 0 : index
    %get3A_14 = vector.load %arg3[%get3A_12, %get3A_13] : memref<2000x128xf32, #tpu.memory_space<vmem>>, vector<2000x128xf32>
    %add3A_15 = arith.addf %add3A, %get3A_14 : vector<2000x128xf32>
    %mul3A = vector.broadcast %get3A_1 : vector<2000x1xf32> to vector<2000x128xf32>
    %mul3A_16 = arith.mulf %add3A_15, %mul3A : vector<2000x128xf32>
    %get3A_17 = arith.constant 0 : index
    %get3A_18 = arith.constant 0 : index
    %get3A_19 = vector.load %arg5[%get3A_17, %get3A_18] : memref<1x128xf32, #tpu.memory_space<vmem>>, vector<1x128xf32>
    %add3A_20 = vector.broadcast %get3A_19 : vector<1x128xf32> to vector<2000x128xf32>
    %add3A_21 = arith.addf %mul3A_16, %add3A_20 : vector<2000x128xf32>
    %max3A = arith.constant 0.000000e+00 : f32
    %max3A_22 = vector.broadcast %max3A : f32 to vector<2000x128xf32>
    %max3A_23 = arith.maximumf %add3A_21, %max3A_22 : vector<2000x128xf32>
    %get3A_24 = arith.constant 0 : index
    %get3A_25 = arith.constant 0 : index
    %get3A_26 = vector.load %arg6[%get3A_24, %get3A_25] : memref<128x128xf32, #tpu.memory_space<vmem>>, vector<128x128xf32>
    %dot_general3A = arith.constant dense<0.000000e+00> : vector<2000x128xf32>
    %dot_general3A_27 = tpu.matmul %max3A_23, %get3A_26, %dot_general3A {dimension_numbers = #tpu.dot_dimension_numbers<[1], [0], [0], [1], [0, 0, 1, 1], [], []>, transpose_lhs_hint = false} : vector<2000x128xf32>, vector<128x128xf32>, vector<2000x128xf32> -> vector<2000x128xf32>
    %mul3A_28 = vector.broadcast %get3A_1 : vector<2000x1xf32> to vector<2000x128xf32>
    %mul3A_29 = arith.mulf %dot_general3A_27, %mul3A_28 : vector<2000x128xf32>
    %swap3A = arith.constant 0 : index
    %swap3A_30 = arith.constant 0 : index
    %swap3A_31 = vector.load %arg7[%swap3A, %swap3A_30] : memref<2000x128xf32, #tpu.memory_space<vmem>>, vector<2000x128xf32>
    tpu.vector_store %arg7[%swap3A, %swap3A_30], %mul3A_29 {strides = array<i32>} : memref<2000x128xf32, #tpu.memory_space<vmem>>, vector<2000x128xf32>,
    return
  }
  func.func @transform_0(%arg0: i32) -> (i32, i32, i32) {
    %c0_i32 = arith.constant 0 : i32
    %c0_i32_0 = arith.constant 0 : i32
    %c0_i32_1 = arith.constant 0 : i32
    return %c0_i32, %arg0, %c0_i32_0 : i32, i32, i32
  }
  func.func @transform_1(%arg0: i32) -> (i32, i32, i32) {
    %c1_i32 = arith.constant 1 : i32
    %c0_i32 = arith.constant 0 : i32
    %c0_i32_0 = arith.constant 0 : i32
    return %c1_i32, %arg0, %c0_i32 : i32, i32, i32
  }
  func.func @transform_2(%arg0: i32) -> (i32, i32) {
    %c0_i32 = arith.constant 0 : i32
    %c0_i32_0 = arith.constant 0 : i32
    return %arg0, %c0_i32 : i32, i32
  }
  func.func @transform_3(%arg0: i32) -> (i32, i32) {
    %c0_i32 = arith.constant 0 : i32
    %c0_i32_0 = arith.constant 0 : i32
    return %arg0, %c0_i32 : i32, i32
  }
  func.func @transform_4(%arg0: i32) -> (i32, i32) {
    %c0_i32 = arith.constant 0 : i32
    %c0_i32_0 = arith.constant 0 : i32
    %c0_i32_1 = arith.constant 0 : i32
    return %c0_i32, %c0_i32_0 : i32, i32
  }
  func.func @transform_5(%arg0: i32) -> (i32, i32) {
    %c0_i32 = arith.constant 0 : i32
    %c0_i32_0 = arith.constant 0 : i32
    %c0_i32_1 = arith.constant 0 : i32
    return %c0_i32, %c0_i32_0 : i32, i32
  }
  func.func @transform_6(%arg0: i32) -> (i32, i32) {
    %c0_i32 = arith.constant 0 : i32
    %c0_i32_0 = arith.constant 0 : i32
    return %arg0, %c0_i32 : i32, i32
  }
}

module attributes {stable_mosaic.version = 14 : i64} {
  func.func @body(%arg0: i32, %arg1: memref<1x2000x128xf32, #tpu.memory_space<vmem>>, %arg2: memref<1x2000x128xf32, #tpu.memory_space<vmem>>, %arg3: memref<2000x128xf32, #tpu.memory_space<vmem>>, %arg4: memref<2000x1xf32, #tpu.memory_space<vmem>>, %arg5: memref<1x128xf32, #tpu.memory_space<vmem>>, %arg6: memref<1x1x2000xi32, #tpu.memory_space<vmem>>, %arg7: memref<128x1xf32, #tpu.memory_space<vmem>>, %arg8: memref<1x1xf32, #tpu.memory_space<vmem>>, %arg9: memref<128x1xf32, #tpu.memory_space<vmem>>, %arg10: memref<128x128xf32, #tpu.memory_space<vmem>>, %arg11: memref<128x1xf32, #tpu.memory_space<vmem>>) attributes {dimension_semantics = [#tpu.dimension_semantics<arbitrary>], iteration_bounds = array<i64: 5>, scalar_prefetch = 0 : i64, scratch_operands = 2 : i64, tpu.core_type = #tpu.core_type<tc>, window_params = [{transform_indices = @transform_0, window_bounds = array<i64: 1, 2000, 128>}, {transform_indices = @transform_1, window_bounds = array<i64: 1, 2000, 128>}, {transform_indices = @transform_2, window_bounds = array<i64: 2000, 128>}, {transform_indices = @transform_3, window_bounds = array<i64: 2000, 1>}, {pipeline_mode = #tpu.pipeline_mode<synchronous>, transform_indices = @transform_4, window_bounds = array<i64: 1, 128>}, {transform_indices = @transform_5, window_bounds = array<i64: 1, 1, 2000>}, {pipeline_mode = #tpu.pipeline_mode<synchronous>, transform_indices = @transform_6, window_bounds = array<i64: 128, 1>}, {pipeline_mode = #tpu.pipeline_mode<synchronous>, transform_indices = @transform_7, window_bounds = array<i64: 1, 1>}, {pipeline_mode = #tpu.pipeline_mode<synchronous>, transform_indices = @transform_8, window_bounds = array<i64: 128, 1>}]} {
    %eq3A = arith.constant 0 : i32
    %eq3A_0 = arith.cmpi eq, %arg0, %eq3A : i32
    %convert_element_type3A = arith.extui %eq3A_0 : i1 to i32
    %cond3A = arith.constant 0 : i32
    %cond3A_1 = arith.cmpi ne, %convert_element_type3A, %cond3A : i32
    scf.if %cond3A_1 {
      %broadcast_in_dim3A_58 = arith.constant 0.000000e+00 : f32
      %broadcast_in_dim3A_59 = vector.broadcast %broadcast_in_dim3A_58 : f32 to vector<128x128xf32>
      %swap3A_60 = arith.constant 0 : index
      %swap3A_61 = arith.constant 0 : index
      %swap3A_62 = vector.load %arg10[%swap3A_60, %swap3A_61] : memref<128x128xf32, #tpu.memory_space<vmem>>, vector<128x128xf32>
      tpu.vector_store %arg10[%swap3A_60, %swap3A_61], %broadcast_in_dim3A_59 {strides = array<i32>} : memref<128x128xf32, #tpu.memory_space<vmem>>, vector<128x128xf32>,
      %broadcast_in_dim3A_63 = arith.constant 0.000000e+00 : f32
      %broadcast_in_dim3A_64 = vector.broadcast %broadcast_in_dim3A_63 : f32 to vector<128x1xf32>
      %swap3A_65 = arith.constant 0 : index
      %swap3A_66 = arith.constant 0 : index
      %swap3A_67 = vector.load %arg11[%swap3A_65, %swap3A_66] : memref<128x1xf32, #tpu.memory_space<vmem>>, vector<128x1xf32>
      tpu.vector_store %arg11[%swap3A_65, %swap3A_66], %broadcast_in_dim3A_64 {strides = array<i32>} : memref<128x1xf32, #tpu.memory_space<vmem>>, vector<128x1xf32>,
    } else {
    }
    %get3A = arith.constant 0 : index
    %get3A_2 = arith.constant 0 : index
    %get3A_3 = vector.load %arg4[%get3A, %get3A_2] : memref<2000x1xf32, #tpu.memory_space<vmem>>, vector<2000x1xf32>
    %get3A_4 = arith.constant 0 : index
    %get3A_5 = arith.constant 0 : index
    %get3A_6 = arith.constant 0 : index
    %get3A_7 = vector.load %arg1[%get3A_4, %get3A_5, %get3A_6] : memref<1x2000x128xf32, #tpu.memory_space<vmem>>, vector<1x2000x128xf32>
    %get3A_8 = vector.shape_cast %get3A_7 : vector<1x2000x128xf32> to vector<2000x128xf32>
    %get3A_9 = arith.constant 0 : index
    %get3A_10 = arith.constant 0 : index
    %get3A_11 = arith.constant 0 : index
    %get3A_12 = vector.load %arg2[%get3A_9, %get3A_10, %get3A_11] : memref<1x2000x128xf32, #tpu.memory_space<vmem>>, vector<1x2000x128xf32>
    %get3A_13 = vector.shape_cast %get3A_12 : vector<1x2000x128xf32> to vector<2000x128xf32>
    %add3A = arith.addf %get3A_8, %get3A_13 : vector<2000x128xf32>
    %get3A_14 = arith.constant 0 : index
    %get3A_15 = arith.constant 0 : index
    %get3A_16 = vector.load %arg3[%get3A_14, %get3A_15] : memref<2000x128xf32, #tpu.memory_space<vmem>>, vector<2000x128xf32>
    %add3A_17 = arith.addf %add3A, %get3A_16 : vector<2000x128xf32>
    %mul3A = vector.broadcast %get3A_3 : vector<2000x1xf32> to vector<2000x128xf32>
    %mul3A_18 = arith.mulf %add3A_17, %mul3A : vector<2000x128xf32>
    %get3A_19 = arith.constant 0 : index
    %get3A_20 = arith.constant 0 : index
    %get3A_21 = vector.load %arg5[%get3A_19, %get3A_20] : memref<1x128xf32, #tpu.memory_space<vmem>>, vector<1x128xf32>
    %add3A_22 = vector.broadcast %get3A_21 : vector<1x128xf32> to vector<2000x128xf32>
    %add3A_23 = arith.addf %mul3A_18, %add3A_22 : vector<2000x128xf32>
    %max3A = arith.constant 0.000000e+00 : f32
    %max3A_24 = vector.broadcast %max3A : f32 to vector<2000x128xf32>
    %max3A_25 = arith.maximumf %add3A_23, %max3A_24 : vector<2000x128xf32>
    %get3A_26 = arith.constant 0 : index
    %get3A_27 = arith.constant 0 : index
    %get3A_28 = arith.constant 0 : index
    %get3A_29 = vector.load %arg6[%get3A_26, %get3A_27, %get3A_28] : memref<1x1x2000xi32, #tpu.memory_space<vmem>>, vector<1x1x2000xi32>
    %get3A_30 = vector.shape_cast %get3A_29 : vector<1x1x2000xi32> to vector<2000xi32>
    %broadcast_in_dim3A = vector.shape_cast %get3A_30 : vector<2000xi32> to vector<2000x1xi32>
    %iota3A = tpu.iota {dimensions = array<i32: 1>} : vector<2000x128xi32>
    %eq3A_31 = vector.broadcast %broadcast_in_dim3A : vector<2000x1xi32> to vector<2000x128xi32>
    %eq3A_32 = arith.cmpi eq, %eq3A_31, %iota3A : vector<2000x128xi32>
    %convert_element_type3A_33 = arith.extui %eq3A_32 : vector<2000x128xi1> to vector<2000x128xi32>
    %convert_element_type3A_34 = arith.sitofp %convert_element_type3A_33 : vector<2000x128xi32> to vector<2000x128xf32>
    %get3A_35 = arith.constant 0 : index
    %get3A_36 = arith.constant 0 : index
    %get3A_37 = vector.load %arg10[%get3A_35, %get3A_36] : memref<128x128xf32, #tpu.memory_space<vmem>>, vector<128x128xf32>
    %dot_general3A = arith.constant dense<0.000000e+00> : vector<128x128xf32>
    %dot_general3A_38 = tpu.matmul %convert_element_type3A_34, %max3A_25, %dot_general3A {dimension_numbers = #tpu.dot_dimension_numbers<[0], [0], [1], [1], [0, 1, 1, 1], [], []>, transpose_lhs_hint = false} : vector<2000x128xf32>, vector<2000x128xf32>, vector<128x128xf32> -> vector<128x128xf32>
    %add3A_39 = arith.addf %get3A_37, %dot_general3A_38 : vector<128x128xf32>
    %swap3A = arith.constant 0 : index
    %swap3A_40 = arith.constant 0 : index
    %swap3A_41 = vector.load %arg10[%swap3A, %swap3A_40] : memref<128x128xf32, #tpu.memory_space<vmem>>, vector<128x128xf32>
    tpu.vector_store %arg10[%swap3A, %swap3A_40], %add3A_39 {strides = array<i32>} : memref<128x128xf32, #tpu.memory_space<vmem>>, vector<128x128xf32>,
    %get3A_42 = arith.constant 0 : index
    %get3A_43 = arith.constant 0 : index
    %get3A_44 = vector.load %arg11[%get3A_42, %get3A_43] : memref<128x1xf32, #tpu.memory_space<vmem>>, vector<128x1xf32>
    %broadcast_in_dim3A_45 = arith.constant 1.000000e+00 : f32
    %broadcast_in_dim3A_46 = vector.broadcast %broadcast_in_dim3A_45 : f32 to vector<2000x1xf32>
    %dot_general3A_47 = arith.constant dense<0.000000e+00> : vector<128x1xf32>
    %dot_general3A_48 = tpu.matmul %convert_element_type3A_34, %broadcast_in_dim3A_46, %dot_general3A_47 {dimension_numbers = #tpu.dot_dimension_numbers<[0], [0], [1], [1], [0, 1, 1, 1], [], []>, transpose_lhs_hint = false} : vector<2000x128xf32>, vector<2000x1xf32>, vector<128x1xf32> -> vector<128x1xf32>
    %add3A_49 = arith.addf %get3A_44, %dot_general3A_48 : vector<128x1xf32>
    %swap3A_50 = arith.constant 0 : index
    %swap3A_51 = arith.constant 0 : index
    %swap3A_52 = vector.load %arg11[%swap3A_50, %swap3A_51] : memref<128x1xf32, #tpu.memory_space<vmem>>, vector<128x1xf32>
    tpu.vector_store %arg11[%swap3A_50, %swap3A_51], %add3A_49 {strides = array<i32>} : memref<128x1xf32, #tpu.memory_space<vmem>>, vector<128x1xf32>,
    %eq3A_53 = arith.constant 4 : i32
    %eq3A_54 = arith.cmpi eq, %arg0, %eq3A_53 : i32
    %convert_element_type3A_55 = arith.extui %eq3A_54 : i1 to i32
    %cond3A_56 = arith.constant 0 : i32
    %cond3A_57 = arith.cmpi ne, %convert_element_type3A_55, %cond3A_56 : i32
    scf.if %cond3A_57 {
      %get3A_58 = arith.constant 0 : index
      %get3A_59 = arith.constant 0 : index
      %get3A_60 = vector.load %arg10[%get3A_58, %get3A_59] : memref<128x128xf32, #tpu.memory_space<vmem>>, vector<128x128xf32>
      %get3A_61 = arith.constant 0 : index
      %get3A_62 = arith.constant 0 : index
      %get3A_63 = vector.load %arg11[%get3A_61, %get3A_62] : memref<128x1xf32, #tpu.memory_space<vmem>>, vector<128x1xf32>
      %max3A_64 = arith.constant 1.000000e+00 : f32
      %max3A_65 = vector.broadcast %max3A_64 : f32 to vector<128x1xf32>
      %max3A_66 = arith.maximumf %get3A_63, %max3A_65 : vector<128x1xf32>
      %div3A = vector.broadcast %max3A_66 : vector<128x1xf32> to vector<128x128xf32>
      %div3A_67 = arith.divf %get3A_60, %div3A : vector<128x128xf32>
      %get3A_68 = arith.constant 0 : index
      %get3A_69 = arith.constant 0 : index
      %get3A_70 = vector.load %arg7[%get3A_68, %get3A_69] : memref<128x1xf32, #tpu.memory_space<vmem>>, vector<128x1xf32>
      %dot_general3A_71 = arith.constant dense<0.000000e+00> : vector<128x1xf32>
      %dot_general3A_72 = tpu.matmul %div3A_67, %get3A_70, %dot_general3A_71 {dimension_numbers = #tpu.dot_dimension_numbers<[1], [0], [0], [1], [0, 0, 1, 1], [], []>, transpose_lhs_hint = false} : vector<128x128xf32>, vector<128x1xf32>, vector<128x1xf32> -> vector<128x1xf32>
      %get3A_73 = arith.constant 0 : index
      %get3A_74 = arith.constant 0 : index
      %get3A_75 = vector.load %arg8[%get3A_73, %get3A_74] : memref<1x1xf32, #tpu.memory_space<vmem>>, vector<1x1xf32>
      %add3A_76 = vector.broadcast %get3A_75 : vector<1x1xf32> to vector<128x1xf32>
      %add3A_77 = arith.addf %dot_general3A_72, %add3A_76 : vector<128x1xf32>
      %swap3A_78 = arith.constant 0 : index
      %swap3A_79 = arith.constant 0 : index
      %swap3A_80 = vector.load %arg9[%swap3A_78, %swap3A_79] : memref<128x1xf32, #tpu.memory_space<vmem>>, vector<128x1xf32>
      tpu.vector_store %arg9[%swap3A_78, %swap3A_79], %add3A_77 {strides = array<i32>} : memref<128x1xf32, #tpu.memory_space<vmem>>, vector<128x1xf32>,
    } else {
    }
    return
  }
  func.func @transform_0(%arg0: i32) -> (i32, i32, i32) {
    %c0_i32 = arith.constant 0 : i32
    %c0_i32_0 = arith.constant 0 : i32
    %c0_i32_1 = arith.constant 0 : i32
    return %c0_i32, %arg0, %c0_i32_0 : i32, i32, i32
  }
  func.func @transform_1(%arg0: i32) -> (i32, i32, i32) {
    %c1_i32 = arith.constant 1 : i32
    %c0_i32 = arith.constant 0 : i32
    %c0_i32_0 = arith.constant 0 : i32
    return %c1_i32, %arg0, %c0_i32 : i32, i32, i32
  }
  func.func @transform_2(%arg0: i32) -> (i32, i32) {
    %c0_i32 = arith.constant 0 : i32
    %c0_i32_0 = arith.constant 0 : i32
    return %arg0, %c0_i32 : i32, i32
  }
  func.func @transform_3(%arg0: i32) -> (i32, i32) {
    %c0_i32 = arith.constant 0 : i32
    %c0_i32_0 = arith.constant 0 : i32
    return %arg0, %c0_i32 : i32, i32
  }
  func.func @transform_4(%arg0: i32) -> (i32, i32) {
    %c0_i32 = arith.constant 0 : i32
    %c0_i32_0 = arith.constant 0 : i32
    %c0_i32_1 = arith.constant 0 : i32
    return %c0_i32, %c0_i32_0 : i32, i32
  }
  func.func @transform_5(%arg0: i32) -> (i32, i32, i32) {
    %c0_i32 = arith.constant 0 : i32
    %c0_i32_0 = arith.constant 0 : i32
    %c0_i32_1 = arith.constant 0 : i32
    return %arg0, %c0_i32, %c0_i32_0 : i32, i32, i32
  }
  func.func @transform_6(%arg0: i32) -> (i32, i32) {
    %c0_i32 = arith.constant 0 : i32
    %c0_i32_0 = arith.constant 0 : i32
    %c0_i32_1 = arith.constant 0 : i32
    return %c0_i32, %c0_i32_0 : i32, i32
  }
  func.func @transform_7(%arg0: i32) -> (i32, i32) {
    %c0_i32 = arith.constant 0 : i32
    %c0_i32_0 = arith.constant 0 : i32
    %c0_i32_1 = arith.constant 0 : i32
    return %c0_i32, %c0_i32_0 : i32, i32
  }
  func.func @transform_8(%arg0: i32) -> (i32, i32) {
    %c0_i32 = arith.constant 0 : i32
    %c0_i32_0 = arith.constant 0 : i32
    %c0_i32_1 = arith.constant 0 : i32
    return %c0_i32, %c0_i32_0 : i32, i32
  }
}

</mosaic_0001>

<sc_bundles>
// kernel: kernel.10.cloned.1.call-start
scs
__scs_entry_jumppad:
0x0: {  	(pc) =	sbr.rel $0x88, $3  }
0x1: {  	(tag) =	ssettag $0x0;
	lr =	simm.s32 $0x1  }
0x2: {  	[smem:$0x3F96] =	sst lr;
	_ =	strace $0xD0000000  }
0x3: {  	_ = 	snop  }
0x4: {  	_ = 	snop  }
0x5: {  	_ = 	snop  }
0x6: {  	_ = 	snop  }
0x7: {  	_ = 	snop  }
__scs_overlays_trampoline_lowered:
0x8: {  	[smem:$0x3FA5] =	sst s0  }
0x9: {  	[smem:$0x3FA6] =	sst s1  }
0xa: {  	[smem:$0x3FA7] =	sst s2  }
0xb: {  	[smem:$0x3FA8] =	sst s3  }
0xc: {  	[smem:$0x3FA9] =	sst s4  }
0xd: {  	[smem:$0x3FAA] =	sst s5  }
0xe: {  	[smem:$0x3FAB] =	sst s6  }
0xf: {  	[smem:$0x3FAC] =	sst s7  }
0x10: {  	[smem:$0x3FAD] =	sst s8  }
0x11: {  	[smem:$0x3FAE] =	sst s9;
	s0 =	simm.s32 @!p0 $0x0  }
0x12: {  	s1 =	sld [smem:$0x3F94];
	s0 =	simm.s32 @p0 $0x1  }
0x13: {  	[smem:$0x3FAF] =	sst s0;
	s0 =	simm.s32 @!p1 $0x0  }
0x14: {  	s2 =	sld [smem:$0x3F93];
	s0 =	simm.s32 @p1 $0x1  }
0x15: {  	[smem:$0x3FB0] =	sst s0;
	s0 =	simm.s32 @!p2 $0x0  }
0x16: {  	s3 =	sld [smem:$0x3FDB];
	s0 =	simm.s32 @p2 $0x1  }
0x17: {  	s4 =	simm.s32 $0x1BF5;
	[smem:$0x3FB2] =	sst s0  }
0x18: {  	s0 =	sld [smem:$0x3F95];
	_ =	swait.ge [sflag:s4], $0x0  }
0x19: {  	s7 =	sld [smem:$0x3F96]  }
0x1a: {  	s8 =	sadd.s32 $0xFFFFE003, lr  }
0x1b: {  	s9 =	sadd.s32 $0xFFFFFEF7, lr;
	s5 =	simm.s32 $0xFFFFFFFF;
	p2 =	slt.u32 s8, $0xFFFFF086  }
0x1c: {  	p1 =	slt.u32 s9, $0xF7A;
	s5 =	simm.s32 @!p2 $0x0  }
0x1d: {  	s5 =	simm.s32 @p1 $0x1;
	p0 =	seq.s32 s7, s2  }
0x1e: {  	s7 =	smul.u32 @!p0 $0xF7A, s2;
	p2 =	seq.s32 @!p0 s5, $0x0  }
0x1f: {  	s9 =	smul.u32 $0xF7A, s1;
	s8 =	simm.s32 @!p0 $0x1BF5;
	p2 =	por !p2, p0  }
0x20: {  	[sflag:s8] =	ssyncset.s32 @!p0 $0xFFFFF086;
	s6 =	sadd.s32 @!p0 s3, s7;
	s7 =	simm.s32 @!p0 $0x108  }
0x21: {  	s3 =	sadd.s32 s3, s9;
	s6 =	sadd.s32 @!p0 $0x88, s6;
	s7 =	simm.s32 @p2 $0x1082  }
0x22: {  	[simem:s7], [sflag:s8] =	dma.local @!p0 [hbm:s6], $0xF7A  }
0x23: {  	s9 =	sor.u32 $0xD0000000, s2;
	s6 =	simm.s32 $0x108;
	_ =	swait.ge @!p0 [sflag:s8], $0x0  }
0x24: {  	s3 =	sadd.s32 $0x88, s3;
	s6 =	simm.s32 @!p1 $0x1082;
	[sflag:s4] =	ssyncset.s32 $0xFFFFF086  }
0x25: {  	[simem:s6], [sflag:s4] =	dma.local [hbm:s3], $0xF7A  }
0x26: {  	[smem:$0x3F96] =	sst s1;
	(tag) =	ssettag s2;
	_ =	strace s9  }
0x27: {  	s1 =	sld [smem:$0x3FA6]  }
0x28: {  	s2 =	sld [smem:$0x3FA7]  }
0x29: {  	s4 =	sld [smem:$0x3FA9]  }
0x2a: {  	p0 =	seq.s32 s5, $0x0;
	s5 =	sld [smem:$0x3FAA]  }
0x2b: {  	s6 =	sld [smem:$0x3FAB]  }
0x2c: {  	s7 =	sld [smem:$0x3FAC]  }
0x2d: {  	s3 =	simm.s32 $0x108;
	s8 =	sld [smem:$0x3FAD]  }
0x2e: {  	s3 =	simm.s32 @!p0 $0x1082;
	s9 =	sld [smem:$0x3FAE]  }
0x2f: {  	lr =	sadd.s32 s0, s3;
	s0 =	sld [smem:$0x3FA5]  }
0x30: {  	s3 =	sld [smem:$0x3FA8]  }
0x31: {  	[smem:$0x3FB1] =	sst s10  }
0x32: {  	s10 =	sld [smem:$0x3FAF];
	_ =	sdelay $0x3  }
0x33: {  	p0 =	seq.s32 s10, $0x1;
	s10 =	sld [smem:$0x3FB1];
	_ =	sdelay $0x3  }
0x34: {  	[smem:$0x3FB1] =	sst s10  }
0x35: {  	s10 =	sld [smem:$0x3FB0];
	_ =	sdelay $0x3  }
0x36: {  	p1 =	seq.s32 s10, $0x1;
	s10 =	sld [smem:$0x3FB1];
	_ =	sdelay $0x3  }
0x37: {  	[smem:$0x3FB1] =	sst s10  }
0x38: {  	s10 =	sld [smem:$0x3FB2]  }
0x39: {  	_ = 	snop;
	(pc) =	sbr.ind lr, $3  }
0x3a: {  	_ = 	snop  }
0x3b: {  	_ = 	snop  }
0x3c: {  	p2 =	seq.s32 s10, $0x1;
	s10 =	sld [smem:$0x3FB1]  }
0x3d: {  	_ =	shalt  }
0x3e: {  	_ =	shalt  }
0x3f: {  	_ =	shalt  }
0x40: {  	_ =	shalt  }
0x41: {  	_ =	shalt  }
0x42: {  	_ =	shalt  }
0x43: {  	_ =	shalt  }
0x44: {  	_ =	shalt  }
0x45: {  	_ =	shalt  }
0x46: {  	_ =	shalt  }
0x47: {  	_ =	shalt  }
0x48: {  	_ =	shalt  }
0x49: {  	_ =	shalt  }
0x4a: {  	_ =	shalt  }
0x4b: {  	_ =	shalt  }
0x4c: {  	_ =	shalt  }
0x4d: {  	_ =	shalt  }
0x4e: {  	_ =	shalt  }
0x4f: {  	_ =	shalt  }
0x50: {  	_ =	shalt  }
0x51: {  	_ =	shalt  }
0x52: {  	_ =	shalt  }
0x53: {  	_ =	shalt  }
0x54: {  	_ =	shalt  }
0x55: {  	_ =	shalt  }
0x56: {  	_ =	shalt  }
0x57: {  	_ =	shalt  }
0x58: {  	_ =	shalt  }
0x59: {  	_ =	shalt  }
0x5a: {  	_ =	shalt  }
0x5b: {  	_ =	shalt  }
0x5c: {  	_ =	shalt  }
0x5d: {  	_ =	shalt  }
0x5e: {  	_ =	shalt  }
0x5f: {  	_ =	shalt  }
0x60: {  	_ =	shalt  }
0x61: {  	_ =	shalt  }
0x62: {  	_ =	shalt  }
0x63: {  	_ =	shalt  }
0x64: {  	_ =	shalt  }
0x65: {  	_ =	shalt  }
0x66: {  	_ =	shalt  }
0x67: {  	_ =	shalt  }
0x68: {  	_ =	shalt  }
0x69: {  	_ =	shalt  }
0x6a: {  	_ =	shalt  }
0x6b: {  	_ =	shalt  }
0x6c: {  	_ =	shalt  }
0x6d: {  	_ =	shalt  }
0x6e: {  	_ =	shalt  }
0x6f: {  	_ =	shalt  }
0x70: {  	_ =	shalt  }
0x71: {  	_ =	shalt  }
0x72: {  	_ =	shalt  }
0x73: {  	_ =	shalt  }
0x74: {  	_ =	shalt  }
0x75: {  	_ =	shalt  }
0x76: {  	_ =	shalt  }
0x77: {  	_ =	shalt  }
0x78: {  	_ =	shalt  }
0x79: {  	_ =	shalt  }
0x7a: {  	_ =	shalt  }
0x7b: {  	_ =	shalt  }
0x7c: {  	_ =	shalt  }
0x7d: {  	_ =	shalt  }
0x7e: {  	_ =	shalt  }
0x7f: {  	_ =	shalt  }
0x80: {  	_ =	shalt  }
0x81: {  	_ =	shalt  }
0x82: {  	_ =	shalt  }
0x83: {  	_ =	shalt  }
0x84: {  	_ =	shalt  }
0x85: {  	_ =	shalt  }
0x86: {  	_ =	shalt  }
0x87: {  	_ =	shalt  }
.Lfunc_end0:
.L_simem_size_0:
called_computation_lowered:
.L_overlay_start_0:
0x88: {  	s2 =	sld [smem:$0x3FD9]  }
0x89: {  	s3 =	sld [smem:$0x3FFE];
	_ =	sdelay $0x1  }
0x8a: {  	s1 =	srdreg.scid  }
0x8b: {  	s0 =	sand.u32 $0x1, s1  }
0x8c: {  	s16 =	sshll.u32 s0, $0xA;
	s2 =	sadd.s32 s3, s2  }
0x8d: {  	s2 =	sadd.s32 s2, s16  }
0x8e: {  	[smem:$0x3FBD] =	sst s2  }
0x8f: {  	_ = 	snop  }
0x90: {  	(tm) =	ssettm $0x1  }
0x91: {  	s17 =	sld [smem:$0x3FFB];
	_ =	sdelay $0x3  }
0x92: {  	_ =	strace s17  }
0x93: {  	s2 =	sld [smem:$0x3FFC];
	_ =	sdelay $0x3  }
0x94: {  	_ =	strace s2  }
0x95: {  	s2 =	sld [smem:$0x3FFD];
	_ =	sdelay $0x3  }
0x96: {  	_ =	strace s2  }
0x97: {  	_ =	strace $0x8FFFFFFF  }
0x98: {  	s18 =	sld [smem:$0x3FDB];
	_ =	sdelay $0x1  }
0x99: {  	s19 =	simm.s32 $_scs_section_size  }
0x9a: {  	s4 =	simm.s32 $_size__tile_overlayer_lowered;
	s5 =	simm.s32 $_tile_overlayer_lowered  }
0x9b: {  	s22 =	simm.s32 $0x1BFF;
	s21 =	sshll.u32 s5, $0x1;
	s2 =	sadd.s32 s19, s18  }
0x9c: {  	s6 =	simm.s32 $0x0;
	s20 =	sshll.u32 s4, $0x1;
	s4 =	sadd.s32 s21, s2  }
0x9d: {  	[timem:s6], [sflag:s22] =	dma.local [hbm:s4], s20  }
0x9e: {  	_ =	swait.ge [sflag:s22], s20  }
0x9f: {  	s3 =	ssub.s32 $0x0, s20;
	[sflag:s22] =	ssyncset.done $0x0  }
0xa0: {  	[sflag:s22] =	ssyncadd.s32 s3;
	_ =	sdelay $0x1  }
0xa1: {  	s23 =	simm.s32 $0x1B8B  }
0xa2: {  	_ =	swait.ge [sflag:s23], $0x1  }
0xa3: {  	[sflag:s23] =	ssyncset.done $0x0  }
0xa4: {  	s25 =	simm.s32 $0x1B8E;
	s24 =	sld [smem:$0x3FFE];
	[sflag:s23] =	ssyncadd.s32 $0xFFFFFFFF  }
0xa5: {  	s26 =	simm.s32 $execute0_lowered;
	[smem:$0x3FD2] =	sst s25  }
0xa6: {  	s4 =	sshll.u32 s26, $0x1;
	_ =	strace $0x80000046;
	[dreg:$0x1] =	wrdreg $0xFFFFFFFF  }
0xa7: {  	s28 =	simm.s32 $_size_execute0_lowered;
	s2 =	sadd.s32 s2, s4;
	[dreg:$0x0] =	wrdreg $0x0  }
0xa8: {  	s4 =	sshll.u32 s28, $0x1;
	[dreg:$0x2] =	wrdreg s2  }
0xa9: {  	[dreg:$0x3] =	wrdreg s4  }
0xaa: {  	[dreg:$0x4] =	wrdreg $0xC0  }
0xab: {  	_ =	task [dreg:s6], $0x5FFFF  }
0xac: {  	[dreg:$0x1] =	wrdreg $0xFFFFFFFF  }
0xad: {  	[dreg:$0x0] =	wrdreg $0x60  }
0xae: {  	[dreg:$0x2] =	wrdreg s24  }
0xaf: {  	[dreg:$0x3] =	wrdreg $0x68000  }
0xb0: {  	[dreg:$0x4] =	wrdreg $0x9  }
0xb1: {  	_ =	task.clear_ibuf [dreg:s6], $0x5FFFF;
	_ =	strace $0x90000046  }
0xb2: {  	s29 =	simm.s32 $0x9;
	_ =	strace $0x80000048  }
0xb3: {  	_ =	swait.ge [sflag:s29], $0x1  }
0xb4: {  	[sflag:s29] =	ssyncadd.s32 $0xFFFFFFFF  }
0xb5: {  	_ =	strace $0x90000048  }
0xb6: {  	_ =	sfence  }
0xb7: {  	s30 =	sld [smem:$0x0];
	_ =	sdelay $0x2  }
0xb8: {  	s31 =	sshll.u32 s1, $0xD;
	s1 =	sshrl.u32 s1, $0x2  }
0xb9: {  	s3 =	sand.u32 $0x4000, s31;
	s1 =	sadd.s32 s1, s30  }
0xba: {  	s0 =	sor.u32 s3, s0;
	s1 =	sshll.u32 s1, $0x11  }
0xbb: {  	s0 =	sor.u32 s1, s0  }
0xbc: {  	s0 =	sadd.s32 $0x8F2B, s0  }
0xbd: {  	[sflag:s0] =	ssyncadd.remote.s32 $0x1  }
0xbe: {  	_ =	sfence.sel $0xFFFF  }
0xbf: {  	[dreg:$0x0] =	wrdreg $0xFFFFFFFF;
	(pc) =	sbr.abs _section_cstart, $3  }
0xc0: {  	[dreg:$0x1] =	wrdreg $0xFFFFFFFF  }
0xc1: {  	_ =	task.clear_ibuf [dreg:s6], $0x2FFFF;
	_ =	strace $0x9FFFFFFF  }
0xc2: {  	(tm) =	ssettm $0x7FFFFFFF  }
0xc3: {  	_ =	shalt  }
tec
execute0_lowered:
.L_overlay_start_1:
0x0: {  	(tag) =	ssettag $0x1  }
0x1: {  	s0 =	srdreg.scid;
	s4 =	rddreg [dreg:$0x0]  }
0x2: {  	s2 =	rddreg [dreg:$0x1];
	s5 =	sand.u32 $0x1, s0  }
0x3: {  	s0 =	stileid.u32;
	s6 =	smul.u32 $0x28000, s5  }
0x4: {  	s1 =	rddreg [dreg:$0x2];
	s3 =	simm.s32 $0x0;
	s7 =	smul.u32 $0x2800, s0  }
0x5: {  	s12 =	simm.s32 $0x1;
	s13 =	simm.s32 $0x2800;
	s8 =	smul.u32 $0x140000, s5  }
0x6: {  	s14 =	simm.s32 $0x80;
	s17 =	simm.s32 $0x0;
	s29 =	smul.u32 $0x14000, s0  }
0x7: {  	[smem:$0x7FF] =	sst s3;
	s9 =	smul.u32 $0x50000, s0;
	s5 =	ssub.s32 $0x2, s5  }
0x8: {  	_ =	strace $0x80000047;
	s15 =	sshll.u32 s0, $0x6;
	s31 =	sshrl.u32 s5, $0x1  }
0x9: {  	s15 =	sor.u32 $0x1C01, s15;
	s6 =	sadd.s32 s7, s6;
	s7 =	sadd.s32 s29, s8  }
0xa: {  	s30 =	sshrl.u32 s9, $0x2;
	s11 =	ssub.s32 s5, s31;
	s6 =	sshrl.u32 s6, $0x3  }
0xb: {  	s7 =	sshrl.u32 s7, $0x3;
	s11 =	smax.u32 s11, $0x1;
	s6 =	sadd.s32 s6, s4  }
0xc: {  	s10 =	sadd.s32 s7, s4;
	s4 =	sadd.s32 s30, s2;
	s5 =	sadd.s32 $0x3000, s6  }
0xd: {  	v0 =	vimm.f32 $0.0e+00;
	vm0 =	vcmask $0x300;
	s6 =	sadd.s32 $0x4000, s4;
	s7 =	sadd.s32 $0x8000, s4;
	s8 =	sadd.s32 $0xC000, s4  }
0xe: {  	v1 =	vsel vm0, $0x3F800000, v0;
	s9 =	sadd.s32 $0x10000, s4;
	s10 =	sadd.s32 $0xD000, s10;
	s16 =	sshrl.u32 s4, $0x3  }
.LBB2_1:
0xf: {  	[tilespmem:s3], [sflag:$0x1] =	stream.linear.gather [hbm4b:s5+s3], $0x2800, $0x38;
	[tilespmem:$0x9000] =	vst v63  }
0x10: {  	_ =	swait.ge [sflag:s12], $0x2800  }
0x11: {  	[sflag:s12] =	ssyncset.done $0x0  }
0x12: {  	s18 =	simm.s32 $0x200;
	s19 =	simm.s32 $0x0;
	[sflag:s12] =	ssyncadd.s32 $0xFFFFD800  }
.LBB2_2:
0x13: {  	p0 =	sne.s32 s18, $0xFE00;
	[tilespmem:s19+$0x2800] =	vst v0;
	s19 =	smov.u32 s18;
	s18 =	sadd.s32 $0x200, s18  }
.Ltmp0:
0x14: {  	(pc) =	sbr.rel @p0 .LBB2_2-.Ltmp0, $2  }
0x15: {  	_ =	sdelay $0x2  }
0x16: {  	s19 =	sshra.s32 s19, $0x2  }
0x17: {  	[tilespmem:s19+$0x2800] =	vst v0  }
0x18: {  	[spmem:s4] =	stream.linear.scatter [tilespmem:s13], [sflag:$0x1], $0x4000, $0x38;
	[tilespmem:$0x9000] =	vst v63  }
0x19: {  	_ =	swait.ge [sflag:s12], $0x4000  }
0x1a: {  	[sflag:s12] =	ssyncset.done $0x0  }
0x1b: {  	[sflag:s12] =	ssyncadd.s32 $0xFFFFC000  }
0x1c: {  	[spmem:s6] =	stream.linear.scatter [tilespmem:s13], [sflag:$0x1], $0x4000, $0x38;
	[tilespmem:$0x9000] =	vst v63  }
0x1d: {  	_ =	swait.ge [sflag:s12], $0x4000  }
0x1e: {  	[sflag:s12] =	ssyncset.done $0x0  }
0x1f: {  	[sflag:s12] =	ssyncadd.s32 $0xFFFFC000  }
0x20: {  	[spmem:s7] =	stream.linear.scatter [tilespmem:s13], [sflag:$0x1], $0x4000, $0x38;
	[tilespmem:$0x9000] =	vst v63  }
0x21: {  	_ =	swait.ge [sflag:s12], $0x4000  }
0x22: {  	[sflag:s12] =	ssyncset.done $0x0  }
0x23: {  	[sflag:s12] =	ssyncadd.s32 $0xFFFFC000  }
0x24: {  	[spmem:s8] =	stream.linear.scatter [tilespmem:s13], [sflag:$0x1], $0x4000, $0x38;
	[tilespmem:$0x9000] =	vst v63  }
0x25: {  	_ =	swait.ge [sflag:s12], $0x4000  }
0x26: {  	[sflag:s12] =	ssyncset.done $0x0  }
0x27: {  	[sflag:s12] =	ssyncadd.s32 $0xFFFFC000  }
0x28: {  	[spmem:s9] =	stream.linear.scatter [tilespmem:s13], [sflag:$0x1], $0x4000, $0x38;
	[tilespmem:$0x9000] =	vst v63  }
0x29: {  	_ =	swait.ge [sflag:s12], $0x4000  }
0x2a: {  	[sflag:s12] =	ssyncset.done $0x0  }
0x2b: {  	s18 =	simm.s32 $0x200;
	s19 =	simm.s32 $0x0;
	[sflag:s12] =	ssyncadd.s32 $0xFFFFC000  }
.LBB2_4:
0x2c: {  	p0 =	sne.s32 s18, $0xFE00;
	[tilespmem:s19+$0x2800] =	vst v1;
	s19 =	smov.u32 s18;
	s18 =	sadd.s32 $0x200, s18  }
.Ltmp1:
0x2d: {  	(pc) =	sbr.rel @p0 .LBB2_4-.Ltmp1, $2  }
0x2e: {  	_ =	sdelay $0x2  }
0x2f: {  	s19 =	sshra.s32 s19, $0x2  }
0x30: {  	[tilespmem:s19+$0x2800] =	vst v1  }
0x31: {  	s18 =	simm.s32 $0x0;
	[bflag:$0x0] =	sbarrier.arrive $0xFFFF  }
0x32: {  	[spmem:s2] =	stream.indirect.scatter.add.f32 [tilespmem:s13], [sflag:$0x1], $0x10, s18, s14, $0xb8;
	[tilespmem:$0x9000] =	vst v63  }
0x33: {  	_ =	swait.ge [sflag:s12], $0x800  }
0x34: {  	s18 =	simm.s32 $0x200;
	[sflag:s12] =	ssyncset.done $0x0  }
.LBB2_6:
0x35: {  	s19 =	sshra.s32 s18, $0x2;
	[sflag:s12] =	ssyncadd.s32 $0xFFFFF800;
	p0 =	sne.s32 s18, $0x9E00  }
0x36: {  	[spmem:s2] =	stream.indirect.scatter.add.f32 [tilespmem:s13], [sflag:$0x1], $0x10, s19, s14, $0xb8;
	[tilespmem:$0x9000] =	vst v63  }
.Ltmp2:
0x37: {  	_ = 	snop;
	(pc) =	sbr.rel @p0 .LBB2_6-.Ltmp2, $4  }
0x38: {  	_ = 	snop  }
0x39: {  	s18 =	sadd.s32 $0x200, s18  }
0x3a: {  	_ =	swait.ge [sflag:s12], $0x800  }
0x3b: {  	[sflag:s12] =	ssyncset.done $0x0  }
0x3c: {  	s17 =	sadd.s32 $0x1, s17  }
0x3d: {  	[sflag:s12] =	ssyncadd.s32 $0xFFFFF800;
	p0 =	sne.s32 s17, s11  }
.Ltmp3:
0x3e: {  	[bflag:$0x0] =	sbarrier.arrive $0xFFFF;
	(pc) =	sbr.rel @p0 .LBB2_1-.Ltmp3, $4  }
0x3f: {  	[hbm:s10], [sflag:s15] =	dma.local [spmem:s16], $0x2800  }
0x40: {  	_ =	swait.ge [sflag:s12], $0x2800  }
0x41: {  	[sflag:s12] =	ssyncset.done $0x0  }
0x42: {  	[sflag:s12] =	ssyncadd.s32 $0xFFFFD800  }
0x43: {  	_ =	sfence.sel $0x180000  }
0x44: {  	[bflag:$0x0] =	sbarrier.arrive $0xFFFF  }
0x45: {  	p0 =	sne.s32 s0, $0x0;
	_ =	strace $0x90000047  }
0x46: {  	s0 =	sadd.s32 @!p0 $0x100000, s1;
	[bflag:$0x2] =	sbarrier.arrive $0xFFFF  }
0x47: {  	[sflag:s0] =	ssyncadd.tile.s32 @!p0 $0x1;
	_ =	shalt  }
.Lfunc_end2:
_tile_overlayer_lowered:
.L_overlay_start_2:
0x48: {  	(tag) =	ssettag $0x2  }
0x49: {  	s0 =	rddreg [dreg:$0x0];
	s2 =	stileid.u32  }
0x4a: {  	s1 =	rddreg [dreg:$0x1];
	p0 =	sne.s32 s2, $0x0  }
0x4b: {  	s3 =	rddreg [dreg:$0x2];
	[bflag:$0x3] =	sbarrier.arrive $0xFFFF;
	s2 =	simm.s32 @!p0 $0x1C01  }
0x4c: {  	[timem:s3], [sflag:s2] =	dma.local @!p0 [hbm:s0], s1  }
0x4d: {  	s0 =	simm.s32 @!p0 $0x1  }
0x4e: {  	_ =	swait.ge @!p0 [sflag:s0], s1  }
0x4f: {  	s1 =	ssub.s32 @!p0 $0x0, s1;
	[sflag:s0] =	ssyncset.done @!p0 $0x0  }
0x50: {  	[sflag:s0] =	ssyncadd.s32 @!p0 s1  }
0x51: {  	[bflag:$0x3] =	sbarrier.arrive $0xFFFF  }
0x52: {  	_ =	shalt  }

// kernel: kernel.13.cloned.1.call-start
scs
__scs_entry_jumppad:
0x0: {  	(pc) =	sbr.rel $0x88, $3  }
0x1: {  	(tag) =	ssettag $0x0;
	lr =	simm.s32 $0x1  }
0x2: {  	[smem:$0x3F96] =	sst lr;
	_ =	strace $0xD0000000  }
0x3: {  	_ = 	snop  }
0x4: {  	_ = 	snop  }
0x5: {  	_ = 	snop  }
0x6: {  	_ = 	snop  }
0x7: {  	_ = 	snop  }
__scs_overlays_trampoline_lowered:
0x8: {  	[smem:$0x3FA5] =	sst s0  }
0x9: {  	[smem:$0x3FA6] =	sst s1  }
0xa: {  	[smem:$0x3FA7] =	sst s2  }
0xb: {  	[smem:$0x3FA8] =	sst s3  }
0xc: {  	[smem:$0x3FA9] =	sst s4  }
0xd: {  	[smem:$0x3FAA] =	sst s5  }
0xe: {  	[smem:$0x3FAB] =	sst s6  }
0xf: {  	[smem:$0x3FAC] =	sst s7  }
0x10: {  	[smem:$0x3FAD] =	sst s8  }
0x11: {  	[smem:$0x3FAE] =	sst s9;
	s0 =	simm.s32 @!p0 $0x0  }
0x12: {  	s1 =	sld [smem:$0x3F94];
	s0 =	simm.s32 @p0 $0x1  }
0x13: {  	[smem:$0x3FAF] =	sst s0;
	s0 =	simm.s32 @!p1 $0x0  }
0x14: {  	s2 =	sld [smem:$0x3F93];
	s0 =	simm.s32 @p1 $0x1  }
0x15: {  	[smem:$0x3FB0] =	sst s0;
	s0 =	simm.s32 @!p2 $0x0  }
0x16: {  	s3 =	sld [smem:$0x3FDB];
	s0 =	simm.s32 @p2 $0x1  }
0x17: {  	s4 =	simm.s32 $0x1BF5;
	[smem:$0x3FB2] =	sst s0  }
0x18: {  	s0 =	sld [smem:$0x3F95];
	_ =	swait.ge [sflag:s4], $0x0  }
0x19: {  	s7 =	sld [smem:$0x3F96]  }
0x1a: {  	s8 =	sadd.s32 $0xFFFFE003, lr  }
0x1b: {  	s9 =	sadd.s32 $0xFFFFFEF7, lr;
	s5 =	simm.s32 $0xFFFFFFFF;
	p2 =	slt.u32 s8, $0xFFFFF086  }
0x1c: {  	p1 =	slt.u32 s9, $0xF7A;
	s5 =	simm.s32 @!p2 $0x0  }
0x1d: {  	s5 =	simm.s32 @p1 $0x1;
	p0 =	seq.s32 s7, s2  }
0x1e: {  	s7 =	smul.u32 @!p0 $0xF7A, s2;
	p2 =	seq.s32 @!p0 s5, $0x0  }
0x1f: {  	s9 =	smul.u32 $0xF7A, s1;
	s8 =	simm.s32 @!p0 $0x1BF5;
	p2 =	por !p2, p0  }
0x20: {  	[sflag:s8] =	ssyncset.s32 @!p0 $0xFFFFF086;
	s6 =	sadd.s32 @!p0 s3, s7;
	s7 =	simm.s32 @!p0 $0x108  }
0x21: {  	s3 =	sadd.s32 s3, s9;
	s6 =	sadd.s32 @!p0 $0x88, s6;
	s7 =	simm.s32 @p2 $0x1082  }
0x22: {  	[simem:s7], [sflag:s8] =	dma.local @!p0 [hbm:s6], $0xF7A  }
0x23: {  	s9 =	sor.u32 $0xD0000000, s2;
	s6 =	simm.s32 $0x108;
	_ =	swait.ge @!p0 [sflag:s8], $0x0  }
0x24: {  	s3 =	sadd.s32 $0x88, s3;
	s6 =	simm.s32 @!p1 $0x1082;
	[sflag:s4] =	ssyncset.s32 $0xFFFFF086  }
0x25: {  	[simem:s6], [sflag:s4] =	dma.local [hbm:s3], $0xF7A  }
0x26: {  	[smem:$0x3F96] =	sst s1;
	(tag) =	ssettag s2;
	_ =	strace s9  }
0x27: {  	s1 =	sld [smem:$0x3FA6]  }
0x28: {  	s2 =	sld [smem:$0x3FA7]  }
0x29: {  	s4 =	sld [smem:$0x3FA9]  }
0x2a: {  	p0 =	seq.s32 s5, $0x0;
	s5 =	sld [smem:$0x3FAA]  }
0x2b: {  	s6 =	sld [smem:$0x3FAB]  }
0x2c: {  	s7 =	sld [smem:$0x3FAC]  }
0x2d: {  	s3 =	simm.s32 $0x108;
	s8 =	sld [smem:$0x3FAD]  }
0x2e: {  	s3 =	simm.s32 @!p0 $0x1082;
	s9 =	sld [smem:$0x3FAE]  }
0x2f: {  	lr =	sadd.s32 s0, s3;
	s0 =	sld [smem:$0x3FA5]  }
0x30: {  	s3 =	sld [smem:$0x3FA8]  }
0x31: {  	[smem:$0x3FB1] =	sst s10  }
0x32: {  	s10 =	sld [smem:$0x3FAF];
	_ =	sdelay $0x3  }
0x33: {  	p0 =	seq.s32 s10, $0x1;
	s10 =	sld [smem:$0x3FB1];
	_ =	sdelay $0x3  }
0x34: {  	[smem:$0x3FB1] =	sst s10  }
0x35: {  	s10 =	sld [smem:$0x3FB0];
	_ =	sdelay $0x3  }
0x36: {  	p1 =	seq.s32 s10, $0x1;
	s10 =	sld [smem:$0x3FB1];
	_ =	sdelay $0x3  }
0x37: {  	[smem:$0x3FB1] =	sst s10  }
0x38: {  	s10 =	sld [smem:$0x3FB2]  }
0x39: {  	_ = 	snop;
	(pc) =	sbr.ind lr, $3  }
0x3a: {  	_ = 	snop  }
0x3b: {  	_ = 	snop  }
0x3c: {  	p2 =	seq.s32 s10, $0x1;
	s10 =	sld [smem:$0x3FB1]  }
0x3d: {  	_ =	shalt  }
0x3e: {  	_ =	shalt  }
0x3f: {  	_ =	shalt  }
0x40: {  	_ =	shalt  }
0x41: {  	_ =	shalt  }
0x42: {  	_ =	shalt  }
0x43: {  	_ =	shalt  }
0x44: {  	_ =	shalt  }
0x45: {  	_ =	shalt  }
0x46: {  	_ =	shalt  }
0x47: {  	_ =	shalt  }
0x48: {  	_ =	shalt  }
0x49: {  	_ =	shalt  }
0x4a: {  	_ =	shalt  }
0x4b: {  	_ =	shalt  }
0x4c: {  	_ =	shalt  }
0x4d: {  	_ =	shalt  }
0x4e: {  	_ =	shalt  }
0x4f: {  	_ =	shalt  }
0x50: {  	_ =	shalt  }
0x51: {  	_ =	shalt  }
0x52: {  	_ =	shalt  }
0x53: {  	_ =	shalt  }
0x54: {  	_ =	shalt  }
0x55: {  	_ =	shalt  }
0x56: {  	_ =	shalt  }
0x57: {  	_ =	shalt  }
0x58: {  	_ =	shalt  }
0x59: {  	_ =	shalt  }
0x5a: {  	_ =	shalt  }
0x5b: {  	_ =	shalt  }
0x5c: {  	_ =	shalt  }
0x5d: {  	_ =	shalt  }
0x5e: {  	_ =	shalt  }
0x5f: {  	_ =	shalt  }
0x60: {  	_ =	shalt  }
0x61: {  	_ =	shalt  }
0x62: {  	_ =	shalt  }
0x63: {  	_ =	shalt  }
0x64: {  	_ =	shalt  }
0x65: {  	_ =	shalt  }
0x66: {  	_ =	shalt  }
0x67: {  	_ =	shalt  }
0x68: {  	_ =	shalt  }
0x69: {  	_ =	shalt  }
0x6a: {  	_ =	shalt  }
0x6b: {  	_ =	shalt  }
0x6c: {  	_ =	shalt  }
0x6d: {  	_ =	shalt  }
0x6e: {  	_ =	shalt  }
0x6f: {  	_ =	shalt  }
0x70: {  	_ =	shalt  }
0x71: {  	_ =	shalt  }
0x72: {  	_ =	shalt  }
0x73: {  	_ =	shalt  }
0x74: {  	_ =	shalt  }
0x75: {  	_ =	shalt  }
0x76: {  	_ =	shalt  }
0x77: {  	_ =	shalt  }
0x78: {  	_ =	shalt  }
0x79: {  	_ =	shalt  }
0x7a: {  	_ =	shalt  }
0x7b: {  	_ =	shalt  }
0x7c: {  	_ =	shalt  }
0x7d: {  	_ =	shalt  }
0x7e: {  	_ =	shalt  }
0x7f: {  	_ =	shalt  }
0x80: {  	_ =	shalt  }
0x81: {  	_ =	shalt  }
0x82: {  	_ =	shalt  }
0x83: {  	_ =	shalt  }
0x84: {  	_ =	shalt  }
0x85: {  	_ =	shalt  }
0x86: {  	_ =	shalt  }
0x87: {  	_ =	shalt  }
.Lfunc_end0:
.L_simem_size_0:
called_computation.1_lowered:
.L_overlay_start_0:
0x88: {  	s2 =	sld [smem:$0x3FD9]  }
0x89: {  	s3 =	sld [smem:$0x3FFE];
	_ =	sdelay $0x1  }
0x8a: {  	s1 =	srdreg.scid  }
0x8b: {  	s0 =	sand.u32 $0x1, s1  }
0x8c: {  	s16 =	sshll.u32 s0, $0xA;
	s2 =	sadd.s32 s3, s2  }
0x8d: {  	s2 =	sadd.s32 s2, s16  }
0x8e: {  	[smem:$0x3FBD] =	sst s2  }
0x8f: {  	_ = 	snop  }
0x90: {  	(tm) =	ssettm $0x1  }
0x91: {  	s17 =	sld [smem:$0x3FFB];
	_ =	sdelay $0x3  }
0x92: {  	_ =	strace s17  }
0x93: {  	s2 =	sld [smem:$0x3FFC];
	_ =	sdelay $0x3  }
0x94: {  	_ =	strace s2  }
0x95: {  	s2 =	sld [smem:$0x3FFD];
	_ =	sdelay $0x3  }
0x96: {  	_ =	strace s2  }
0x97: {  	_ =	strace $0x8FFFFFFF  }
0x98: {  	s18 =	sld [smem:$0x3FDB];
	_ =	sdelay $0x1  }
0x99: {  	s19 =	simm.s32 $_scs_section_size  }
0x9a: {  	s4 =	simm.s32 $_size__tile_overlayer_lowered;
	s5 =	simm.s32 $_tile_overlayer_lowered  }
0x9b: {  	s22 =	simm.s32 $0x1BFF;
	s21 =	sshll.u32 s5, $0x1;
	s2 =	sadd.s32 s19, s18  }
0x9c: {  	s6 =	simm.s32 $0x0;
	s20 =	sshll.u32 s4, $0x1;
	s4 =	sadd.s32 s21, s2  }
0x9d: {  	[timem:s6], [sflag:s22] =	dma.local [hbm:s4], s20  }
0x9e: {  	_ =	swait.ge [sflag:s22], s20  }
0x9f: {  	s3 =	ssub.s32 $0x0, s20;
	[sflag:s22] =	ssyncset.done $0x0  }
0xa0: {  	[sflag:s22] =	ssyncadd.s32 s3;
	_ =	sdelay $0x1  }
0xa1: {  	s23 =	simm.s32 $0x1B8B  }
0xa2: {  	_ =	swait.ge [sflag:s23], $0x1  }
0xa3: {  	[sflag:s23] =	ssyncset.done $0x0  }
0xa4: {  	s25 =	simm.s32 $0x1B8E;
	s24 =	sld [smem:$0x3FFE];
	[sflag:s23] =	ssyncadd.s32 $0xFFFFFFFF  }
0xa5: {  	s26 =	simm.s32 $execute0_lowered;
	[smem:$0x3FD2] =	sst s25  }
0xa6: {  	s4 =	sshll.u32 s26, $0x1;
	_ =	strace $0x80000049;
	[dreg:$0x1] =	wrdreg $0xFFFFFFFF  }
0xa7: {  	s28 =	simm.s32 $_size_execute0_lowered;
	s2 =	sadd.s32 s2, s4;
	[dreg:$0x0] =	wrdreg $0x0  }
0xa8: {  	s4 =	sshll.u32 s28, $0x1;
	[dreg:$0x2] =	wrdreg s2  }
0xa9: {  	[dreg:$0x3] =	wrdreg s4  }
0xaa: {  	[dreg:$0x4] =	wrdreg $0xC0  }
0xab: {  	_ =	task [dreg:s6], $0x5FFFF  }
0xac: {  	[dreg:$0x1] =	wrdreg $0xFFFFFFFF  }
0xad: {  	[dreg:$0x0] =	wrdreg $0x60  }
0xae: {  	[dreg:$0x2] =	wrdreg s24  }
0xaf: {  	[dreg:$0x3] =	wrdreg $0xA9000  }
0xb0: {  	[dreg:$0x4] =	wrdreg $0x9  }
0xb1: {  	_ =	task.clear_ibuf [dreg:s6], $0x5FFFF;
	_ =	strace $0x90000049  }
0xb2: {  	s29 =	simm.s32 $0x9;
	_ =	strace $0x8000004B  }
0xb3: {  	_ =	swait.ge [sflag:s29], $0x1  }
0xb4: {  	[sflag:s29] =	ssyncadd.s32 $0xFFFFFFFF  }
0xb5: {  	_ =	strace $0x9000004B  }
0xb6: {  	_ =	sfence  }
0xb7: {  	s30 =	sld [smem:$0x0];
	_ =	sdelay $0x2  }
0xb8: {  	s31 =	sshll.u32 s1, $0xD;
	s1 =	sshrl.u32 s1, $0x2  }
0xb9: {  	s3 =	sand.u32 $0x4000, s31;
	s1 =	sadd.s32 s1, s30  }
0xba: {  	s0 =	sor.u32 s3, s0;
	s1 =	sshll.u32 s1, $0x11  }
0xbb: {  	s0 =	sor.u32 s1, s0  }
0xbc: {  	s0 =	sadd.s32 $0x8F2B, s0  }
0xbd: {  	[sflag:s0] =	ssyncadd.remote.s32 $0x1  }
0xbe: {  	_ =	sfence.sel $0xFFFF  }
0xbf: {  	[dreg:$0x0] =	wrdreg $0xFFFFFFFF;
	(pc) =	sbr.abs _section_cstart, $3  }
0xc0: {  	[dreg:$0x1] =	wrdreg $0xFFFFFFFF  }
0xc1: {  	_ =	task.clear_ibuf [dreg:s6], $0x2FFFF;
	_ =	strace $0x9FFFFFFF  }
0xc2: {  	(tm) =	ssettm $0x7FFFFFFF  }
0xc3: {  	_ =	shalt  }
tec
execute0_lowered:
.L_overlay_start_1:
0x0: {  	(tag) =	ssettag $0x1  }
0x1: {  	s7 =	rddreg [dreg:$0x0]  }
0x2: {  	s0 =	srdreg.scid;
	s2 =	rddreg [dreg:$0x1]  }
0x3: {  	s29 =	stileid.u32;
	s3 =	simm.s32 $0x0;
	s17 =	simm.s32 $0x3  }
0x4: {  	s18 =	simm.s32 $0x2900;
	s19 =	simm.s32 $0x2800;
	s20 =	simm.s32 $0x2880  }
0x5: {  	s21 =	simm.s32 $0x6900;
	s22 =	simm.s32 $0x1;
	s5 =	smul.u32 $0x2800, s29  }
0x6: {  	s23 =	simm.s32 $0x80;
	s24 =	simm.s32 $0x2;
	s10 =	smul.u32 $0x14000, s29  }
0x7: {  	s26 =	simm.s32 $0x2780;
	s8 =	sand.u32 $0x1, s0;
	s11 =	smul.u32 $0x50000, s29  }
0x8: {  	s28 =	simm.s32 $0x0;
	[smem:$0x7FF] =	sst s3;
	s4 =	smul.u32 $0x28000, s8  }
0x9: {  	s6 =	sadd.s32 $0x5D000, s7;
	s9 =	smul.u32 $0x140000, s8;
	s8 =	ssub.s32 $0x2, s8  }
0xa: {  	_ =	strace $0x8000004A;
	s30 =	sshrl.u32 s11, $0x2;
	s31 =	sshrl.u32 s8, $0x1  }
0xb: {  	s4 =	sadd.s32 s5, s4;
	s5 =	sadd.s32 $0xD000, s7;
	s9 =	sadd.s32 s10, s9  }
0xc: {  	s16 =	ssub.s32 s8, s31;
	s12 =	sshrl.u32 s4, $0x3;
	s9 =	sshrl.u32 s9, $0x3  }
0xd: {  	s16 =	smax.u32 s16, $0x1;
	s13 =	sadd.s32 s12, s7;
	s15 =	sadd.s32 s9, s7  }
0xe: {  	s7 =	sadd.s32 s30, s2;
	s12 =	sadd.s32 s6, s12;
	s8 =	sadd.s32 $0x3000, s13  }
0xf: {  	s9 =	sadd.s32 $0x4000, s7;
	s10 =	sadd.s32 $0x8000, s7;
	s11 =	sadd.s32 $0xC000, s7  }
0x10: {  	v0 =	vimm.f32 $0.0e+00;
	s13 =	sadd.s32 $0x10000, s7;
	s14 =	sadd.s32 $0x10, s12;
	s15 =	sadd.s32 $0x67000, s15  }
.LBB2_1:
0x11: {  	[tilespmem:s3], [sflag:$0x3] =	stream.linear.gather [hbm4b:s8+s3], $0x2800, $0x38;
	[tilespmem:$0x1E900] =	vst v63  }
0x12: {  	_ =	swait.ge [sflag:s17], $0x2800  }
0x13: {  	[sflag:s17] =	ssyncset.done $0x0  }
0x14: {  	s29 =	simm.s32 $0x0;
	s30 =	simm.s32 $0x200;
	[sflag:s17] =	ssyncadd.s32 $0xFFFFD800  }
.LBB2_2:
0x15: {  	p0 =	sne.s32 s30, $0xFE00;
	[tilespmem:s29+$0x2970] =	vst v0  }
0x16: {  	[tilespmem:s29+$0x2900] =	vst v0  }
0x17: {  	[tilespmem:s29+$0x2910] =	vst v0  }
.Ltmp0:
0x18: {  	[tilespmem:s29+$0x2920] =	vst v0;
	(pc) =	sbr.rel @p0 .LBB2_2-.Ltmp0, $4  }
0x19: {  	[tilespmem:s29+$0x2930] =	vst v0  }
0x1a: {  	[tilespmem:s29+$0x2940] =	vst v0  }
0x1b: {  	[tilespmem:s29+$0x2950] =	vst v0  }
0x1c: {  	[tilespmem:s29+$0x2960] =	vst v0;
	s29 =	sshra.s32 s30, $0x2;
	s30 =	sadd.s32 $0x200, s30  }
0x1d: {  	[tilespmem:s29+$0x2970] =	vst v0  }
0x1e: {  	[tilespmem:s29+$0x2900] =	vst v0  }
0x1f: {  	[tilespmem:s29+$0x2910] =	vst v0  }
0x20: {  	[tilespmem:s29+$0x2920] =	vst v0  }
0x21: {  	[tilespmem:s29+$0x2930] =	vst v0  }
0x22: {  	[tilespmem:s29+$0x2940] =	vst v0  }
0x23: {  	[tilespmem:s29+$0x2950] =	vst v0  }
0x24: {  	[tilespmem:s29+$0x2960] =	vst v0  }
0x25: {  	[spmem:s7] =	stream.linear.scatter [tilespmem:s18], [sflag:$0x3], $0x4000, $0x38;
	[tilespmem:$0x1E900] =	vst v63  }
0x26: {  	_ =	swait.ge [sflag:s17], $0x4000  }
0x27: {  	[sflag:s17] =	ssyncset.done $0x0  }
0x28: {  	[sflag:s17] =	ssyncadd.s32 $0xFFFFC000  }
0x29: {  	[spmem:s9] =	stream.linear.scatter [tilespmem:s18], [sflag:$0x3], $0x4000, $0x38;
	[tilespmem:$0x1E900] =	vst v63  }
0x2a: {  	_ =	swait.ge [sflag:s17], $0x4000  }
0x2b: {  	[sflag:s17] =	ssyncset.done $0x0  }
0x2c: {  	[sflag:s17] =	ssyncadd.s32 $0xFFFFC000  }
0x2d: {  	[spmem:s10] =	stream.linear.scatter [tilespmem:s18], [sflag:$0x3], $0x4000, $0x38;
	[tilespmem:$0x1E900] =	vst v63  }
0x2e: {  	_ =	swait.ge [sflag:s17], $0x4000  }
0x2f: {  	[sflag:s17] =	ssyncset.done $0x0  }
0x30: {  	[sflag:s17] =	ssyncadd.s32 $0xFFFFC000  }
0x31: {  	[spmem:s11] =	stream.linear.scatter [tilespmem:s18], [sflag:$0x3], $0x4000, $0x38;
	[tilespmem:$0x1E900] =	vst v63  }
0x32: {  	_ =	swait.ge [sflag:s17], $0x4000  }
0x33: {  	[sflag:s17] =	ssyncset.done $0x0  }
0x34: {  	[sflag:s17] =	ssyncadd.s32 $0xFFFFC000  }
0x35: {  	[spmem:s13] =	stream.linear.scatter [tilespmem:s18], [sflag:$0x3], $0x4000, $0x38;
	[tilespmem:$0x1E900] =	vst v63  }
0x36: {  	_ =	swait.ge [sflag:s17], $0x4000  }
0x37: {  	[sflag:s17] =	ssyncset.done $0x0  }
0x38: {  	[sflag:s17] =	ssyncadd.s32 $0xFFFFC000  }
0x39: {  	[bflag:$0x0] =	sbarrier.arrive $0xFFFF  }
0x3a: {  	[tilespmem:s19], [sflag:$0x3] =	stream.linear.gather [hbm4b:s12+s3], $0x80, $0x38;
	[tilespmem:$0x1E900] =	vst v63  }
0x3b: {  	_ =	swait.ge [sflag:s17], $0x80  }
0x3c: {  	[sflag:s17] =	ssyncset.done $0x0  }
0x3d: {  	s29 =	simm.s32 $0x80;
	[sflag:s17] =	ssyncadd.s32 $0xFFFFFF80  }
0x3e: {  	[tilespmem:s18], [sflag:$0x1] =	stream.indirect.gather [hbm4b:s5+s29], $0x80, s19, s29, $0xb8;
	[tilespmem:$0x1E900] =	vst v63  }
0x3f: {  	_ = 	snop  }
0x40: {  	[tilespmem:s20], [sflag:$0x3] =	stream.linear.gather [hbm4b:s14+s3], $0x80, $0x38;
	[tilespmem:$0x1E900] =	vst v63  }
0x41: {  	_ =	swait.ge [sflag:s17], $0x80  }
0x42: {  	[sflag:s17] =	ssyncset.done $0x0  }
0x43: {  	[sflag:s17] =	ssyncadd.s32 $0xFFFFFF80  }
0x44: {  	[tilespmem:s21], [sflag:$0x2] =	stream.indirect.gather [hbm4b:s5+s29], $0x80, s20, s29, $0xb8;
	[tilespmem:$0x1E900] =	vst v63  }
0x45: {  	s30 =	simm.s32 $0x100;
	_ =	swait.ge [sflag:s22], $0x4000  }
0x46: {  	s31 =	simm.s32 $0x0;
	s0 =	sand.u32 $0x7C00, s30;
	[sflag:s22] =	ssyncset.done $0x0  }
0x47: {  	s30 =	sand.u32 $0x300, s30;
	s0 =	sadd.s32 s4, s0;
	[sflag:s22] =	ssyncadd.s32 $0xFFFFC000  }
0x48: {  	[spmem:s2] =	stream.indirect.scatter.add.f32 [tilespmem:s18], [sflag:$0x3], $0x80, s31, s23, $0xb8;
	[tilespmem:$0x1E900] =	vst v63  }
0x49: {  	s0 =	sor.u32 s30, s0;
	_ =	swait.ge [sflag:s17], $0x4000  }
0x4a: {  	s0 =	sshrl.u32 s0, $0x3;
	[sflag:s17] =	ssyncset.done $0x0  }
0x4b: {  	s0 =	sadd.s32 s6, s0;
	[sflag:s17] =	ssyncadd.s32 $0xFFFFC000  }
0x4c: {  	[tilespmem:s19], [sflag:$0x3] =	stream.linear.gather [hbm4b:s0+s3], $0x80, $0x38;
	[tilespmem:$0x1E900] =	vst v63  }
0x4d: {  	_ =	swait.ge [sflag:s17], $0x80  }
0x4e: {  	[sflag:s17] =	ssyncset.done $0x0  }
0x4f: {  	[sflag:s17] =	ssyncadd.s32 $0xFFFFFF80  }
0x50: {  	[tilespmem:s18], [sflag:$0x1] =	stream.indirect.gather [hbm4b:s5+s23], $0x80, s19, s23, $0xb8;
	[tilespmem:$0x1E900] =	vst v63  }
0x51: {  	s31 =	simm.s32 $0x180;
	_ =	swait.ge [sflag:s24], $0x4000  }
0x52: {  	s30 =	sand.u32 $0x7C00, s31;
	[sflag:s24] =	ssyncset.done $0x0  }
0x53: {  	s30 =	sadd.s32 s4, s30;
	s0 =	sand.u32 $0x380, s31;
	[sflag:s24] =	ssyncadd.s32 $0xFFFFC000  }
0x54: {  	[spmem:s2] =	stream.indirect.scatter.add.f32 [tilespmem:s21], [sflag:$0x3], $0x80, s29, s23, $0xb8;
	[tilespmem:$0x1E900] =	vst v63  }
0x55: {  	s0 =	sor.u32 s0, s30;
	_ =	swait.ge [sflag:s17], $0x4000  }
0x56: {  	s0 =	sshrl.u32 s0, $0x3;
	[sflag:s17] =	ssyncset.done $0x0  }
0x57: {  	s0 =	sadd.s32 s6, s0;
	[sflag:s17] =	ssyncadd.s32 $0xFFFFC000  }
0x58: {  	[tilespmem:s20], [sflag:$0x3] =	stream.linear.gather [hbm4b:s0+s3], $0x80, $0x38;
	[tilespmem:$0x1E900] =	vst v63  }
0x59: {  	_ =	swait.ge [sflag:s17], $0x80  }
0x5a: {  	s30 =	simm.s32 $0x280;
	[sflag:s17] =	ssyncset.done $0x0  }
.LBB2_4:
0x5b: {  	p0 =	sne.s32 s30, $0x2780  }
0x5c: {  	[sflag:s17] =	ssyncadd.s32 $0xFFFFFF80;
	s29 =	sadd.s32 $0x100, s29;
	s0 =	smov.u32 s30  }
0x5d: {  	[tilespmem:s21], [sflag:$0x2] =	stream.indirect.gather [hbm4b:s5+s23], $0x80, s20, s23, $0xb8;
	[tilespmem:$0x1E900] =	vst v63  }
0x5e: {  	s1 =	sadd.s32 $0xFFFFFF80, s30;
	s31 =	sadd.s32 $0xFFFFFF80, s29;
	_ =	swait.ge [sflag:s22], $0x4000  }
0x5f: {  	s25 =	sand.u32 $0x7C00, s1;
	s1 =	sand.u32 $0x300, s1;
	[sflag:s22] =	ssyncset.done $0x0  }
0x60: {  	s30 =	sadd.s32 $0x100, s30;
	s25 =	sadd.s32 s4, s25;
	[sflag:s22] =	ssyncadd.s32 $0xFFFFC000  }
0x61: {  	[spmem:s2] =	stream.indirect.scatter.add.f32 [tilespmem:s18], [sflag:$0x3], $0x80, s31, s23, $0xb8;
	[tilespmem:$0x1E900] =	vst v63  }
0x62: {  	s1 =	sor.u32 s1, s25;
	_ =	swait.ge [sflag:s17], $0x4000  }
0x63: {  	s1 =	sshrl.u32 s1, $0x3;
	[sflag:s17] =	ssyncset.done $0x0  }
0x64: {  	s1 =	sadd.s32 s6, s1;
	[sflag:s17] =	ssyncadd.s32 $0xFFFFC000  }
0x65: {  	[tilespmem:s19], [sflag:$0x3] =	stream.linear.gather [hbm4b:s1+s3], $0x80, $0x38;
	[tilespmem:$0x1E900] =	vst v63  }
0x66: {  	_ =	swait.ge [sflag:s17], $0x80  }
0x67: {  	[sflag:s17] =	ssyncset.done $0x0  }
0x68: {  	[sflag:s17] =	ssyncadd.s32 $0xFFFFFF80  }
0x69: {  	[tilespmem:s18], [sflag:$0x1] =	stream.indirect.gather [hbm4b:s5+s23], $0x80, s19, s23, $0xb8;
	[tilespmem:$0x1E900] =	vst v63  }
0x6a: {  	_ =	swait.ge [sflag:s24], $0x4000  }
0x6b: {  	s1 =	sand.u32 $0x7C00, s0;
	[sflag:s24] =	ssyncset.done $0x0  }
0x6c: {  	s0 =	sand.u32 $0x380, s0;
	s1 =	sadd.s32 s4, s1;
	[sflag:s24] =	ssyncadd.s32 $0xFFFFC000  }
0x6d: {  	[spmem:s2] =	stream.indirect.scatter.add.f32 [tilespmem:s21], [sflag:$0x3], $0x80, s29, s23, $0xb8;
	[tilespmem:$0x1E900] =	vst v63  }
0x6e: {  	s0 =	sor.u32 s0, s1;
	_ =	swait.ge [sflag:s17], $0x4000  }
.Ltmp1:
0x6f: {  	s0 =	sshrl.u32 s0, $0x3;
	[sflag:s17] =	ssyncset.done $0x0;
	(pc) =	sbr.rel @p0 .LBB2_4-.Ltmp1, $4  }
0x70: {  	s0 =	sadd.s32 s6, s0;
	[sflag:s17] =	ssyncadd.s32 $0xFFFFC000  }
0x71: {  	[tilespmem:s20], [sflag:$0x3] =	stream.linear.gather [hbm4b:s0+s3], $0x80, $0x38;
	[tilespmem:$0x1E900] =	vst v63  }
0x72: {  	_ =	swait.ge [sflag:s17], $0x80  }
0x73: {  	[sflag:s17] =	ssyncset.done $0x0  }
0x74: {  	[sflag:s17] =	ssyncadd.s32 $0xFFFFFF80  }
0x75: {  	[tilespmem:s21], [sflag:$0x2] =	stream.indirect.gather [hbm4b:s5+s23], $0x80, s20, s23, $0xb8;
	[tilespmem:$0x1E900] =	vst v63  }
0x76: {  	_ =	swait.ge [sflag:s22], $0x4000  }
0x77: {  	[sflag:s22] =	ssyncset.done $0x0  }
0x78: {  	s0 =	simm.s32 $0x2700;
	[sflag:s22] =	ssyncadd.s32 $0xFFFFC000  }
0x79: {  	[spmem:s2] =	stream.indirect.scatter.add.f32 [tilespmem:s18], [sflag:$0x3], $0x80, s0, s23, $0xb8;
	[tilespmem:$0x1E900] =	vst v63  }
0x7a: {  	_ =	swait.ge [sflag:s17], $0x4000  }
0x7b: {  	[sflag:s17] =	ssyncset.done $0x0  }
0x7c: {  	[sflag:s17] =	ssyncadd.s32 $0xFFFFC000  }
0x7d: {  	_ =	swait.ge [sflag:s24], $0x4000  }
0x7e: {  	[sflag:s24] =	ssyncset.done $0x0  }
0x7f: {  	[sflag:s24] =	ssyncadd.s32 $0xFFFFC000  }
0x80: {  	[spmem:s2] =	stream.indirect.scatter.add.f32 [tilespmem:s21], [sflag:$0x3], $0x80, s26, s23, $0xb8;
	[tilespmem:$0x1E900] =	vst v63  }
0x81: {  	s31 =	stileid.u32;
	_ =	swait.ge [sflag:s17], $0x4000  }
0x82: {  	s1 =	sshrl.u32 s7, $0x3;
	s28 =	sadd.s32 $0x1, s28;
	[sflag:s17] =	ssyncset.done $0x0  }
0x83: {  	p0 =	sne.s32 s28, s16;
	s0 =	sshll.u32 s31, $0x6;
	[sflag:s17] =	ssyncadd.s32 $0xFFFFC000  }
.Ltmp2:
0x84: {  	s0 =	sor.u32 $0x1C03, s0;
	[bflag:$0x0] =	sbarrier.arrive $0xFFFF;
	(pc) =	sbr.rel @p0 .LBB2_1-.Ltmp2, $4  }
0x85: {  	[hbm:s15], [sflag:s0] =	dma.local [spmem:s1], $0x2800  }
0x86: {  	_ =	swait.ge [sflag:s17], $0x2800  }
0x87: {  	[sflag:s17] =	ssyncset.done $0x0  }
0x88: {  	[sflag:s17] =	ssyncadd.s32 $0xFFFFD800  }
0x89: {  	_ =	sfence.sel $0x180000  }
0x8a: {  	[bflag:$0x0] =	sbarrier.arrive $0xFFFF  }
0x8b: {  	_ =	strace $0x9000004A  }
0x8c: {  	s0 =	stileid.u32;
	[bflag:$0x2] =	sbarrier.arrive $0xFFFF  }
0x8d: {  	p0 =	sne.s32 s0, $0x0;
	s0 =	rddreg [dreg:$0x2]  }
0x8e: {  	s0 =	sadd.s32 @!p0 $0x100000, s0  }
0x8f: {  	[sflag:s0] =	ssyncadd.tile.s32 @!p0 $0x1;
	_ =	shalt  }
.Lfunc_end2:
_tile_overlayer_lowered:
.L_overlay_start_2:
0x90: {  	(tag) =	ssettag $0x2  }
0x91: {  	s0 =	rddreg [dreg:$0x0];
	s2 =	stileid.u32  }
0x92: {  	s1 =	rddreg [dreg:$0x1];
	p0 =	sne.s32 s2, $0x0  }
0x93: {  	s3 =	rddreg [dreg:$0x2];
	[bflag:$0x3] =	sbarrier.arrive $0xFFFF;
	s2 =	simm.s32 @!p0 $0x1C03  }
0x94: {  	[timem:s3], [sflag:s2] =	dma.local @!p0 [hbm:s0], s1  }
0x95: {  	s0 =	simm.s32 @!p0 $0x3  }
0x96: {  	_ =	swait.ge @!p0 [sflag:s0], s1  }
0x97: {  	s1 =	ssub.s32 @!p0 $0x0, s1;
	[sflag:s0] =	ssyncset.done @!p0 $0x0  }
0x98: {  	[sflag:s0] =	ssyncadd.s32 @!p0 s1  }
0x99: {  	[bflag:$0x3] =	sbarrier.arrive $0xFFFF  }
0x9a: {  	_ =	shalt  }

// kernel: kernel.16.cloned.1.call-start
scs
__scs_entry_jumppad:
0x0: {  	(pc) =	sbr.rel $0x88, $3  }
0x1: {  	(tag) =	ssettag $0x0;
	lr =	simm.s32 $0x1  }
0x2: {  	[smem:$0x3F96] =	sst lr;
	_ =	strace $0xD0000000  }
0x3: {  	_ = 	snop  }
0x4: {  	_ = 	snop  }
0x5: {  	_ = 	snop  }
0x6: {  	_ = 	snop  }
0x7: {  	_ = 	snop  }
__scs_overlays_trampoline_lowered:
0x8: {  	[smem:$0x3FA5] =	sst s0  }
0x9: {  	[smem:$0x3FA6] =	sst s1  }
0xa: {  	[smem:$0x3FA7] =	sst s2  }
0xb: {  	[smem:$0x3FA8] =	sst s3  }
0xc: {  	[smem:$0x3FA9] =	sst s4  }
0xd: {  	[smem:$0x3FAA] =	sst s5  }
0xe: {  	[smem:$0x3FAB] =	sst s6  }
0xf: {  	[smem:$0x3FAC] =	sst s7  }
0x10: {  	[smem:$0x3FAD] =	sst s8  }
0x11: {  	[smem:$0x3FAE] =	sst s9;
	s0 =	simm.s32 @!p0 $0x0  }
0x12: {  	s1 =	sld [smem:$0x3F94];
	s0 =	simm.s32 @p0 $0x1  }
0x13: {  	[smem:$0x3FAF] =	sst s0;
	s0 =	simm.s32 @!p1 $0x0  }
0x14: {  	s2 =	sld [smem:$0x3F93];
	s0 =	simm.s32 @p1 $0x1  }
0x15: {  	[smem:$0x3FB0] =	sst s0;
	s0 =	simm.s32 @!p2 $0x0  }
0x16: {  	s3 =	sld [smem:$0x3FDB];
	s0 =	simm.s32 @p2 $0x1  }
0x17: {  	s4 =	simm.s32 $0x1BF5;
	[smem:$0x3FB2] =	sst s0  }
0x18: {  	s0 =	sld [smem:$0x3F95];
	_ =	swait.ge [sflag:s4], $0x0  }
0x19: {  	s7 =	sld [smem:$0x3F96]  }
0x1a: {  	s8 =	sadd.s32 $0xFFFFE003, lr  }
0x1b: {  	s9 =	sadd.s32 $0xFFFFFEF7, lr;
	s5 =	simm.s32 $0xFFFFFFFF;
	p2 =	slt.u32 s8, $0xFFFFF086  }
0x1c: {  	p1 =	slt.u32 s9, $0xF7A;
	s5 =	simm.s32 @!p2 $0x0  }
0x1d: {  	s5 =	simm.s32 @p1 $0x1;
	p0 =	seq.s32 s7, s2  }
0x1e: {  	s7 =	smul.u32 @!p0 $0xF7A, s2;
	p2 =	seq.s32 @!p0 s5, $0x0  }
0x1f: {  	s9 =	smul.u32 $0xF7A, s1;
	s8 =	simm.s32 @!p0 $0x1BF5;
	p2 =	por !p2, p0  }
0x20: {  	[sflag:s8] =	ssyncset.s32 @!p0 $0xFFFFF086;
	s6 =	sadd.s32 @!p0 s3, s7;
	s7 =	simm.s32 @!p0 $0x108  }
0x21: {  	s3 =	sadd.s32 s3, s9;
	s6 =	sadd.s32 @!p0 $0x88, s6;
	s7 =	simm.s32 @p2 $0x1082  }
0x22: {  	[simem:s7], [sflag:s8] =	dma.local @!p0 [hbm:s6], $0xF7A  }
0x23: {  	s9 =	sor.u32 $0xD0000000, s2;
	s6 =	simm.s32 $0x108;
	_ =	swait.ge @!p0 [sflag:s8], $0x0  }
0x24: {  	s3 =	sadd.s32 $0x88, s3;
	s6 =	simm.s32 @!p1 $0x1082;
	[sflag:s4] =	ssyncset.s32 $0xFFFFF086  }
0x25: {  	[simem:s6], [sflag:s4] =	dma.local [hbm:s3], $0xF7A  }
0x26: {  	[smem:$0x3F96] =	sst s1;
	(tag) =	ssettag s2;
	_ =	strace s9  }
0x27: {  	s1 =	sld [smem:$0x3FA6]  }
0x28: {  	s2 =	sld [smem:$0x3FA7]  }
0x29: {  	s4 =	sld [smem:$0x3FA9]  }
0x2a: {  	p0 =	seq.s32 s5, $0x0;
	s5 =	sld [smem:$0x3FAA]  }
0x2b: {  	s6 =	sld [smem:$0x3FAB]  }
0x2c: {  	s7 =	sld [smem:$0x3FAC]  }
0x2d: {  	s3 =	simm.s32 $0x108;
	s8 =	sld [smem:$0x3FAD]  }
0x2e: {  	s3 =	simm.s32 @!p0 $0x1082;
	s9 =	sld [smem:$0x3FAE]  }
0x2f: {  	lr =	sadd.s32 s0, s3;
	s0 =	sld [smem:$0x3FA5]  }
0x30: {  	s3 =	sld [smem:$0x3FA8]  }
0x31: {  	[smem:$0x3FB1] =	sst s10  }
0x32: {  	s10 =	sld [smem:$0x3FAF];
	_ =	sdelay $0x3  }
0x33: {  	p0 =	seq.s32 s10, $0x1;
	s10 =	sld [smem:$0x3FB1];
	_ =	sdelay $0x3  }
0x34: {  	[smem:$0x3FB1] =	sst s10  }
0x35: {  	s10 =	sld [smem:$0x3FB0];
	_ =	sdelay $0x3  }
0x36: {  	p1 =	seq.s32 s10, $0x1;
	s10 =	sld [smem:$0x3FB1];
	_ =	sdelay $0x3  }
0x37: {  	[smem:$0x3FB1] =	sst s10  }
0x38: {  	s10 =	sld [smem:$0x3FB2]  }
0x39: {  	_ = 	snop;
	(pc) =	sbr.ind lr, $3  }
0x3a: {  	_ = 	snop  }
0x3b: {  	_ = 	snop  }
0x3c: {  	p2 =	seq.s32 s10, $0x1;
	s10 =	sld [smem:$0x3FB1]  }
0x3d: {  	_ =	shalt  }
0x3e: {  	_ =	shalt  }
0x3f: {  	_ =	shalt  }
0x40: {  	_ =	shalt  }
0x41: {  	_ =	shalt  }
0x42: {  	_ =	shalt  }
0x43: {  	_ =	shalt  }
0x44: {  	_ =	shalt  }
0x45: {  	_ =	shalt  }
0x46: {  	_ =	shalt  }
0x47: {  	_ =	shalt  }
0x48: {  	_ =	shalt  }
0x49: {  	_ =	shalt  }
0x4a: {  	_ =	shalt  }
0x4b: {  	_ =	shalt  }
0x4c: {  	_ =	shalt  }
0x4d: {  	_ =	shalt  }
0x4e: {  	_ =	shalt  }
0x4f: {  	_ =	shalt  }
0x50: {  	_ =	shalt  }
0x51: {  	_ =	shalt  }
0x52: {  	_ =	shalt  }
0x53: {  	_ =	shalt  }
0x54: {  	_ =	shalt  }
0x55: {  	_ =	shalt  }
0x56: {  	_ =	shalt  }
0x57: {  	_ =	shalt  }
0x58: {  	_ =	shalt  }
0x59: {  	_ =	shalt  }
0x5a: {  	_ =	shalt  }
0x5b: {  	_ =	shalt  }
0x5c: {  	_ =	shalt  }
0x5d: {  	_ =	shalt  }
0x5e: {  	_ =	shalt  }
0x5f: {  	_ =	shalt  }
0x60: {  	_ =	shalt  }
0x61: {  	_ =	shalt  }
0x62: {  	_ =	shalt  }
0x63: {  	_ =	shalt  }
0x64: {  	_ =	shalt  }
0x65: {  	_ =	shalt  }
0x66: {  	_ =	shalt  }
0x67: {  	_ =	shalt  }
0x68: {  	_ =	shalt  }
0x69: {  	_ =	shalt  }
0x6a: {  	_ =	shalt  }
0x6b: {  	_ =	shalt  }
0x6c: {  	_ =	shalt  }
0x6d: {  	_ =	shalt  }
0x6e: {  	_ =	shalt  }
0x6f: {  	_ =	shalt  }
0x70: {  	_ =	shalt  }
0x71: {  	_ =	shalt  }
0x72: {  	_ =	shalt  }
0x73: {  	_ =	shalt  }
0x74: {  	_ =	shalt  }
0x75: {  	_ =	shalt  }
0x76: {  	_ =	shalt  }
0x77: {  	_ =	shalt  }
0x78: {  	_ =	shalt  }
0x79: {  	_ =	shalt  }
0x7a: {  	_ =	shalt  }
0x7b: {  	_ =	shalt  }
0x7c: {  	_ =	shalt  }
0x7d: {  	_ =	shalt  }
0x7e: {  	_ =	shalt  }
0x7f: {  	_ =	shalt  }
0x80: {  	_ =	shalt  }
0x81: {  	_ =	shalt  }
0x82: {  	_ =	shalt  }
0x83: {  	_ =	shalt  }
0x84: {  	_ =	shalt  }
0x85: {  	_ =	shalt  }
0x86: {  	_ =	shalt  }
0x87: {  	_ =	shalt  }
.Lfunc_end0:
.L_simem_size_0:
called_computation.2_lowered:
.L_overlay_start_0:
0x88: {  	s2 =	sld [smem:$0x3FD9]  }
0x89: {  	s3 =	sld [smem:$0x3FFE];
	_ =	sdelay $0x1  }
0x8a: {  	s1 =	srdreg.scid  }
0x8b: {  	s0 =	sand.u32 $0x1, s1  }
0x8c: {  	s16 =	sshll.u32 s0, $0xA;
	s2 =	sadd.s32 s3, s2  }
0x8d: {  	s2 =	sadd.s32 s2, s16  }
0x8e: {  	[smem:$0x3FBD] =	sst s2  }
0x8f: {  	_ = 	snop  }
0x90: {  	(tm) =	ssettm $0x1  }
0x91: {  	s17 =	sld [smem:$0x3FFB];
	_ =	sdelay $0x3  }
0x92: {  	_ =	strace s17  }
0x93: {  	s2 =	sld [smem:$0x3FFC];
	_ =	sdelay $0x3  }
0x94: {  	_ =	strace s2  }
0x95: {  	s2 =	sld [smem:$0x3FFD];
	_ =	sdelay $0x3  }
0x96: {  	_ =	strace s2  }
0x97: {  	_ =	strace $0x8FFFFFFF  }
0x98: {  	s18 =	sld [smem:$0x3FDB];
	_ =	sdelay $0x1  }
0x99: {  	s19 =	simm.s32 $_scs_section_size  }
0x9a: {  	s4 =	simm.s32 $_size__tile_overlayer_lowered;
	s5 =	simm.s32 $_tile_overlayer_lowered  }
0x9b: {  	s22 =	simm.s32 $0x1BFF;
	s21 =	sshll.u32 s5, $0x1;
	s2 =	sadd.s32 s19, s18  }
0x9c: {  	s6 =	simm.s32 $0x0;
	s20 =	sshll.u32 s4, $0x1;
	s4 =	sadd.s32 s21, s2  }
0x9d: {  	[timem:s6], [sflag:s22] =	dma.local [hbm:s4], s20  }
0x9e: {  	_ =	swait.ge [sflag:s22], s20  }
0x9f: {  	s3 =	ssub.s32 $0x0, s20;
	[sflag:s22] =	ssyncset.done $0x0  }
0xa0: {  	[sflag:s22] =	ssyncadd.s32 s3;
	_ =	sdelay $0x1  }
0xa1: {  	s23 =	simm.s32 $0x1B8B  }
0xa2: {  	_ =	swait.ge [sflag:s23], $0x1  }
0xa3: {  	[sflag:s23] =	ssyncset.done $0x0  }
0xa4: {  	s25 =	simm.s32 $0x1B8E;
	s24 =	sld [smem:$0x3FFE];
	[sflag:s23] =	ssyncadd.s32 $0xFFFFFFFF  }
0xa5: {  	s26 =	simm.s32 $execute0_lowered;
	[smem:$0x3FD2] =	sst s25  }
0xa6: {  	s4 =	sshll.u32 s26, $0x1;
	_ =	strace $0x8000004C;
	[dreg:$0x1] =	wrdreg $0xFFFFFFFF  }
0xa7: {  	s28 =	simm.s32 $_size_execute0_lowered;
	s2 =	sadd.s32 s2, s4;
	[dreg:$0x0] =	wrdreg $0x0  }
0xa8: {  	s4 =	sshll.u32 s28, $0x1;
	[dreg:$0x2] =	wrdreg s2  }
0xa9: {  	[dreg:$0x3] =	wrdreg s4  }
0xaa: {  	[dreg:$0x4] =	wrdreg $0xC0  }
0xab: {  	_ =	task [dreg:s6], $0x5FFFF  }
0xac: {  	[dreg:$0x1] =	wrdreg $0xFFFFFFFF  }
0xad: {  	[dreg:$0x0] =	wrdreg $0x60  }
0xae: {  	[dreg:$0x2] =	wrdreg s24  }
0xaf: {  	[dreg:$0x3] =	wrdreg $0xA9000  }
0xb0: {  	[dreg:$0x4] =	wrdreg $0x9  }
0xb1: {  	_ =	task.clear_ibuf [dreg:s6], $0x5FFFF;
	_ =	strace $0x9000004C  }
0xb2: {  	s29 =	simm.s32 $0x9;
	_ =	strace $0x8000004E  }
0xb3: {  	_ =	swait.ge [sflag:s29], $0x1  }
0xb4: {  	[sflag:s29] =	ssyncadd.s32 $0xFFFFFFFF  }
0xb5: {  	_ =	strace $0x9000004E  }
0xb6: {  	_ =	sfence  }
0xb7: {  	s30 =	sld [smem:$0x0];
	_ =	sdelay $0x2  }
0xb8: {  	s31 =	sshll.u32 s1, $0xD;
	s1 =	sshrl.u32 s1, $0x2  }
0xb9: {  	s3 =	sand.u32 $0x4000, s31;
	s1 =	sadd.s32 s1, s30  }
0xba: {  	s0 =	sor.u32 s3, s0;
	s1 =	sshll.u32 s1, $0x11  }
0xbb: {  	s0 =	sor.u32 s1, s0  }
0xbc: {  	s0 =	sadd.s32 $0x8F2B, s0  }
0xbd: {  	[sflag:s0] =	ssyncadd.remote.s32 $0x1  }
0xbe: {  	_ =	sfence.sel $0xFFFF  }
0xbf: {  	[dreg:$0x0] =	wrdreg $0xFFFFFFFF;
	(pc) =	sbr.abs _section_cstart, $3  }
0xc0: {  	[dreg:$0x1] =	wrdreg $0xFFFFFFFF  }
0xc1: {  	_ =	task.clear_ibuf [dreg:s6], $0x2FFFF;
	_ =	strace $0x9FFFFFFF  }
0xc2: {  	(tm) =	ssettm $0x7FFFFFFF  }
0xc3: {  	_ =	shalt  }
tec
execute0_lowered:
.L_overlay_start_1:
0x0: {  	(tag) =	ssettag $0x1  }
0x1: {  	s7 =	rddreg [dreg:$0x0]  }
0x2: {  	s0 =	srdreg.scid;
	s2 =	rddreg [dreg:$0x1]  }
0x3: {  	s29 =	stileid.u32;
	s3 =	simm.s32 $0x0;
	s17 =	simm.s32 $0x3  }
0x4: {  	s18 =	simm.s32 $0x2900;
	s19 =	simm.s32 $0x2800;
	s20 =	simm.s32 $0x2880  }
0x5: {  	s21 =	simm.s32 $0x6900;
	s22 =	simm.s32 $0x1;
	s5 =	smul.u32 $0x2800, s29  }
0x6: {  	s23 =	simm.s32 $0x80;
	s24 =	simm.s32 $0x2;
	s10 =	smul.u32 $0x14000, s29  }
0x7: {  	s26 =	simm.s32 $0x2780;
	s8 =	sand.u32 $0x1, s0;
	s11 =	smul.u32 $0x50000, s29  }
0x8: {  	s28 =	simm.s32 $0x0;
	[smem:$0x7FF] =	sst s3;
	s4 =	smul.u32 $0x28000, s8  }
0x9: {  	s6 =	sadd.s32 $0x5D000, s7;
	s9 =	smul.u32 $0x140000, s8;
	s8 =	ssub.s32 $0x2, s8  }
0xa: {  	_ =	strace $0x8000004D;
	s30 =	sshrl.u32 s11, $0x2;
	s31 =	sshrl.u32 s8, $0x1  }
0xb: {  	s4 =	sadd.s32 s5, s4;
	s5 =	sadd.s32 $0xD000, s7;
	s9 =	sadd.s32 s10, s9  }
0xc: {  	s16 =	ssub.s32 s8, s31;
	s12 =	sshrl.u32 s4, $0x3;
	s9 =	sshrl.u32 s9, $0x3  }
0xd: {  	s16 =	smax.u32 s16, $0x1;
	s13 =	sadd.s32 s12, s7;
	s15 =	sadd.s32 s9, s7  }
0xe: {  	s7 =	sadd.s32 s30, s2;
	s12 =	sadd.s32 s6, s12;
	s8 =	sadd.s32 $0x3000, s13  }
0xf: {  	s9 =	sadd.s32 $0x4000, s7;
	s10 =	sadd.s32 $0x8000, s7;
	s11 =	sadd.s32 $0xC000, s7  }
0x10: {  	v0 =	vimm.f32 $0.0e+00;
	s13 =	sadd.s32 $0x10000, s7;
	s14 =	sadd.s32 $0x10, s12;
	s15 =	sadd.s32 $0x67000, s15  }
.LBB2_1:
0x11: {  	[tilespmem:s3], [sflag:$0x3] =	stream.linear.gather [hbm4b:s8+s3], $0x2800, $0x38;
	[tilespmem:$0x1E900] =	vst v63  }
0x12: {  	_ =	swait.ge [sflag:s17], $0x2800  }
0x13: {  	[sflag:s17] =	ssyncset.done $0x0  }
0x14: {  	s29 =	simm.s32 $0x0;
	s30 =	simm.s32 $0x200;
	[sflag:s17] =	ssyncadd.s32 $0xFFFFD800  }
.LBB2_2:
0x15: {  	p0 =	sne.s32 s30, $0xFE00;
	[tilespmem:s29+$0x2970] =	vst v0  }
0x16: {  	[tilespmem:s29+$0x2900] =	vst v0  }
0x17: {  	[tilespmem:s29+$0x2910] =	vst v0  }
.Ltmp0:
0x18: {  	[tilespmem:s29+$0x2920] =	vst v0;
	(pc) =	sbr.rel @p0 .LBB2_2-.Ltmp0, $4  }
0x19: {  	[tilespmem:s29+$0x2930] =	vst v0  }
0x1a: {  	[tilespmem:s29+$0x2940] =	vst v0  }
0x1b: {  	[tilespmem:s29+$0x2950] =	vst v0  }
0x1c: {  	[tilespmem:s29+$0x2960] =	vst v0;
	s29 =	sshra.s32 s30, $0x2;
	s30 =	sadd.s32 $0x200, s30  }
0x1d: {  	[tilespmem:s29+$0x2970] =	vst v0  }
0x1e: {  	[tilespmem:s29+$0x2900] =	vst v0  }
0x1f: {  	[tilespmem:s29+$0x2910] =	vst v0  }
0x20: {  	[tilespmem:s29+$0x2920] =	vst v0  }
0x21: {  	[tilespmem:s29+$0x2930] =	vst v0  }
0x22: {  	[tilespmem:s29+$0x2940] =	vst v0  }
0x23: {  	[tilespmem:s29+$0x2950] =	vst v0  }
0x24: {  	[tilespmem:s29+$0x2960] =	vst v0  }
0x25: {  	[spmem:s7] =	stream.linear.scatter [tilespmem:s18], [sflag:$0x3], $0x4000, $0x38;
	[tilespmem:$0x1E900] =	vst v63  }
0x26: {  	_ =	swait.ge [sflag:s17], $0x4000  }
0x27: {  	[sflag:s17] =	ssyncset.done $0x0  }
0x28: {  	[sflag:s17] =	ssyncadd.s32 $0xFFFFC000  }
0x29: {  	[spmem:s9] =	stream.linear.scatter [tilespmem:s18], [sflag:$0x3], $0x4000, $0x38;
	[tilespmem:$0x1E900] =	vst v63  }
0x2a: {  	_ =	swait.ge [sflag:s17], $0x4000  }
0x2b: {  	[sflag:s17] =	ssyncset.done $0x0  }
0x2c: {  	[sflag:s17] =	ssyncadd.s32 $0xFFFFC000  }
0x2d: {  	[spmem:s10] =	stream.linear.scatter [tilespmem:s18], [sflag:$0x3], $0x4000, $0x38;
	[tilespmem:$0x1E900] =	vst v63  }
0x2e: {  	_ =	swait.ge [sflag:s17], $0x4000  }
0x2f: {  	[sflag:s17] =	ssyncset.done $0x0  }
0x30: {  	[sflag:s17] =	ssyncadd.s32 $0xFFFFC000  }
0x31: {  	[spmem:s11] =	stream.linear.scatter [tilespmem:s18], [sflag:$0x3], $0x4000, $0x38;
	[tilespmem:$0x1E900] =	vst v63  }
0x32: {  	_ =	swait.ge [sflag:s17], $0x4000  }
0x33: {  	[sflag:s17] =	ssyncset.done $0x0  }
0x34: {  	[sflag:s17] =	ssyncadd.s32 $0xFFFFC000  }
0x35: {  	[spmem:s13] =	stream.linear.scatter [tilespmem:s18], [sflag:$0x3], $0x4000, $0x38;
	[tilespmem:$0x1E900] =	vst v63  }
0x36: {  	_ =	swait.ge [sflag:s17], $0x4000  }
0x37: {  	[sflag:s17] =	ssyncset.done $0x0  }
0x38: {  	[sflag:s17] =	ssyncadd.s32 $0xFFFFC000  }
0x39: {  	[bflag:$0x0] =	sbarrier.arrive $0xFFFF  }
0x3a: {  	[tilespmem:s19], [sflag:$0x3] =	stream.linear.gather [hbm4b:s12+s3], $0x80, $0x38;
	[tilespmem:$0x1E900] =	vst v63  }
0x3b: {  	_ =	swait.ge [sflag:s17], $0x80  }
0x3c: {  	[sflag:s17] =	ssyncset.done $0x0  }
0x3d: {  	s29 =	simm.s32 $0x80;
	[sflag:s17] =	ssyncadd.s32 $0xFFFFFF80  }
0x3e: {  	[tilespmem:s18], [sflag:$0x1] =	stream.indirect.gather [hbm4b:s5+s29], $0x80, s19, s29, $0xb8;
	[tilespmem:$0x1E900] =	vst v63  }
0x3f: {  	_ = 	snop  }
0x40: {  	[tilespmem:s20], [sflag:$0x3] =	stream.linear.gather [hbm4b:s14+s3], $0x80, $0x38;
	[tilespmem:$0x1E900] =	vst v63  }
0x41: {  	_ =	swait.ge [sflag:s17], $0x80  }
0x42: {  	[sflag:s17] =	ssyncset.done $0x0  }
0x43: {  	[sflag:s17] =	ssyncadd.s32 $0xFFFFFF80  }
0x44: {  	[tilespmem:s21], [sflag:$0x2] =	stream.indirect.gather [hbm4b:s5+s29], $0x80, s20, s29, $0xb8;
	[tilespmem:$0x1E900] =	vst v63  }
0x45: {  	s30 =	simm.s32 $0x100;
	_ =	swait.ge [sflag:s22], $0x4000  }
0x46: {  	s31 =	simm.s32 $0x0;
	s0 =	sand.u32 $0x7C00, s30;
	[sflag:s22] =	ssyncset.done $0x0  }
0x47: {  	s30 =	sand.u32 $0x300, s30;
	s0 =	sadd.s32 s4, s0;
	[sflag:s22] =	ssyncadd.s32 $0xFFFFC000  }
0x48: {  	[spmem:s2] =	stream.indirect.scatter.add.f32 [tilespmem:s18], [sflag:$0x3], $0x80, s31, s23, $0xb8;
	[tilespmem:$0x1E900] =	vst v63  }
0x49: {  	s0 =	sor.u32 s30, s0;
	_ =	swait.ge [sflag:s17], $0x4000  }
0x4a: {  	s0 =	sshrl.u32 s0, $0x3;
	[sflag:s17] =	ssyncset.done $0x0  }
0x4b: {  	s0 =	sadd.s32 s6, s0;
	[sflag:s17] =	ssyncadd.s32 $0xFFFFC000  }
0x4c: {  	[tilespmem:s19], [sflag:$0x3] =	stream.linear.gather [hbm4b:s0+s3], $0x80, $0x38;
	[tilespmem:$0x1E900] =	vst v63  }
0x4d: {  	_ =	swait.ge [sflag:s17], $0x80  }
0x4e: {  	[sflag:s17] =	ssyncset.done $0x0  }
0x4f: {  	[sflag:s17] =	ssyncadd.s32 $0xFFFFFF80  }
0x50: {  	[tilespmem:s18], [sflag:$0x1] =	stream.indirect.gather [hbm4b:s5+s23], $0x80, s19, s23, $0xb8;
	[tilespmem:$0x1E900] =	vst v63  }
0x51: {  	s31 =	simm.s32 $0x180;
	_ =	swait.ge [sflag:s24], $0x4000  }
0x52: {  	s30 =	sand.u32 $0x7C00, s31;
	[sflag:s24] =	ssyncset.done $0x0  }
0x53: {  	s30 =	sadd.s32 s4, s30;
	s0 =	sand.u32 $0x380, s31;
	[sflag:s24] =	ssyncadd.s32 $0xFFFFC000  }
0x54: {  	[spmem:s2] =	stream.indirect.scatter.add.f32 [tilespmem:s21], [sflag:$0x3], $0x80, s29, s23, $0xb8;
	[tilespmem:$0x1E900] =	vst v63  }
0x55: {  	s0 =	sor.u32 s0, s30;
	_ =	swait.ge [sflag:s17], $0x4000  }
0x56: {  	s0 =	sshrl.u32 s0, $0x3;
	[sflag:s17] =	ssyncset.done $0x0  }
0x57: {  	s0 =	sadd.s32 s6, s0;
	[sflag:s17] =	ssyncadd.s32 $0xFFFFC000  }
0x58: {  	[tilespmem:s20], [sflag:$0x3] =	stream.linear.gather [hbm4b:s0+s3], $0x80, $0x38;
	[tilespmem:$0x1E900] =	vst v63  }
0x59: {  	_ =	swait.ge [sflag:s17], $0x80  }
0x5a: {  	s30 =	simm.s32 $0x280;
	[sflag:s17] =	ssyncset.done $0x0  }
.LBB2_4:
0x5b: {  	p0 =	sne.s32 s30, $0x2780  }
0x5c: {  	[sflag:s17] =	ssyncadd.s32 $0xFFFFFF80;
	s29 =	sadd.s32 $0x100, s29;
	s0 =	smov.u32 s30  }
0x5d: {  	[tilespmem:s21], [sflag:$0x2] =	stream.indirect.gather [hbm4b:s5+s23], $0x80, s20, s23, $0xb8;
	[tilespmem:$0x1E900] =	vst v63  }
0x5e: {  	s1 =	sadd.s32 $0xFFFFFF80, s30;
	s31 =	sadd.s32 $0xFFFFFF80, s29;
	_ =	swait.ge [sflag:s22], $0x4000  }
0x5f: {  	s25 =	sand.u32 $0x7C00, s1;
	s1 =	sand.u32 $0x300, s1;
	[sflag:s22] =	ssyncset.done $0x0  }
0x60: {  	s30 =	sadd.s32 $0x100, s30;
	s25 =	sadd.s32 s4, s25;
	[sflag:s22] =	ssyncadd.s32 $0xFFFFC000  }
0x61: {  	[spmem:s2] =	stream.indirect.scatter.add.f32 [tilespmem:s18], [sflag:$0x3], $0x80, s31, s23, $0xb8;
	[tilespmem:$0x1E900] =	vst v63  }
0x62: {  	s1 =	sor.u32 s1, s25;
	_ =	swait.ge [sflag:s17], $0x4000  }
0x63: {  	s1 =	sshrl.u32 s1, $0x3;
	[sflag:s17] =	ssyncset.done $0x0  }
0x64: {  	s1 =	sadd.s32 s6, s1;
	[sflag:s17] =	ssyncadd.s32 $0xFFFFC000  }
0x65: {  	[tilespmem:s19], [sflag:$0x3] =	stream.linear.gather [hbm4b:s1+s3], $0x80, $0x38;
	[tilespmem:$0x1E900] =	vst v63  }
0x66: {  	_ =	swait.ge [sflag:s17], $0x80  }
0x67: {  	[sflag:s17] =	ssyncset.done $0x0  }
0x68: {  	[sflag:s17] =	ssyncadd.s32 $0xFFFFFF80  }
0x69: {  	[tilespmem:s18], [sflag:$0x1] =	stream.indirect.gather [hbm4b:s5+s23], $0x80, s19, s23, $0xb8;
	[tilespmem:$0x1E900] =	vst v63  }
0x6a: {  	_ =	swait.ge [sflag:s24], $0x4000  }
0x6b: {  	s1 =	sand.u32 $0x7C00, s0;
	[sflag:s24] =	ssyncset.done $0x0  }
0x6c: {  	s0 =	sand.u32 $0x380, s0;
	s1 =	sadd.s32 s4, s1;
	[sflag:s24] =	ssyncadd.s32 $0xFFFFC000  }
0x6d: {  	[spmem:s2] =	stream.indirect.scatter.add.f32 [tilespmem:s21], [sflag:$0x3], $0x80, s29, s23, $0xb8;
	[tilespmem:$0x1E900] =	vst v63  }
0x6e: {  	s0 =	sor.u32 s0, s1;
	_ =	swait.ge [sflag:s17], $0x4000  }
.Ltmp1:
0x6f: {  	s0 =	sshrl.u32 s0, $0x3;
	[sflag:s17] =	ssyncset.done $0x0;
	(pc) =	sbr.rel @p0 .LBB2_4-.Ltmp1, $4  }
0x70: {  	s0 =	sadd.s32 s6, s0;
	[sflag:s17] =	ssyncadd.s32 $0xFFFFC000  }
0x71: {  	[tilespmem:s20], [sflag:$0x3] =	stream.linear.gather [hbm4b:s0+s3], $0x80, $0x38;
	[tilespmem:$0x1E900] =	vst v63  }
0x72: {  	_ =	swait.ge [sflag:s17], $0x80  }
0x73: {  	[sflag:s17] =	ssyncset.done $0x0  }
0x74: {  	[sflag:s17] =	ssyncadd.s32 $0xFFFFFF80  }
0x75: {  	[tilespmem:s21], [sflag:$0x2] =	stream.indirect.gather [hbm4b:s5+s23], $0x80, s20, s23, $0xb8;
	[tilespmem:$0x1E900] =	vst v63  }
0x76: {  	_ =	swait.ge [sflag:s22], $0x4000  }
0x77: {  	[sflag:s22] =	ssyncset.done $0x0  }
0x78: {  	s0 =	simm.s32 $0x2700;
	[sflag:s22] =	ssyncadd.s32 $0xFFFFC000  }
0x79: {  	[spmem:s2] =	stream.indirect.scatter.add.f32 [tilespmem:s18], [sflag:$0x3], $0x80, s0, s23, $0xb8;
	[tilespmem:$0x1E900] =	vst v63  }
0x7a: {  	_ =	swait.ge [sflag:s17], $0x4000  }
0x7b: {  	[sflag:s17] =	ssyncset.done $0x0  }
0x7c: {  	[sflag:s17] =	ssyncadd.s32 $0xFFFFC000  }
0x7d: {  	_ =	swait.ge [sflag:s24], $0x4000  }
0x7e: {  	[sflag:s24] =	ssyncset.done $0x0  }
0x7f: {  	[sflag:s24] =	ssyncadd.s32 $0xFFFFC000  }
0x80: {  	[spmem:s2] =	stream.indirect.scatter.add.f32 [tilespmem:s21], [sflag:$0x3], $0x80, s26, s23, $0xb8;
	[tilespmem:$0x1E900] =	vst v63  }
0x81: {  	s31 =	stileid.u32;
	_ =	swait.ge [sflag:s17], $0x4000  }
0x82: {  	s1 =	sshrl.u32 s7, $0x3;
	s28 =	sadd.s32 $0x1, s28;
	[sflag:s17] =	ssyncset.done $0x0  }
0x83: {  	p0 =	sne.s32 s28, s16;
	s0 =	sshll.u32 s31, $0x6;
	[sflag:s17] =	ssyncadd.s32 $0xFFFFC000  }
.Ltmp2:
0x84: {  	s0 =	sor.u32 $0x1C03, s0;
	[bflag:$0x0] =	sbarrier.arrive $0xFFFF;
	(pc) =	sbr.rel @p0 .LBB2_1-.Ltmp2, $4  }
0x85: {  	[hbm:s15], [sflag:s0] =	dma.local [spmem:s1], $0x2800  }
0x86: {  	_ =	swait.ge [sflag:s17], $0x2800  }
0x87: {  	[sflag:s17] =	ssyncset.done $0x0  }
0x88: {  	[sflag:s17] =	ssyncadd.s32 $0xFFFFD800  }
0x89: {  	_ =	sfence.sel $0x180000  }
0x8a: {  	[bflag:$0x0] =	sbarrier.arrive $0xFFFF  }
0x8b: {  	_ =	strace $0x9000004D  }
0x8c: {  	s0 =	stileid.u32;
	[bflag:$0x2] =	sbarrier.arrive $0xFFFF  }
0x8d: {  	p0 =	sne.s32 s0, $0x0;
	s0 =	rddreg [dreg:$0x2]  }
0x8e: {  	s0 =	sadd.s32 @!p0 $0x100000, s0  }
0x8f: {  	[sflag:s0] =	ssyncadd.tile.s32 @!p0 $0x1;
	_ =	shalt  }
.Lfunc_end2:
_tile_overlayer_lowered:
.L_overlay_start_2:
0x90: {  	(tag) =	ssettag $0x2  }
0x91: {  	s0 =	rddreg [dreg:$0x0];
	s2 =	stileid.u32  }
0x92: {  	s1 =	rddreg [dreg:$0x1];
	p0 =	sne.s32 s2, $0x0  }
0x93: {  	s3 =	rddreg [dreg:$0x2];
	[bflag:$0x3] =	sbarrier.arrive $0xFFFF;
	s2 =	simm.s32 @!p0 $0x1C03  }
0x94: {  	[timem:s3], [sflag:s2] =	dma.local @!p0 [hbm:s0], s1  }
0x95: {  	s0 =	simm.s32 @!p0 $0x3  }
0x96: {  	_ =	swait.ge @!p0 [sflag:s0], s1  }
0x97: {  	s1 =	ssub.s32 @!p0 $0x0, s1;
	[sflag:s0] =	ssyncset.done @!p0 $0x0  }
0x98: {  	[sflag:s0] =	ssyncadd.s32 @!p0 s1  }
0x99: {  	[bflag:$0x3] =	sbarrier.arrive $0xFFFF  }
0x9a: {  	_ =	shalt  }

// kernel: kernel.19.cloned.1.call-start
scs
__scs_entry_jumppad:
0x0: {  	(pc) =	sbr.rel $0x88, $3  }
0x1: {  	(tag) =	ssettag $0x0;
	lr =	simm.s32 $0x1  }
0x2: {  	[smem:$0x3F96] =	sst lr;
	_ =	strace $0xD0000000  }
0x3: {  	_ = 	snop  }
0x4: {  	_ = 	snop  }
0x5: {  	_ = 	snop  }
0x6: {  	_ = 	snop  }
0x7: {  	_ = 	snop  }
__scs_overlays_trampoline_lowered:
0x8: {  	[smem:$0x3FA5] =	sst s0  }
0x9: {  	[smem:$0x3FA6] =	sst s1  }
0xa: {  	[smem:$0x3FA7] =	sst s2  }
0xb: {  	[smem:$0x3FA8] =	sst s3  }
0xc: {  	[smem:$0x3FA9] =	sst s4  }
0xd: {  	[smem:$0x3FAA] =	sst s5  }
0xe: {  	[smem:$0x3FAB] =	sst s6  }
0xf: {  	[smem:$0x3FAC] =	sst s7  }
0x10: {  	[smem:$0x3FAD] =	sst s8  }
0x11: {  	[smem:$0x3FAE] =	sst s9;
	s0 =	simm.s32 @!p0 $0x0  }
0x12: {  	s1 =	sld [smem:$0x3F94];
	s0 =	simm.s32 @p0 $0x1  }
0x13: {  	[smem:$0x3FAF] =	sst s0;
	s0 =	simm.s32 @!p1 $0x0  }
0x14: {  	s2 =	sld [smem:$0x3F93];
	s0 =	simm.s32 @p1 $0x1  }
0x15: {  	[smem:$0x3FB0] =	sst s0;
	s0 =	simm.s32 @!p2 $0x0  }
0x16: {  	s3 =	sld [smem:$0x3FDB];
	s0 =	simm.s32 @p2 $0x1  }
0x17: {  	s4 =	simm.s32 $0x1BF5;
	[smem:$0x3FB2] =	sst s0  }
0x18: {  	s0 =	sld [smem:$0x3F95];
	_ =	swait.ge [sflag:s4], $0x0  }
0x19: {  	s7 =	sld [smem:$0x3F96]  }
0x1a: {  	s8 =	sadd.s32 $0xFFFFE003, lr  }
0x1b: {  	s9 =	sadd.s32 $0xFFFFFEF7, lr;
	s5 =	simm.s32 $0xFFFFFFFF;
	p2 =	slt.u32 s8, $0xFFFFF086  }
0x1c: {  	p1 =	slt.u32 s9, $0xF7A;
	s5 =	simm.s32 @!p2 $0x0  }
0x1d: {  	s5 =	simm.s32 @p1 $0x1;
	p0 =	seq.s32 s7, s2  }
0x1e: {  	s7 =	smul.u32 @!p0 $0xF7A, s2;
	p2 =	seq.s32 @!p0 s5, $0x0  }
0x1f: {  	s9 =	smul.u32 $0xF7A, s1;
	s8 =	simm.s32 @!p0 $0x1BF5;
	p2 =	por !p2, p0  }
0x20: {  	[sflag:s8] =	ssyncset.s32 @!p0 $0xFFFFF086;
	s6 =	sadd.s32 @!p0 s3, s7;
	s7 =	simm.s32 @!p0 $0x108  }
0x21: {  	s3 =	sadd.s32 s3, s9;
	s6 =	sadd.s32 @!p0 $0x88, s6;
	s7 =	simm.s32 @p2 $0x1082  }
0x22: {  	[simem:s7], [sflag:s8] =	dma.local @!p0 [hbm:s6], $0xF7A  }
0x23: {  	s9 =	sor.u32 $0xD0000000, s2;
	s6 =	simm.s32 $0x108;
	_ =	swait.ge @!p0 [sflag:s8], $0x0  }
0x24: {  	s3 =	sadd.s32 $0x88, s3;
	s6 =	simm.s32 @!p1 $0x1082;
	[sflag:s4] =	ssyncset.s32 $0xFFFFF086  }
0x25: {  	[simem:s6], [sflag:s4] =	dma.local [hbm:s3], $0xF7A  }
0x26: {  	[smem:$0x3F96] =	sst s1;
	(tag) =	ssettag s2;
	_ =	strace s9  }
0x27: {  	s1 =	sld [smem:$0x3FA6]  }
0x28: {  	s2 =	sld [smem:$0x3FA7]  }
0x29: {  	s4 =	sld [smem:$0x3FA9]  }
0x2a: {  	p0 =	seq.s32 s5, $0x0;
	s5 =	sld [smem:$0x3FAA]  }
0x2b: {  	s6 =	sld [smem:$0x3FAB]  }
0x2c: {  	s7 =	sld [smem:$0x3FAC]  }
0x2d: {  	s3 =	simm.s32 $0x108;
	s8 =	sld [smem:$0x3FAD]  }
0x2e: {  	s3 =	simm.s32 @!p0 $0x1082;
	s9 =	sld [smem:$0x3FAE]  }
0x2f: {  	lr =	sadd.s32 s0, s3;
	s0 =	sld [smem:$0x3FA5]  }
0x30: {  	s3 =	sld [smem:$0x3FA8]  }
0x31: {  	[smem:$0x3FB1] =	sst s10  }
0x32: {  	s10 =	sld [smem:$0x3FAF];
	_ =	sdelay $0x3  }
0x33: {  	p0 =	seq.s32 s10, $0x1;
	s10 =	sld [smem:$0x3FB1];
	_ =	sdelay $0x3  }
0x34: {  	[smem:$0x3FB1] =	sst s10  }
0x35: {  	s10 =	sld [smem:$0x3FB0];
	_ =	sdelay $0x3  }
0x36: {  	p1 =	seq.s32 s10, $0x1;
	s10 =	sld [smem:$0x3FB1];
	_ =	sdelay $0x3  }
0x37: {  	[smem:$0x3FB1] =	sst s10  }
0x38: {  	s10 =	sld [smem:$0x3FB2]  }
0x39: {  	_ = 	snop;
	(pc) =	sbr.ind lr, $3  }
0x3a: {  	_ = 	snop  }
0x3b: {  	_ = 	snop  }
0x3c: {  	p2 =	seq.s32 s10, $0x1;
	s10 =	sld [smem:$0x3FB1]  }
0x3d: {  	_ =	shalt  }
0x3e: {  	_ =	shalt  }
0x3f: {  	_ =	shalt  }
0x40: {  	_ =	shalt  }
0x41: {  	_ =	shalt  }
0x42: {  	_ =	shalt  }
0x43: {  	_ =	shalt  }
0x44: {  	_ =	shalt  }
0x45: {  	_ =	shalt  }
0x46: {  	_ =	shalt  }
0x47: {  	_ =	shalt  }
0x48: {  	_ =	shalt  }
0x49: {  	_ =	shalt  }
0x4a: {  	_ =	shalt  }
0x4b: {  	_ =	shalt  }
0x4c: {  	_ =	shalt  }
0x4d: {  	_ =	shalt  }
0x4e: {  	_ =	shalt  }
0x4f: {  	_ =	shalt  }
0x50: {  	_ =	shalt  }
0x51: {  	_ =	shalt  }
0x52: {  	_ =	shalt  }
0x53: {  	_ =	shalt  }
0x54: {  	_ =	shalt  }
0x55: {  	_ =	shalt  }
0x56: {  	_ =	shalt  }
0x57: {  	_ =	shalt  }
0x58: {  	_ =	shalt  }
0x59: {  	_ =	shalt  }
0x5a: {  	_ =	shalt  }
0x5b: {  	_ =	shalt  }
0x5c: {  	_ =	shalt  }
0x5d: {  	_ =	shalt  }
0x5e: {  	_ =	shalt  }
0x5f: {  	_ =	shalt  }
0x60: {  	_ =	shalt  }
0x61: {  	_ =	shalt  }
0x62: {  	_ =	shalt  }
0x63: {  	_ =	shalt  }
0x64: {  	_ =	shalt  }
0x65: {  	_ =	shalt  }
0x66: {  	_ =	shalt  }
0x67: {  	_ =	shalt  }
0x68: {  	_ =	shalt  }
0x69: {  	_ =	shalt  }
0x6a: {  	_ =	shalt  }
0x6b: {  	_ =	shalt  }
0x6c: {  	_ =	shalt  }
0x6d: {  	_ =	shalt  }
0x6e: {  	_ =	shalt  }
0x6f: {  	_ =	shalt  }
0x70: {  	_ =	shalt  }
0x71: {  	_ =	shalt  }
0x72: {  	_ =	shalt  }
0x73: {  	_ =	shalt  }
0x74: {  	_ =	shalt  }
0x75: {  	_ =	shalt  }
0x76: {  	_ =	shalt  }
0x77: {  	_ =	shalt  }
0x78: {  	_ =	shalt  }
0x79: {  	_ =	shalt  }
0x7a: {  	_ =	shalt  }
0x7b: {  	_ =	shalt  }
0x7c: {  	_ =	shalt  }
0x7d: {  	_ =	shalt  }
0x7e: {  	_ =	shalt  }
0x7f: {  	_ =	shalt  }
0x80: {  	_ =	shalt  }
0x81: {  	_ =	shalt  }
0x82: {  	_ =	shalt  }
0x83: {  	_ =	shalt  }
0x84: {  	_ =	shalt  }
0x85: {  	_ =	shalt  }
0x86: {  	_ =	shalt  }
0x87: {  	_ =	shalt  }
.Lfunc_end0:
.L_simem_size_0:
called_computation.3_lowered:
.L_overlay_start_0:
0x88: {  	s2 =	sld [smem:$0x3FD9]  }
0x89: {  	s3 =	sld [smem:$0x3FFE];
	_ =	sdelay $0x1  }
0x8a: {  	s1 =	srdreg.scid  }
0x8b: {  	s0 =	sand.u32 $0x1, s1  }
0x8c: {  	s16 =	sshll.u32 s0, $0xA;
	s2 =	sadd.s32 s3, s2  }
0x8d: {  	s2 =	sadd.s32 s2, s16  }
0x8e: {  	[smem:$0x3FBD] =	sst s2  }
0x8f: {  	_ = 	snop  }
0x90: {  	(tm) =	ssettm $0x1  }
0x91: {  	s17 =	sld [smem:$0x3FFB];
	_ =	sdelay $0x3  }
0x92: {  	_ =	strace s17  }
0x93: {  	s2 =	sld [smem:$0x3FFC];
	_ =	sdelay $0x3  }
0x94: {  	_ =	strace s2  }
0x95: {  	s2 =	sld [smem:$0x3FFD];
	_ =	sdelay $0x3  }
0x96: {  	_ =	strace s2  }
0x97: {  	_ =	strace $0x8FFFFFFF  }
0x98: {  	s18 =	sld [smem:$0x3FDB];
	_ =	sdelay $0x1  }
0x99: {  	s19 =	simm.s32 $_scs_section_size  }
0x9a: {  	s4 =	simm.s32 $_size__tile_overlayer_lowered;
	s5 =	simm.s32 $_tile_overlayer_lowered  }
0x9b: {  	s22 =	simm.s32 $0x1BFF;
	s21 =	sshll.u32 s5, $0x1;
	s2 =	sadd.s32 s19, s18  }
0x9c: {  	s6 =	simm.s32 $0x0;
	s20 =	sshll.u32 s4, $0x1;
	s4 =	sadd.s32 s21, s2  }
0x9d: {  	[timem:s6], [sflag:s22] =	dma.local [hbm:s4], s20  }
0x9e: {  	_ =	swait.ge [sflag:s22], s20  }
0x9f: {  	s3 =	ssub.s32 $0x0, s20;
	[sflag:s22] =	ssyncset.done $0x0  }
0xa0: {  	[sflag:s22] =	ssyncadd.s32 s3;
	_ =	sdelay $0x1  }
0xa1: {  	s23 =	simm.s32 $0x1B8B  }
0xa2: {  	_ =	swait.ge [sflag:s23], $0x1  }
0xa3: {  	[sflag:s23] =	ssyncset.done $0x0  }
0xa4: {  	s25 =	simm.s32 $0x1B8E;
	s24 =	sld [smem:$0x3FFE];
	[sflag:s23] =	ssyncadd.s32 $0xFFFFFFFF  }
0xa5: {  	s26 =	simm.s32 $execute0_lowered;
	[smem:$0x3FD2] =	sst s25  }
0xa6: {  	s4 =	sshll.u32 s26, $0x1;
	_ =	strace $0x8000004F;
	[dreg:$0x1] =	wrdreg $0xFFFFFFFF  }
0xa7: {  	s28 =	simm.s32 $_size_execute0_lowered;
	s2 =	sadd.s32 s2, s4;
	[dreg:$0x0] =	wrdreg $0x0  }
0xa8: {  	s4 =	sshll.u32 s28, $0x1;
	[dreg:$0x2] =	wrdreg s2  }
0xa9: {  	[dreg:$0x3] =	wrdreg s4  }
0xaa: {  	[dreg:$0x4] =	wrdreg $0xC0  }
0xab: {  	_ =	task [dreg:s6], $0x5FFFF  }
0xac: {  	[dreg:$0x1] =	wrdreg $0xFFFFFFFF  }
0xad: {  	[dreg:$0x0] =	wrdreg $0x60  }
0xae: {  	[dreg:$0x2] =	wrdreg s24  }
0xaf: {  	[dreg:$0x3] =	wrdreg $0xA9000  }
0xb0: {  	[dreg:$0x4] =	wrdreg $0x9  }
0xb1: {  	_ =	task.clear_ibuf [dreg:s6], $0x5FFFF;
	_ =	strace $0x9000004F  }
0xb2: {  	s29 =	simm.s32 $0x9;
	_ =	strace $0x80000051  }
0xb3: {  	_ =	swait.ge [sflag:s29], $0x1  }
0xb4: {  	[sflag:s29] =	ssyncadd.s32 $0xFFFFFFFF  }
0xb5: {  	_ =	strace $0x90000051  }
0xb6: {  	_ =	sfence  }
0xb7: {  	s30 =	sld [smem:$0x0];
	_ =	sdelay $0x2  }
0xb8: {  	s31 =	sshll.u32 s1, $0xD;
	s1 =	sshrl.u32 s1, $0x2  }
0xb9: {  	s3 =	sand.u32 $0x4000, s31;
	s1 =	sadd.s32 s1, s30  }
0xba: {  	s0 =	sor.u32 s3, s0;
	s1 =	sshll.u32 s1, $0x11  }
0xbb: {  	s0 =	sor.u32 s1, s0  }
0xbc: {  	s0 =	sadd.s32 $0x8F2B, s0  }
0xbd: {  	[sflag:s0] =	ssyncadd.remote.s32 $0x1  }
0xbe: {  	_ =	sfence.sel $0xFFFF  }
0xbf: {  	[dreg:$0x0] =	wrdreg $0xFFFFFFFF;
	(pc) =	sbr.abs _section_cstart, $3  }
0xc0: {  	[dreg:$0x1] =	wrdreg $0xFFFFFFFF  }
0xc1: {  	_ =	task.clear_ibuf [dreg:s6], $0x2FFFF;
	_ =	strace $0x9FFFFFFF  }
0xc2: {  	(tm) =	ssettm $0x7FFFFFFF  }
0xc3: {  	_ =	shalt  }
tec
execute0_lowered:
.L_overlay_start_1:
0x0: {  	(tag) =	ssettag $0x1  }
0x1: {  	s7 =	rddreg [dreg:$0x0]  }
0x2: {  	s0 =	srdreg.scid;
	s2 =	rddreg [dreg:$0x1]  }
0x3: {  	s29 =	stileid.u32;
	s3 =	simm.s32 $0x0;
	s17 =	simm.s32 $0x3  }
0x4: {  	s18 =	simm.s32 $0x2900;
	s19 =	simm.s32 $0x2800;
	s20 =	simm.s32 $0x2880  }
0x5: {  	s21 =	simm.s32 $0x6900;
	s22 =	simm.s32 $0x1;
	s5 =	smul.u32 $0x2800, s29  }
0x6: {  	s23 =	simm.s32 $0x80;
	s24 =	simm.s32 $0x2;
	s10 =	smul.u32 $0x14000, s29  }
0x7: {  	s26 =	simm.s32 $0x2780;
	s8 =	sand.u32 $0x1, s0;
	s11 =	smul.u32 $0x50000, s29  }
0x8: {  	s28 =	simm.s32 $0x0;
	[smem:$0x7FF] =	sst s3;
	s4 =	smul.u32 $0x28000, s8  }
0x9: {  	s6 =	sadd.s32 $0x5D000, s7;
	s9 =	smul.u32 $0x140000, s8;
	s8 =	ssub.s32 $0x2, s8  }
0xa: {  	_ =	strace $0x80000050;
	s30 =	sshrl.u32 s11, $0x2;
	s31 =	sshrl.u32 s8, $0x1  }
0xb: {  	s4 =	sadd.s32 s5, s4;
	s5 =	sadd.s32 $0xD000, s7;
	s9 =	sadd.s32 s10, s9  }
0xc: {  	s16 =	ssub.s32 s8, s31;
	s12 =	sshrl.u32 s4, $0x3;
	s9 =	sshrl.u32 s9, $0x3  }
0xd: {  	s16 =	smax.u32 s16, $0x1;
	s13 =	sadd.s32 s12, s7;
	s15 =	sadd.s32 s9, s7  }
0xe: {  	s7 =	sadd.s32 s30, s2;
	s12 =	sadd.s32 s6, s12;
	s8 =	sadd.s32 $0x3000, s13  }
0xf: {  	s9 =	sadd.s32 $0x4000, s7;
	s10 =	sadd.s32 $0x8000, s7;
	s11 =	sadd.s32 $0xC000, s7  }
0x10: {  	v0 =	vimm.f32 $0.0e+00;
	s13 =	sadd.s32 $0x10000, s7;
	s14 =	sadd.s32 $0x10, s12;
	s15 =	sadd.s32 $0x67000, s15  }
.LBB2_1:
0x11: {  	[tilespmem:s3], [sflag:$0x3] =	stream.linear.gather [hbm4b:s8+s3], $0x2800, $0x38;
	[tilespmem:$0x1E900] =	vst v63  }
0x12: {  	_ =	swait.ge [sflag:s17], $0x2800  }
0x13: {  	[sflag:s17] =	ssyncset.done $0x0  }
0x14: {  	s29 =	simm.s32 $0x0;
	s30 =	simm.s32 $0x200;
	[sflag:s17] =	ssyncadd.s32 $0xFFFFD800  }
.LBB2_2:
0x15: {  	p0 =	sne.s32 s30, $0xFE00;
	[tilespmem:s29+$0x2970] =	vst v0  }
0x16: {  	[tilespmem:s29+$0x2900] =	vst v0  }
0x17: {  	[tilespmem:s29+$0x2910] =	vst v0  }
.Ltmp0:
0x18: {  	[tilespmem:s29+$0x2920] =	vst v0;
	(pc) =	sbr.rel @p0 .LBB2_2-.Ltmp0, $4  }
0x19: {  	[tilespmem:s29+$0x2930] =	vst v0  }
0x1a: {  	[tilespmem:s29+$0x2940] =	vst v0  }
0x1b: {  	[tilespmem:s29+$0x2950] =	vst v0  }
0x1c: {  	[tilespmem:s29+$0x2960] =	vst v0;
	s29 =	sshra.s32 s30, $0x2;
	s30 =	sadd.s32 $0x200, s30  }
0x1d: {  	[tilespmem:s29+$0x2970] =	vst v0  }
0x1e: {  	[tilespmem:s29+$0x2900] =	vst v0  }
0x1f: {  	[tilespmem:s29+$0x2910] =	vst v0  }
0x20: {  	[tilespmem:s29+$0x2920] =	vst v0  }
0x21: {  	[tilespmem:s29+$0x2930] =	vst v0  }
0x22: {  	[tilespmem:s29+$0x2940] =	vst v0  }
0x23: {  	[tilespmem:s29+$0x2950] =	vst v0  }
0x24: {  	[tilespmem:s29+$0x2960] =	vst v0  }
0x25: {  	[spmem:s7] =	stream.linear.scatter [tilespmem:s18], [sflag:$0x3], $0x4000, $0x38;
	[tilespmem:$0x1E900] =	vst v63  }
0x26: {  	_ =	swait.ge [sflag:s17], $0x4000  }
0x27: {  	[sflag:s17] =	ssyncset.done $0x0  }
0x28: {  	[sflag:s17] =	ssyncadd.s32 $0xFFFFC000  }
0x29: {  	[spmem:s9] =	stream.linear.scatter [tilespmem:s18], [sflag:$0x3], $0x4000, $0x38;
	[tilespmem:$0x1E900] =	vst v63  }
0x2a: {  	_ =	swait.ge [sflag:s17], $0x4000  }
0x2b: {  	[sflag:s17] =	ssyncset.done $0x0  }
0x2c: {  	[sflag:s17] =	ssyncadd.s32 $0xFFFFC000  }
0x2d: {  	[spmem:s10] =	stream.linear.scatter [tilespmem:s18], [sflag:$0x3], $0x4000, $0x38;
	[tilespmem:$0x1E900] =	vst v63  }
0x2e: {  	_ =	swait.ge [sflag:s17], $0x4000  }
0x2f: {  	[sflag:s17] =	ssyncset.done $0x0  }
0x30: {  	[sflag:s17] =	ssyncadd.s32 $0xFFFFC000  }
0x31: {  	[spmem:s11] =	stream.linear.scatter [tilespmem:s18], [sflag:$0x3], $0x4000, $0x38;
	[tilespmem:$0x1E900] =	vst v63  }
0x32: {  	_ =	swait.ge [sflag:s17], $0x4000  }
0x33: {  	[sflag:s17] =	ssyncset.done $0x0  }
0x34: {  	[sflag:s17] =	ssyncadd.s32 $0xFFFFC000  }
0x35: {  	[spmem:s13] =	stream.linear.scatter [tilespmem:s18], [sflag:$0x3], $0x4000, $0x38;
	[tilespmem:$0x1E900] =	vst v63  }
0x36: {  	_ =	swait.ge [sflag:s17], $0x4000  }
0x37: {  	[sflag:s17] =	ssyncset.done $0x0  }
0x38: {  	[sflag:s17] =	ssyncadd.s32 $0xFFFFC000  }
0x39: {  	[bflag:$0x0] =	sbarrier.arrive $0xFFFF  }
0x3a: {  	[tilespmem:s19], [sflag:$0x3] =	stream.linear.gather [hbm4b:s12+s3], $0x80, $0x38;
	[tilespmem:$0x1E900] =	vst v63  }
0x3b: {  	_ =	swait.ge [sflag:s17], $0x80  }
0x3c: {  	[sflag:s17] =	ssyncset.done $0x0  }
0x3d: {  	s29 =	simm.s32 $0x80;
	[sflag:s17] =	ssyncadd.s32 $0xFFFFFF80  }
0x3e: {  	[tilespmem:s18], [sflag:$0x1] =	stream.indirect.gather [hbm4b:s5+s29], $0x80, s19, s29, $0xb8;
	[tilespmem:$0x1E900] =	vst v63  }
0x3f: {  	_ = 	snop  }
0x40: {  	[tilespmem:s20], [sflag:$0x3] =	stream.linear.gather [hbm4b:s14+s3], $0x80, $0x38;
	[tilespmem:$0x1E900] =	vst v63  }
0x41: {  	_ =	swait.ge [sflag:s17], $0x80  }
0x42: {  	[sflag:s17] =	ssyncset.done $0x0  }
0x43: {  	[sflag:s17] =	ssyncadd.s32 $0xFFFFFF80  }
0x44: {  	[tilespmem:s21], [sflag:$0x2] =	stream.indirect.gather [hbm4b:s5+s29], $0x80, s20, s29, $0xb8;
	[tilespmem:$0x1E900] =	vst v63  }
0x45: {  	s30 =	simm.s32 $0x100;
	_ =	swait.ge [sflag:s22], $0x4000  }
0x46: {  	s31 =	simm.s32 $0x0;
	s0 =	sand.u32 $0x7C00, s30;
	[sflag:s22] =	ssyncset.done $0x0  }
0x47: {  	s30 =	sand.u32 $0x300, s30;
	s0 =	sadd.s32 s4, s0;
	[sflag:s22] =	ssyncadd.s32 $0xFFFFC000  }
0x48: {  	[spmem:s2] =	stream.indirect.scatter.add.f32 [tilespmem:s18], [sflag:$0x3], $0x80, s31, s23, $0xb8;
	[tilespmem:$0x1E900] =	vst v63  }
0x49: {  	s0 =	sor.u32 s30, s0;
	_ =	swait.ge [sflag:s17], $0x4000  }
0x4a: {  	s0 =	sshrl.u32 s0, $0x3;
	[sflag:s17] =	ssyncset.done $0x0  }
0x4b: {  	s0 =	sadd.s32 s6, s0;
	[sflag:s17] =	ssyncadd.s32 $0xFFFFC000  }
0x4c: {  	[tilespmem:s19], [sflag:$0x3] =	stream.linear.gather [hbm4b:s0+s3], $0x80, $0x38;
	[tilespmem:$0x1E900] =	vst v63  }
0x4d: {  	_ =	swait.ge [sflag:s17], $0x80  }
0x4e: {  	[sflag:s17] =	ssyncset.done $0x0  }
0x4f: {  	[sflag:s17] =	ssyncadd.s32 $0xFFFFFF80  }
0x50: {  	[tilespmem:s18], [sflag:$0x1] =	stream.indirect.gather [hbm4b:s5+s23], $0x80, s19, s23, $0xb8;
	[tilespmem:$0x1E900] =	vst v63  }
0x51: {  	s31 =	simm.s32 $0x180;
	_ =	swait.ge [sflag:s24], $0x4000  }
0x52: {  	s30 =	sand.u32 $0x7C00, s31;
	[sflag:s24] =	ssyncset.done $0x0  }
0x53: {  	s30 =	sadd.s32 s4, s30;
	s0 =	sand.u32 $0x380, s31;
	[sflag:s24] =	ssyncadd.s32 $0xFFFFC000  }
0x54: {  	[spmem:s2] =	stream.indirect.scatter.add.f32 [tilespmem:s21], [sflag:$0x3], $0x80, s29, s23, $0xb8;
	[tilespmem:$0x1E900] =	vst v63  }
0x55: {  	s0 =	sor.u32 s0, s30;
	_ =	swait.ge [sflag:s17], $0x4000  }
0x56: {  	s0 =	sshrl.u32 s0, $0x3;
	[sflag:s17] =	ssyncset.done $0x0  }
0x57: {  	s0 =	sadd.s32 s6, s0;
	[sflag:s17] =	ssyncadd.s32 $0xFFFFC000  }
0x58: {  	[tilespmem:s20], [sflag:$0x3] =	stream.linear.gather [hbm4b:s0+s3], $0x80, $0x38;
	[tilespmem:$0x1E900] =	vst v63  }
0x59: {  	_ =	swait.ge [sflag:s17], $0x80  }
0x5a: {  	s30 =	simm.s32 $0x280;
	[sflag:s17] =	ssyncset.done $0x0  }
.LBB2_4:
0x5b: {  	p0 =	sne.s32 s30, $0x2780  }
0x5c: {  	[sflag:s17] =	ssyncadd.s32 $0xFFFFFF80;
	s29 =	sadd.s32 $0x100, s29;
	s0 =	smov.u32 s30  }
0x5d: {  	[tilespmem:s21], [sflag:$0x2] =	stream.indirect.gather [hbm4b:s5+s23], $0x80, s20, s23, $0xb8;
	[tilespmem:$0x1E900] =	vst v63  }
0x5e: {  	s1 =	sadd.s32 $0xFFFFFF80, s30;
	s31 =	sadd.s32 $0xFFFFFF80, s29;
	_ =	swait.ge [sflag:s22], $0x4000  }
0x5f: {  	s25 =	sand.u32 $0x7C00, s1;
	s1 =	sand.u32 $0x300, s1;
	[sflag:s22] =	ssyncset.done $0x0  }
0x60: {  	s30 =	sadd.s32 $0x100, s30;
	s25 =	sadd.s32 s4, s25;
	[sflag:s22] =	ssyncadd.s32 $0xFFFFC000  }
0x61: {  	[spmem:s2] =	stream.indirect.scatter.add.f32 [tilespmem:s18], [sflag:$0x3], $0x80, s31, s23, $0xb8;
	[tilespmem:$0x1E900] =	vst v63  }
0x62: {  	s1 =	sor.u32 s1, s25;
	_ =	swait.ge [sflag:s17], $0x4000  }
0x63: {  	s1 =	sshrl.u32 s1, $0x3;
	[sflag:s17] =	ssyncset.done $0x0  }
0x64: {  	s1 =	sadd.s32 s6, s1;
	[sflag:s17] =	ssyncadd.s32 $0xFFFFC000  }
0x65: {  	[tilespmem:s19], [sflag:$0x3] =	stream.linear.gather [hbm4b:s1+s3], $0x80, $0x38;
	[tilespmem:$0x1E900] =	vst v63  }
0x66: {  	_ =	swait.ge [sflag:s17], $0x80  }
0x67: {  	[sflag:s17] =	ssyncset.done $0x0  }
0x68: {  	[sflag:s17] =	ssyncadd.s32 $0xFFFFFF80  }
0x69: {  	[tilespmem:s18], [sflag:$0x1] =	stream.indirect.gather [hbm4b:s5+s23], $0x80, s19, s23, $0xb8;
	[tilespmem:$0x1E900] =	vst v63  }
0x6a: {  	_ =	swait.ge [sflag:s24], $0x4000  }
0x6b: {  	s1 =	sand.u32 $0x7C00, s0;
	[sflag:s24] =	ssyncset.done $0x0  }
0x6c: {  	s0 =	sand.u32 $0x380, s0;
	s1 =	sadd.s32 s4, s1;
	[sflag:s24] =	ssyncadd.s32 $0xFFFFC000  }
0x6d: {  	[spmem:s2] =	stream.indirect.scatter.add.f32 [tilespmem:s21], [sflag:$0x3], $0x80, s29, s23, $0xb8;
	[tilespmem:$0x1E900] =	vst v63  }
0x6e: {  	s0 =	sor.u32 s0, s1;
	_ =	swait.ge [sflag:s17], $0x4000  }
.Ltmp1:
0x6f: {  	s0 =	sshrl.u32 s0, $0x3;
	[sflag:s17] =	ssyncset.done $0x0;
	(pc) =	sbr.rel @p0 .LBB2_4-.Ltmp1, $4  }
0x70: {  	s0 =	sadd.s32 s6, s0;
	[sflag:s17] =	ssyncadd.s32 $0xFFFFC000  }
0x71: {  	[tilespmem:s20], [sflag:$0x3] =	stream.linear.gather [hbm4b:s0+s3], $0x80, $0x38;
	[tilespmem:$0x1E900] =	vst v63  }
0x72: {  	_ =	swait.ge [sflag:s17], $0x80  }
0x73: {  	[sflag:s17] =	ssyncset.done $0x0  }
0x74: {  	[sflag:s17] =	ssyncadd.s32 $0xFFFFFF80  }
0x75: {  	[tilespmem:s21], [sflag:$0x2] =	stream.indirect.gather [hbm4b:s5+s23], $0x80, s20, s23, $0xb8;
	[tilespmem:$0x1E900] =	vst v63  }
0x76: {  	_ =	swait.ge [sflag:s22], $0x4000  }
0x77: {  	[sflag:s22] =	ssyncset.done $0x0  }
0x78: {  	s0 =	simm.s32 $0x2700;
	[sflag:s22] =	ssyncadd.s32 $0xFFFFC000  }
0x79: {  	[spmem:s2] =	stream.indirect.scatter.add.f32 [tilespmem:s18], [sflag:$0x3], $0x80, s0, s23, $0xb8;
	[tilespmem:$0x1E900] =	vst v63  }
0x7a: {  	_ =	swait.ge [sflag:s17], $0x4000  }
0x7b: {  	[sflag:s17] =	ssyncset.done $0x0  }
0x7c: {  	[sflag:s17] =	ssyncadd.s32 $0xFFFFC000  }
0x7d: {  	_ =	swait.ge [sflag:s24], $0x4000  }
0x7e: {  	[sflag:s24] =	ssyncset.done $0x0  }
0x7f: {  	[sflag:s24] =	ssyncadd.s32 $0xFFFFC000  }
0x80: {  	[spmem:s2] =	stream.indirect.scatter.add.f32 [tilespmem:s21], [sflag:$0x3], $0x80, s26, s23, $0xb8;
	[tilespmem:$0x1E900] =	vst v63  }
0x81: {  	s31 =	stileid.u32;
	_ =	swait.ge [sflag:s17], $0x4000  }
0x82: {  	s1 =	sshrl.u32 s7, $0x3;
	s28 =	sadd.s32 $0x1, s28;
	[sflag:s17] =	ssyncset.done $0x0  }
0x83: {  	p0 =	sne.s32 s28, s16;
	s0 =	sshll.u32 s31, $0x6;
	[sflag:s17] =	ssyncadd.s32 $0xFFFFC000  }
.Ltmp2:
0x84: {  	s0 =	sor.u32 $0x1C03, s0;
	[bflag:$0x0] =	sbarrier.arrive $0xFFFF;
	(pc) =	sbr.rel @p0 .LBB2_1-.Ltmp2, $4  }
0x85: {  	[hbm:s15], [sflag:s0] =	dma.local [spmem:s1], $0x2800  }
0x86: {  	_ =	swait.ge [sflag:s17], $0x2800  }
0x87: {  	[sflag:s17] =	ssyncset.done $0x0  }
0x88: {  	[sflag:s17] =	ssyncadd.s32 $0xFFFFD800  }
0x89: {  	_ =	sfence.sel $0x180000  }
0x8a: {  	[bflag:$0x0] =	sbarrier.arrive $0xFFFF  }
0x8b: {  	_ =	strace $0x90000050  }
0x8c: {  	s0 =	stileid.u32;
	[bflag:$0x2] =	sbarrier.arrive $0xFFFF  }
0x8d: {  	p0 =	sne.s32 s0, $0x0;
	s0 =	rddreg [dreg:$0x2]  }
0x8e: {  	s0 =	sadd.s32 @!p0 $0x100000, s0  }
0x8f: {  	[sflag:s0] =	ssyncadd.tile.s32 @!p0 $0x1;
	_ =	shalt  }
.Lfunc_end2:
_tile_overlayer_lowered:
.L_overlay_start_2:
0x90: {  	(tag) =	ssettag $0x2  }
0x91: {  	s0 =	rddreg [dreg:$0x0];
	s2 =	stileid.u32  }
0x92: {  	s1 =	rddreg [dreg:$0x1];
	p0 =	sne.s32 s2, $0x0  }
0x93: {  	s3 =	rddreg [dreg:$0x2];
	[bflag:$0x3] =	sbarrier.arrive $0xFFFF;
	s2 =	simm.s32 @!p0 $0x1C03  }
0x94: {  	[timem:s3], [sflag:s2] =	dma.local @!p0 [hbm:s0], s1  }
0x95: {  	s0 =	simm.s32 @!p0 $0x3  }
0x96: {  	_ =	swait.ge @!p0 [sflag:s0], s1  }
0x97: {  	s1 =	ssub.s32 @!p0 $0x0, s1;
	[sflag:s0] =	ssyncset.done @!p0 $0x0  }
0x98: {  	[sflag:s0] =	ssyncadd.s32 @!p0 s1  }
0x99: {  	[bflag:$0x3] =	sbarrier.arrive $0xFFFF  }
0x9a: {  	_ =	shalt  }

</sc_bundles>
